<compile_context>
chip_gen: v7x
topology: tpu7x:2x2x1
jax: 0.10.2.dev20260603
libtpu: 0.0.44.dev20260713+nightly
codegen_flags: <defaults>
</compile_context>

<pallas_src>
import functools

import jax
import jax.numpy as jnp
from jax import lax
from jax.experimental import pallas as pl
from jax.experimental.pallas import tpu as pltpu
from jax.experimental.pallas import tpu_sc as plsc

N = 10000
E = 160000
IN = 128
H = 8
ED = 16
G = 16
EMB = 64
HN = H * IN
HH = H * H
D = 16

NC = 2
NS = 16
NW = NC * NS
CHUNK = 128
NCH = E // CHUNK
ZSTR = 1000
NZT = N // ZSTR

_MESH = plsc.VectorSubcoreMesh(core_axis_name="c", subcore_axis_name="s")
_SC_PARAMS = pltpu.CompilerParams(use_tc_tiling_on_sc=False)



def _sc_gather(table, idx3):
    n, d = table.shape
    dt = table.dtype

    @functools.partial(
        pl.kernel,
        out_type=jax.ShapeDtypeStruct((E, d), dt),
        mesh=_MESH,
        compiler_params=_SC_PARAMS,
        scratch_types=[
            pltpu.VMEM((1, CHUNK), jnp.int32),
            pltpu.VMEM((CHUNK, d), dt),
            pltpu.SemaphoreType.DMA,
        ],
    )
    def gk(tab_hbm, idx_hbm, out_hbm, idx_v, buf, sem):
        wid = lax.axis_index("s") * NC + lax.axis_index("c")
        nchw = (NCH - wid + NW - 1) // NW

        def body(t, carry):
            c = wid + t * NW
            pltpu.sync_copy(idx_hbm.at[c], idx_v)
            pltpu.async_copy(tab_hbm.at[idx_v.at[0]], buf, sem).wait()
            pltpu.sync_copy(buf, out_hbm.at[pl.ds(c * CHUNK, CHUNK)])
            return carry

        lax.fori_loop(0, nchw, body, 0)

    return gk(table, idx3)


def _sc_scatter_add(msg, idx3, zrows):

    @functools.partial(
        pl.kernel,
        out_type=jax.ShapeDtypeStruct((NC, N, D), jnp.float32),
        mesh=_MESH,
        compiler_params=_SC_PARAMS,
        scratch_types=[
            pltpu.VMEM((1, CHUNK), jnp.int32),
            pltpu.VMEM((CHUNK, D), jnp.float32),
            pltpu.VMEM((ZSTR, D), jnp.float32),
            pltpu.VMEM_SHARED((N, D), jnp.float32),
        ],
    )
    def sk(msg_hbm, idx_hbm, z_hbm, out_hbm, idx_v, msg_v, tmp_v, acc_sh):
        cid = lax.axis_index("c")
        sid = lax.axis_index("s")
        wid = sid * NC + cid
        nchw = (NCH - wid + NW - 1) // NW

        @pl.when(sid < NZT)
        def _zero():
            pltpu.sync_copy(z_hbm.at[pl.ds(sid * ZSTR, ZSTR)], tmp_v)
            pltpu.sync_copy(tmp_v, acc_sh.at[pl.ds(sid * ZSTR, ZSTR)])

        plsc.subcore_barrier()

        def body(t, carry):
            c = wid + t * NW
            pltpu.sync_copy(idx_hbm.at[c], idx_v)
            pltpu.sync_copy(msg_hbm.at[pl.ds(c * CHUNK, CHUNK)], msg_v)
            pltpu.sync_copy(msg_v, acc_sh.at[idx_v.at[0]], add=True)
            return carry

        lax.fori_loop(0, nchw, body, 0)
        plsc.subcore_barrier()

        @pl.when(sid < NZT)
        def _out():
            pltpu.sync_copy(acc_sh.at[pl.ds(sid * ZSTR, ZSTR)], tmp_v)
            pltpu.sync_copy(tmp_v, out_hbm.at[cid].at[pl.ds(sid * ZSTR, ZSTR)])

    return sk(msg, idx3, zrows)



_EB = 4000
_NB = 1000


def _edge_l1(ea, xg, wa, ba, wbp_bf, bbp, p1):
    grid = (E // _EB,)

    def body(ea_ref, xg_ref, wa_ref, ba_ref, wb_ref, bb_ref, p_ref, out_ref):
        h = jnp.dot(ea_ref[...], wa_ref[...],
                    preferred_element_type=jnp.float32)
        h = jnp.maximum(h + ba_ref[...], 0.0).astype(jnp.bfloat16)
        w = jnp.dot(h, wb_ref[...],
                    preferred_element_type=jnp.float32) + bb_ref[...]
        xt = jnp.concatenate([xg_ref[...]] * H, axis=1)
        m = w.astype(jnp.bfloat16) * xt
        msg = jnp.dot(m, p_ref[...], preferred_element_type=jnp.float32)
        out_ref[...] = jnp.concatenate([msg, jnp.zeros_like(msg)], axis=1)

    return pl.pallas_call(
        body,
        grid=grid,
        in_specs=[
            pl.BlockSpec((_EB, ED), lambda i: (i, 0)),
            pl.BlockSpec((_EB, IN), lambda i: (i, 0)),
            pl.BlockSpec((ED, HN), lambda i: (0, 0)),
            pl.BlockSpec((1, HN), lambda i: (0, 0)),
            pl.BlockSpec((HN, HN), lambda i: (0, 0)),
            pl.BlockSpec((1, HN), lambda i: (0, 0)),
            pl.BlockSpec((HN, H), lambda i: (0, 0)),
        ],
        out_specs=pl.BlockSpec((_EB, D), lambda i: (i, 0)),
        out_shape=jax.ShapeDtypeStruct((E, D), jnp.float32),
    )(ea, xg, wa, ba, wbp_bf, bbp, p1)


def _edge_l2(ea, o1g, wa, ba, wbp, bbp, p2):
    grid = (E // _EB,)

    def body(ea_ref, o1_ref, wa_ref, ba_ref, wb_ref, bb_ref, p_ref, out_ref):
        h = jnp.dot(ea_ref[...], wa_ref[...], preferred_element_type=jnp.float32)
        h = jnp.maximum(h + ba_ref[...], 0.0)
        w = jnp.dot(h, wb_ref[...], preferred_element_type=jnp.float32) + bb_ref[...]
        msg = jnp.dot(w.astype(jnp.bfloat16) * o1_ref[...], p_ref[...],
                      preferred_element_type=jnp.float32)
        out_ref[...] = jnp.concatenate([msg, jnp.zeros_like(msg)], axis=1)

    return pl.pallas_call(
        body,
        grid=grid,
        in_specs=[
            pl.BlockSpec((_EB, ED), lambda i: (i, 0)),
            pl.BlockSpec((_EB, HH), lambda i: (i, 0)),
            pl.BlockSpec((ED, HH), lambda i: (0, 0)),
            pl.BlockSpec((1, HH), lambda i: (0, 0)),
            pl.BlockSpec((HH, HH), lambda i: (0, 0)),
            pl.BlockSpec((1, HH), lambda i: (0, 0)),
            pl.BlockSpec((HH, H), lambda i: (0, 0)),
        ],
        out_specs=pl.BlockSpec((_EB, D), lambda i: (i, 0)),
        out_shape=jax.ShapeDtypeStruct((E, D), jnp.float32),
    )(ea, o1g, wa, ba, wbp, bbp, p2)


def _ln_lrelu(a, g, bt):
    m = jnp.mean(a, axis=1, keepdims=True)
    v = jnp.mean((a - m) ** 2, axis=1, keepdims=True)
    y = (a - m) * lax.rsqrt(v + 1e-5) * g + bt
    return jnp.where(y >= 0, y, 0.1 * y)


def _node1(part, x, root, bias, g, bt):
    grid = (N // _NB,)

    def body(p_ref, x_ref, r_ref, b_ref, g_ref, bt_ref, out_ref):
        a = p_ref[0, :, :H] + p_ref[1, :, :H]
        a = a + jnp.dot(x_ref[...], r_ref[...],
                        preferred_element_type=jnp.float32) + b_ref[...]
        y = _ln_lrelu(a, g_ref[...], bt_ref[...])
        out_ref[...] = jnp.concatenate([y] * H, axis=1).astype(jnp.bfloat16)

    return pl.pallas_call(
        body,
        grid=grid,
        in_specs=[
            pl.BlockSpec((NC, _NB, D), lambda i: (0, i, 0)),
            pl.BlockSpec((_NB, IN), lambda i: (i, 0)),
            pl.BlockSpec((IN, H), lambda i: (0, 0)),
            pl.BlockSpec((1, H), lambda i: (0, 0)),
            pl.BlockSpec((1, H), lambda i: (0, 0)),
            pl.BlockSpec((1, H), lambda i: (0, 0)),
        ],
        out_specs=pl.BlockSpec((_NB, HH), lambda i: (i, 0)),
        out_shape=jax.ShapeDtypeStruct((N, HH), jnp.bfloat16),
    )(part, x, root, bias, g, bt)


def _node2_pool(part, out1, ohT, oh, root, bias, g, bt, wo, bo):
    grid = N // _NB

    def body(p_ref, o1_ref, ohT_ref, oh_ref, r_ref, b_ref, g_ref, bt_ref,
             wo_ref, bo_ref, out_ref, mx_s, sm_s, cnt_s):
        i = pl.program_id(0)

        @pl.when(i == 0)
        def _init():
            mx_s[...] = jnp.full((G, H), -jnp.inf, jnp.float32)
            sm_s[...] = jnp.zeros((G, H), jnp.float32)
            cnt_s[...] = jnp.zeros((G, 1), jnp.float32)

        o1 = o1_ref[...][:, :H].astype(jnp.float32)
        a = p_ref[0, :, :H] + p_ref[1, :, :H]
        a = a + jnp.dot(o1, r_ref[...],
                        preferred_element_type=jnp.float32) + b_ref[...]
        y = _ln_lrelu(a, g_ref[...], bt_ref[...])

        ohT_blk = ohT_ref[0]
        sm_s[...] += jnp.dot(ohT_blk, y, preferred_element_type=jnp.float32)
        cnt_s[...] += jnp.dot(ohT_blk, jnp.ones((_NB, 1), jnp.float32),
                              preferred_element_type=jnp.float32)
        oh_blk = oh_ref[...]
        for gi in range(G):
            mask = oh_blk[:, gi:gi + 1] > 0.5
            cand = jnp.max(jnp.where(mask, y, -jnp.inf), axis=0, keepdims=True)
            mx_s[pl.ds(gi, 1), :] = jnp.maximum(mx_s[pl.ds(gi, 1), :], cand)

        @pl.when(i == grid - 1)
        def _fin():
            mean = sm_s[...] / jnp.maximum(cnt_s[...], 1.0)
            pooled = jnp.concatenate([mx_s[...], mean], axis=1)
            out_ref[...] = jnp.dot(pooled, wo_ref[...],
                                   preferred_element_type=jnp.float32) + bo_ref[...]

    return pl.pallas_call(
        body,
        grid=(grid,),
        in_specs=[
            pl.BlockSpec((NC, _NB, D), lambda i: (0, i, 0)),
            pl.BlockSpec((_NB, HH), lambda i: (i, 0)),
            pl.BlockSpec((1, G, _NB), lambda i: (i, 0, 0)),
            pl.BlockSpec((_NB, G), lambda i: (i, 0)),
            pl.BlockSpec((H, H), lambda i: (0, 0)),
            pl.BlockSpec((1, H), lambda i: (0, 0)),
            pl.BlockSpec((1, H), lambda i: (0, 0)),
            pl.BlockSpec((1, H), lambda i: (0, 0)),
            pl.BlockSpec((2 * H, EMB), lambda i: (0, 0)),
            pl.BlockSpec((1, EMB), lambda i: (0, 0)),
        ],
        out_specs=pl.BlockSpec((G, EMB), lambda i: (0, 0)),
        out_shape=jax.ShapeDtypeStruct((G, EMB), jnp.float32),
        scratch_shapes=[
            pltpu.VMEM((G, H), jnp.float32),
            pltpu.VMEM((G, H), jnp.float32),
            pltpu.VMEM((G, 1), jnp.float32),
        ],
    )(part, out1, ohT, oh, root, bias, g, bt, wo, bo)



def kernel(x, edge_index, edge_attr, batch, We1a, be1a, We1b, be1b, root1,
           bias1, g1, bt1, We2a, be2a, We2b, be2b, root2, bias2, g2, bt2,
           Wout, bout):
    src3 = edge_index[0].reshape(NCH, 1, CHUNK)
    dst3 = edge_index[1].reshape(NCH, 1, CHUNK)

    wb1p = We1b.reshape(HN, IN, H).transpose(0, 2, 1).reshape(HN, HN)
    bb1p = be1b.reshape(IN, H).T.reshape(1, HN)
    wb2p = We2b.reshape(HH, H, H).transpose(0, 2, 1).reshape(HH, HH)
    bb2p = be2b.reshape(H, H).T.reshape(1, HH)
    p1 = jnp.kron(jnp.eye(H, dtype=jnp.bfloat16), jnp.ones((IN, 1), jnp.bfloat16))
    p2 = jnp.kron(jnp.eye(H, dtype=jnp.bfloat16), jnp.ones((H, 1), jnp.bfloat16))
    oh = (batch[:, None] == jnp.arange(G, dtype=batch.dtype)[None, :])
    oh = oh.astype(jnp.float32)
    ohT = oh.T.reshape(G, N // _NB, _NB).transpose(1, 0, 2)
    zrows = jnp.zeros((N, D), jnp.float32)

    xg = _sc_gather(x.astype(jnp.bfloat16), src3)
    msg1 = _edge_l1(edge_attr.astype(jnp.bfloat16), xg,
                    We1a.astype(jnp.bfloat16),
                    be1a.reshape(1, HN),
                    wb1p.astype(jnp.bfloat16),
                    bb1p, p1)
    part1 = _sc_scatter_add(msg1, dst3, zrows)
    out1 = _node1(part1, x, root1, bias1.reshape(1, H),
                  g1.reshape(1, H), bt1.reshape(1, H))

    o1g = _sc_gather(out1, src3)
    msg2 = _edge_l2(edge_attr, o1g, We2a, be2a.reshape(1, HH),
                    wb2p, bb2p, p2)
    part2 = _sc_scatter_add(msg2, dst3, zrows)

    return _node2_pool(part2, out1, ohT, oh, root2, bias2.reshape(1, H),
                       g2.reshape(1, H), bt2.reshape(1, H), Wout,
                       bout.reshape(1, EMB))

# --- scband reference (transcript-rebuilt; emitter-appended) ---
"""Pipeline reference for scband-mpnn-graph-86535001080545 (READ-ONLY COPY).

The authoritative reference and input builder live on the scoring server;
editing this copy changes nothing except your own understanding.
"""

import jax, jax.numpy as jnp
import numpy as np

N = 10000
E = 160000
IN = 128
H = 8
ED = 16
EMB = 64
G = 16


def setup_inputs(seed: int = 0) -> dict:
    key = jax.random.key(seed)
    ks = jax.random.split(key, 16)

    def rn(i, shape, scale=1.0):
        return jax.random.normal(ks[i], shape, dtype=jnp.float32) * scale

    inp = {}
    inp["x"] = rn(0, (N, IN))
    inp["edge_index"] = jax.random.randint(ks[1], (2, E), 0, N, dtype=jnp.int32)
    inp["edge_attr"] = rn(2, (E, ED))
    inp["batch"] = jnp.sort(jax.random.randint(ks[3], (N,), 0, G, dtype=jnp.int32))
    # NNConv layer 1: edge nn = Linear(ED, H*IN) -> ReLU -> Linear(H*IN, H*IN)
    inp["We1a"] = rn(4, (ED, H * IN), 1.0 / np.sqrt(ED))
    inp["be1a"] = jnp.zeros((H * IN,), jnp.float32)
    inp["We1b"] = rn(5, (H * IN, H * IN), 1.0 / np.sqrt(H * IN))
    inp["be1b"] = jnp.zeros((H * IN,), jnp.float32)
    inp["root1"] = rn(6, (IN, H), 1.0 / np.sqrt(IN))
    inp["bias1"] = jnp.zeros((H,), jnp.float32)
    inp["g1"] = jnp.ones((H,), jnp.float32)
    inp["bt1"] = jnp.zeros((H,), jnp.float32)
    # NNConv layer 2: edge nn = Linear(ED, H*H) -> ReLU -> Linear(H*H, H*H)
    inp["We2a"] = rn(7, (ED, H * H), 1.0 / np.sqrt(ED))
    inp["be2a"] = jnp.zeros((H * H,), jnp.float32)
    inp["We2b"] = rn(8, (H * H, H * H), 1.0 / np.sqrt(H * H))
    inp["be2b"] = jnp.zeros((H * H,), jnp.float32)
    inp["root2"] = rn(9, (H, H), 1.0 / np.sqrt(H))
    inp["bias2"] = jnp.zeros((H,), jnp.float32)
    inp["g2"] = jnp.ones((H,), jnp.float32)
    inp["bt2"] = jnp.zeros((H,), jnp.float32)
    # final Linear(2*H, EMB)
    inp["Wout"] = rn(10, (2 * H, EMB), 1.0 / np.sqrt(2 * H))
    inp["bout"] = jnp.zeros((EMB,), jnp.float32)
    return inp


def _nnconv(x, ea, src, dst, Wa, ba, Wb, bb, root, bias, in_c, out_c):
    h = jnp.maximum(ea @ Wa + ba, 0.0)
    w = (h @ Wb + bb).reshape(-1, in_c, out_c)  # per-edge weight matrices [E, in, out]
    msg = jnp.einsum("ei,eio->eo", x[src], w)
    aggr = jnp.zeros((x.shape[0], out_c), dtype=x.dtype).at[dst].add(msg)
    return aggr + x @ root + bias


def _ln(x, g, b):
    m = jnp.mean(x, axis=-1, keepdims=True)
    v = jnp.mean((x - m) ** 2, axis=-1, keepdims=True)
    return (x - m) / jnp.sqrt(v + 1e-5) * g + b


def _lrelu(x):
    return jnp.where(x >= 0, x, 0.1 * x)


def reference(x, edge_index, edge_attr, batch, We1a, be1a, We1b, be1b, root1, bias1, g1, bt1, We2a, be2a, We2b, be2b, root2, bias2, g2, bt2, Wout, bout):
    src, dst = edge_index[0], edge_index[1]
    out = _lrelu(_ln(_nnconv(x, edge_attr, src, dst, We1a, be1a, We1b, be1b, root1, bias1, IN, H), g1, bt1))
    out = _lrelu(_ln(_nnconv(out, edge_attr, src, dst, We2a, be2a, We2b, be2b, root2, bias2, H, H), g2, bt2))
    mx = jax.ops.segment_max(out, batch, num_segments=G)
    sm = jax.ops.segment_sum(out, batch, num_segments=G)
    cnt = jax.ops.segment_sum(jnp.ones((out.shape[0], 1), out.dtype), batch, num_segments=G)
    mean = sm / jnp.maximum(cnt, 1.0)
    pooled = jnp.concatenate([mx, mean], axis=1)
    return pooled @ Wout + bout

if __name__ == "__main__":
    import jax
    _d = setup_inputs()
    print(jax.jit(kernel)(*tuple(_d.values())))

</pallas_src>

<mosaic_0001>
#map = affine_map<(d0, d1) -> (0, 0)>
#map1 = affine_map<(d0, d1) -> (0, 0, 0)>
module attributes {stable_mosaic.version = 14 : i64} {
  func.func @gk(%arg0: i32, %arg1: i32, %arg2: memref<10000x128xbf16, #tpu.memory_space<hbm>>, %arg3: memref<1250x1x128xi32, #tpu.memory_space<hbm>>, %arg4: memref<160000x128xbf16, #tpu.memory_space<hbm>>, %arg5: memref<1x128xi32, #tpu.memory_space<vmem>>, %arg6: memref<128x128xbf16, #tpu.memory_space<vmem>>, %arg7: memref<!tpu.dma_semaphore, #tpu.memory_space<semaphore_mem>>) attributes {dimension_semantics = [#tpu.dimension_semantics<core_parallel>, #tpu.dimension_semantics<subcore_parallel>], iteration_bounds = array<i64: 2, 16>, scalar_prefetch = 0 : i64, scratch_operands = 3 : i64, tpu.core_type = #tpu.core_type<sc_vector_subcore>, window_params = [{transform_indices = #map}, {transform_indices = #map1}, {transform_indices = #map}]} {
    %mul3A = arith.constant 2 : i32
    %mul3A_0 = arith.muli %arg1, %mul3A : i32
    %add3A = arith.addi %mul3A_0, %arg0 : i32
    %sub3A = arith.constant 1250 : i32
    %sub3A_1 = arith.subi %sub3A, %add3A : i32
    %add3A_2 = arith.constant 32 : i32
    %add3A_3 = arith.addi %sub3A_1, %add3A_2 : i32
    %sub3A_4 = arith.constant 1 : i32
    %sub3A_5 = arith.subi %add3A_3, %sub3A_4 : i32
    %jit3A = arith.constant 32 : i32
    %div3A = arith.divsi %sub3A_5, %jit3A : i32
    %sign3A = arith.constant 0 : i32
    %sign3A_6 = arith.cmpi sgt, %sub3A_5, %sign3A : i32
    %sign3A_7 = arith.extui %sign3A_6 : i1 to i32
    %sign3A_8 = arith.constant 0 : i32
    %sign3A_9 = arith.cmpi slt, %sub3A_5, %sign3A_8 : i32
    %sign3A_10 = arith.extui %sign3A_9 : i1 to i32
    %sign3A_11 = arith.subi %sign3A_7, %sign3A_10 : i32
    %sign3A_12 = arith.constant 0 : i32
    %sign3A_13 = arith.cmpi sgt, %jit3A, %sign3A_12 : i32
    %sign3A_14 = arith.extui %sign3A_13 : i1 to i32
    %sign3A_15 = arith.constant 0 : i32
    %sign3A_16 = arith.cmpi slt, %jit3A, %sign3A_15 : i32
    %sign3A_17 = arith.extui %sign3A_16 : i1 to i32
    %sign3A_18 = arith.subi %sign3A_14, %sign3A_17 : i32
    %ne3A = arith.cmpi ne, %sign3A_11, %sign3A_18 : i32
    %rem3A = arith.remsi %sub3A_5, %jit3A : i32
    %ne3A_19 = arith.constant 0 : i32
    %ne3A_20 = arith.cmpi ne, %rem3A, %ne3A_19 : i32
    %and3A = arith.andi %ne3A, %ne3A_20 : i1
    %sub3A_21 = arith.constant 1 : i32
    %sub3A_22 = arith.subi %div3A, %sub3A_21 : i32
    %select_n3A = arith.select %and3A, %sub3A_22, %div3A : i32
    %while3A = arith.constant 0 : i32
    %while3A_23 = arith.constant 0 : i32
    %while3A_24 = arith.subi %select_n3A, %while3A_23 : i32
    %while3A_25 = arith.addi %while3A_23, %while3A_24 : i32
    %while3A_26 = arith.constant 1 : i32
    %while3A_27 = arith.divsi %while3A_24, %while3A_26 : i32
    %while3A_28 = arith.muli %while3A_27, %while3A_26 : i32
    %while3A_29 = arith.addi %while3A_23, %while3A_28 : i32
    %while3A_30 = arith.constant 1 : i32
    scf.for %while3A_32 = %while3A_23 to %while3A_29 step %while3A_30  : i32 {
      %mul3A_33 = arith.constant 32 : i32
      %mul3A_34 = arith.muli %while3A_32, %mul3A_33 : i32
      %add3A_35 = arith.addi %add3A, %mul3A_34 : i32
      "tpu.region"() ({
        %run_scoped3A = tpu.sem_alloc : memref<!tpu.dma_semaphore, #tpu.memory_space<semaphore_mem>>
        %dma_start3A_50 = arith.constant 0 : i32
        %dma_start3A_51 = arith.constant 0 : i32
        %dma_start3A_52 = tpu.memref_slice %arg3[%add3A_35, %dma_start3A_50, %dma_start3A_51] : memref<1250x1x128xi32, #tpu.memory_space<hbm>> -> memref<1x1x128xi32, #tpu.memory_space<hbm>>
        %dma_start3A_53 = tpu.memref_squeeze %dma_start3A_52 : memref<1x1x128xi32, #tpu.memory_space<hbm>> -> memref<1x128xi32, #tpu.memory_space<hbm>>
        %dma_start3A_54 = arith.constant 0 : i32
        %dma_start3A_55 = arith.constant 0 : i32
        %dma_start3A_56 = tpu.memref_slice %arg3[%add3A_35, %dma_start3A_54, %dma_start3A_55] : memref<1250x1x128xi32, #tpu.memory_space<hbm>> -> memref<1x1x128xi32, #tpu.memory_space<hbm>>
        %dma_start3A_57 = tpu.memref_squeeze %dma_start3A_56 : memref<1x1x128xi32, #tpu.memory_space<hbm>> -> memref<1x128xi32, #tpu.memory_space<hbm>>
        tpu.enqueue_dma source(%dma_start3A_57 : memref<1x128xi32, #tpu.memory_space<hbm>>) target(%arg5 : memref<1x128xi32, #tpu.memory_space<vmem>>) target_semaphore(%run_scoped3A : memref<!tpu.dma_semaphore, #tpu.memory_space<semaphore_mem>>)
        %dma_wait3A_58 = arith.constant 0 : i32
        %dma_wait3A_59 = arith.constant 0 : i32
        %dma_wait3A_60 = tpu.memref_slice %arg3[%add3A_35, %dma_wait3A_58, %dma_wait3A_59] : memref<1250x1x128xi32, #tpu.memory_space<hbm>> -> memref<1x1x128xi32, #tpu.memory_space<hbm>>
        %dma_wait3A_61 = tpu.memref_squeeze %dma_wait3A_60 : memref<1x1x128xi32, #tpu.memory_space<hbm>> -> memref<1x128xi32, #tpu.memory_space<hbm>>
        %dma_wait3A_62 = arith.constant 0 : i32
        %dma_wait3A_63 = arith.constant 0 : i32
        %dma_wait3A_64 = tpu.memref_slice %arg3[%add3A_35, %dma_wait3A_62, %dma_wait3A_63] : memref<1250x1x128xi32, #tpu.memory_space<hbm>> -> memref<1x1x128xi32, #tpu.memory_space<hbm>>
        %dma_wait3A_65 = tpu.memref_squeeze %dma_wait3A_64 : memref<1x1x128xi32, #tpu.memory_space<hbm>> -> memref<1x128xi32, #tpu.memory_space<hbm>>
        tpu.wait_dma2 semaphore(%run_scoped3A : memref<!tpu.dma_semaphore, #tpu.memory_space<semaphore_mem>>) src(%dma_wait3A_65 : memref<1x128xi32, #tpu.memory_space<hbm>>) dst(%arg5 : memref<1x128xi32, #tpu.memory_space<vmem>>)
        tpu.yield
      }) : () -> ()
      %dma_start3A = arith.constant 0 : i32
      %dma_start3A_36 = arith.constant 0 : i32
      %dma_start3A_37 = tpu.memref_slice %arg5[%dma_start3A, %dma_start3A_36] : memref<1x128xi32, #tpu.memory_space<vmem>> -> memref<1x128xi32, #tpu.memory_space<vmem>>
      %dma_start3A_38 = tpu.memref_squeeze %dma_start3A_37 : memref<1x128xi32, #tpu.memory_space<vmem>> -> memref<128xi32, #tpu.memory_space<vmem>>
      %dma_start3A_39 = arith.constant 0 : i32
      %dma_start3A_40 = arith.constant 0 : i32
      %dma_start3A_41 = tpu.memref_slice %arg2[%dma_start3A_39, %dma_start3A_40] : memref<10000x128xbf16, #tpu.memory_space<hbm>> -> memref<10000x128xbf16, #tpu.memory_space<hbm>>
      tpu.enqueue_indirect_dma source(%dma_start3A_41 : memref<10000x128xbf16, #tpu.memory_space<hbm>>) target(%arg6 : memref<128x128xbf16, #tpu.memory_space<vmem>>) offsets(%dma_start3A_38 : memref<128xi32, #tpu.memory_space<vmem>>) semaphore(%arg7 : memref<!tpu.dma_semaphore, #tpu.memory_space<semaphore_mem>>)
      %dma_wait3A = arith.constant 0 : i32
      %dma_wait3A_42 = arith.constant 0 : i32
      %dma_wait3A_43 = tpu.memref_slice %arg5[%dma_wait3A, %dma_wait3A_42] : memref<1x128xi32, #tpu.memory_space<vmem>> -> memref<1x128xi32, #tpu.memory_space<vmem>>
      %dma_wait3A_44 = tpu.memref_squeeze %dma_wait3A_43 : memref<1x128xi32, #tpu.memory_space<vmem>> -> memref<128xi32, #tpu.memory_space<vmem>>
      %dma_wait3A_45 = arith.constant 0 : i32
      %dma_wait3A_46 = arith.constant 0 : i32
      %dma_wait3A_47 = tpu.memref_slice %arg2[%dma_wait3A_45, %dma_wait3A_46] : memref<10000x128xbf16, #tpu.memory_space<hbm>> -> memref<10000x128xbf16, #tpu.memory_space<hbm>>
      tpu.wait_indirect_dma semaphore(%arg7 : memref<!tpu.dma_semaphore, #tpu.memory_space<semaphore_mem>>) src(%dma_wait3A_47 : memref<10000x128xbf16, #tpu.memory_space<hbm>>) dst(%arg6 : memref<128x128xbf16, #tpu.memory_space<vmem>>)
      %mul3A_48 = arith.constant 128 : i32
      %mul3A_49 = arith.muli %add3A_35, %mul3A_48 : i32
      "tpu.region"() ({
        %run_scoped3A = tpu.sem_alloc : memref<!tpu.dma_semaphore, #tpu.memory_space<semaphore_mem>>
        %dma_start3A_50 = arith.constant 0 : i32
        %dma_start3A_51 = tpu.memref_slice %arg4[%mul3A_49, %dma_start3A_50] : memref<160000x128xbf16, #tpu.memory_space<hbm>> -> memref<128x128xbf16, #tpu.memory_space<hbm>>
        %dma_start3A_52 = arith.constant 0 : i32
        %dma_start3A_53 = tpu.memref_slice %arg4[%mul3A_49, %dma_start3A_52] : memref<160000x128xbf16, #tpu.memory_space<hbm>> -> memref<128x128xbf16, #tpu.memory_space<hbm>>
        tpu.enqueue_dma source(%arg6 : memref<128x128xbf16, #tpu.memory_space<vmem>>) target(%dma_start3A_53 : memref<128x128xbf16, #tpu.memory_space<hbm>>) target_semaphore(%run_scoped3A : memref<!tpu.dma_semaphore, #tpu.memory_space<semaphore_mem>>)
        %dma_wait3A_54 = arith.constant 0 : i32
        %dma_wait3A_55 = tpu.memref_slice %arg4[%mul3A_49, %dma_wait3A_54] : memref<160000x128xbf16, #tpu.memory_space<hbm>> -> memref<128x128xbf16, #tpu.memory_space<hbm>>
        %dma_wait3A_56 = arith.constant 0 : i32
        %dma_wait3A_57 = tpu.memref_slice %arg4[%mul3A_49, %dma_wait3A_56] : memref<160000x128xbf16, #tpu.memory_space<hbm>> -> memref<128x128xbf16, #tpu.memory_space<hbm>>
        tpu.wait_dma2 semaphore(%run_scoped3A : memref<!tpu.dma_semaphore, #tpu.memory_space<semaphore_mem>>) src(%arg6 : memref<128x128xbf16, #tpu.memory_space<vmem>>) dst(%dma_wait3A_57 : memref<128x128xbf16, #tpu.memory_space<hbm>>)
        tpu.yield
      }) : () -> ()
    }
    %while3A_31 = arith.constant 1 : i32
    scf.for %while3A_32 = %while3A_29 to %while3A_25 step %while3A_31  : i32 {
      %mul3A_33 = arith.constant 32 : i32
      %mul3A_34 = arith.muli %while3A_32, %mul3A_33 : i32
      %add3A_35 = arith.addi %add3A, %mul3A_34 : i32
      "tpu.region"() ({
        %run_scoped3A = tpu.sem_alloc : memref<!tpu.dma_semaphore, #tpu.memory_space<semaphore_mem>>
        %dma_start3A_50 = arith.constant 0 : i32
        %dma_start3A_51 = arith.constant 0 : i32
        %dma_start3A_52 = tpu.memref_slice %arg3[%add3A_35, %dma_start3A_50, %dma_start3A_51] : memref<1250x1x128xi32, #tpu.memory_space<hbm>> -> memref<1x1x128xi32, #tpu.memory_space<hbm>>
        %dma_start3A_53 = tpu.memref_squeeze %dma_start3A_52 : memref<1x1x128xi32, #tpu.memory_space<hbm>> -> memref<1x128xi32, #tpu.memory_space<hbm>>
        %dma_start3A_54 = arith.constant 0 : i32
        %dma_start3A_55 = arith.constant 0 : i32
        %dma_start3A_56 = tpu.memref_slice %arg3[%add3A_35, %dma_start3A_54, %dma_start3A_55] : memref<1250x1x128xi32, #tpu.memory_space<hbm>> -> memref<1x1x128xi32, #tpu.memory_space<hbm>>
        %dma_start3A_57 = tpu.memref_squeeze %dma_start3A_56 : memref<1x1x128xi32, #tpu.memory_space<hbm>> -> memref<1x128xi32, #tpu.memory_space<hbm>>
        tpu.enqueue_dma source(%dma_start3A_57 : memref<1x128xi32, #tpu.memory_space<hbm>>) target(%arg5 : memref<1x128xi32, #tpu.memory_space<vmem>>) target_semaphore(%run_scoped3A : memref<!tpu.dma_semaphore, #tpu.memory_space<semaphore_mem>>)
        %dma_wait3A_58 = arith.constant 0 : i32
        %dma_wait3A_59 = arith.constant 0 : i32
        %dma_wait3A_60 = tpu.memref_slice %arg3[%add3A_35, %dma_wait3A_58, %dma_wait3A_59] : memref<1250x1x128xi32, #tpu.memory_space<hbm>> -> memref<1x1x128xi32, #tpu.memory_space<hbm>>
        %dma_wait3A_61 = tpu.memref_squeeze %dma_wait3A_60 : memref<1x1x128xi32, #tpu.memory_space<hbm>> -> memref<1x128xi32, #tpu.memory_space<hbm>>
        %dma_wait3A_62 = arith.constant 0 : i32
        %dma_wait3A_63 = arith.constant 0 : i32
        %dma_wait3A_64 = tpu.memref_slice %arg3[%add3A_35, %dma_wait3A_62, %dma_wait3A_63] : memref<1250x1x128xi32, #tpu.memory_space<hbm>> -> memref<1x1x128xi32, #tpu.memory_space<hbm>>
        %dma_wait3A_65 = tpu.memref_squeeze %dma_wait3A_64 : memref<1x1x128xi32, #tpu.memory_space<hbm>> -> memref<1x128xi32, #tpu.memory_space<hbm>>
        tpu.wait_dma2 semaphore(%run_scoped3A : memref<!tpu.dma_semaphore, #tpu.memory_space<semaphore_mem>>) src(%dma_wait3A_65 : memref<1x128xi32, #tpu.memory_space<hbm>>) dst(%arg5 : memref<1x128xi32, #tpu.memory_space<vmem>>)
        tpu.yield
      }) : () -> ()
      %dma_start3A = arith.constant 0 : i32
      %dma_start3A_36 = arith.constant 0 : i32
      %dma_start3A_37 = tpu.memref_slice %arg5[%dma_start3A, %dma_start3A_36] : memref<1x128xi32, #tpu.memory_space<vmem>> -> memref<1x128xi32, #tpu.memory_space<vmem>>
      %dma_start3A_38 = tpu.memref_squeeze %dma_start3A_37 : memref<1x128xi32, #tpu.memory_space<vmem>> -> memref<128xi32, #tpu.memory_space<vmem>>
      %dma_start3A_39 = arith.constant 0 : i32
      %dma_start3A_40 = arith.constant 0 : i32
      %dma_start3A_41 = tpu.memref_slice %arg2[%dma_start3A_39, %dma_start3A_40] : memref<10000x128xbf16, #tpu.memory_space<hbm>> -> memref<10000x128xbf16, #tpu.memory_space<hbm>>
      tpu.enqueue_indirect_dma source(%dma_start3A_41 : memref<10000x128xbf16, #tpu.memory_space<hbm>>) target(%arg6 : memref<128x128xbf16, #tpu.memory_space<vmem>>) offsets(%dma_start3A_38 : memref<128xi32, #tpu.memory_space<vmem>>) semaphore(%arg7 : memref<!tpu.dma_semaphore, #tpu.memory_space<semaphore_mem>>)
      %dma_wait3A = arith.constant 0 : i32
      %dma_wait3A_42 = arith.constant 0 : i32
      %dma_wait3A_43 = tpu.memref_slice %arg5[%dma_wait3A, %dma_wait3A_42] : memref<1x128xi32, #tpu.memory_space<vmem>> -> memref<1x128xi32, #tpu.memory_space<vmem>>
      %dma_wait3A_44 = tpu.memref_squeeze %dma_wait3A_43 : memref<1x128xi32, #tpu.memory_space<vmem>> -> memref<128xi32, #tpu.memory_space<vmem>>
      %dma_wait3A_45 = arith.constant 0 : i32
      %dma_wait3A_46 = arith.constant 0 : i32
      %dma_wait3A_47 = tpu.memref_slice %arg2[%dma_wait3A_45, %dma_wait3A_46] : memref<10000x128xbf16, #tpu.memory_space<hbm>> -> memref<10000x128xbf16, #tpu.memory_space<hbm>>
      tpu.wait_indirect_dma semaphore(%arg7 : memref<!tpu.dma_semaphore, #tpu.memory_space<semaphore_mem>>) src(%dma_wait3A_47 : memref<10000x128xbf16, #tpu.memory_space<hbm>>) dst(%arg6 : memref<128x128xbf16, #tpu.memory_space<vmem>>)
      %mul3A_48 = arith.constant 128 : i32
      %mul3A_49 = arith.muli %add3A_35, %mul3A_48 : i32
      "tpu.region"() ({
        %run_scoped3A = tpu.sem_alloc : memref<!tpu.dma_semaphore, #tpu.memory_space<semaphore_mem>>
        %dma_start3A_50 = arith.constant 0 : i32
        %dma_start3A_51 = tpu.memref_slice %arg4[%mul3A_49, %dma_start3A_50] : memref<160000x128xbf16, #tpu.memory_space<hbm>> -> memref<128x128xbf16, #tpu.memory_space<hbm>>
        %dma_start3A_52 = arith.constant 0 : i32
        %dma_start3A_53 = tpu.memref_slice %arg4[%mul3A_49, %dma_start3A_52] : memref<160000x128xbf16, #tpu.memory_space<hbm>> -> memref<128x128xbf16, #tpu.memory_space<hbm>>
        tpu.enqueue_dma source(%arg6 : memref<128x128xbf16, #tpu.memory_space<vmem>>) target(%dma_start3A_53 : memref<128x128xbf16, #tpu.memory_space<hbm>>) target_semaphore(%run_scoped3A : memref<!tpu.dma_semaphore, #tpu.memory_space<semaphore_mem>>)
        %dma_wait3A_54 = arith.constant 0 : i32
        %dma_wait3A_55 = tpu.memref_slice %arg4[%mul3A_49, %dma_wait3A_54] : memref<160000x128xbf16, #tpu.memory_space<hbm>> -> memref<128x128xbf16, #tpu.memory_space<hbm>>
        %dma_wait3A_56 = arith.constant 0 : i32
        %dma_wait3A_57 = tpu.memref_slice %arg4[%mul3A_49, %dma_wait3A_56] : memref<160000x128xbf16, #tpu.memory_space<hbm>> -> memref<128x128xbf16, #tpu.memory_space<hbm>>
        tpu.wait_dma2 semaphore(%run_scoped3A : memref<!tpu.dma_semaphore, #tpu.memory_space<semaphore_mem>>) src(%arg6 : memref<128x128xbf16, #tpu.memory_space<vmem>>) dst(%dma_wait3A_57 : memref<128x128xbf16, #tpu.memory_space<hbm>>)
        tpu.yield
      }) : () -> ()
    }
    return
  }
}

#map = affine_map<(d0, d1) -> (0, 0)>
#map1 = affine_map<(d0, d1) -> (0, 0, 0)>
module attributes {stable_mosaic.version = 14 : i64} {
  func.func @sk(%arg0: i32, %arg1: i32, %arg2: memref<160000x16xf32, #tpu.memory_space<hbm>>, %arg3: memref<1250x1x128xi32, #tpu.memory_space<hbm>>, %arg4: memref<10000x16xf32, #tpu.memory_space<hbm>>, %arg5: memref<2x10000x16xf32, #tpu.memory_space<hbm>>, %arg6: memref<1x128xi32, #tpu.memory_space<vmem>>, %arg7: memref<128x16xf32, #tpu.memory_space<vmem>>, %arg8: memref<1000x16xf32, #tpu.memory_space<vmem>>, %arg9: memref<10000x16xf32, #tpu.memory_space<vmem_shared>>) attributes {dimension_semantics = [#tpu.dimension_semantics<core_parallel>, #tpu.dimension_semantics<subcore_parallel>], iteration_bounds = array<i64: 2, 16>, scalar_prefetch = 0 : i64, scratch_operands = 4 : i64, tpu.core_type = #tpu.core_type<sc_vector_subcore>, window_params = [{transform_indices = #map}, {transform_indices = #map1}, {transform_indices = #map}, {transform_indices = #map1}]} {
    %mul3A = arith.constant 2 : i32
    %mul3A_0 = arith.muli %arg1, %mul3A : i32
    %add3A = arith.addi %mul3A_0, %arg0 : i32
    %sub3A = arith.constant 1250 : i32
    %sub3A_1 = arith.subi %sub3A, %add3A : i32
    %add3A_2 = arith.constant 32 : i32
    %add3A_3 = arith.addi %sub3A_1, %add3A_2 : i32
    %sub3A_4 = arith.constant 1 : i32
    %sub3A_5 = arith.subi %add3A_3, %sub3A_4 : i32
    %jit3A = arith.constant 32 : i32
    %div3A = arith.divsi %sub3A_5, %jit3A : i32
    %sign3A = arith.constant 0 : i32
    %sign3A_6 = arith.cmpi sgt, %sub3A_5, %sign3A : i32
    %sign3A_7 = arith.extui %sign3A_6 : i1 to i32
    %sign3A_8 = arith.constant 0 : i32
    %sign3A_9 = arith.cmpi slt, %sub3A_5, %sign3A_8 : i32
    %sign3A_10 = arith.extui %sign3A_9 : i1 to i32
    %sign3A_11 = arith.subi %sign3A_7, %sign3A_10 : i32
    %sign3A_12 = arith.constant 0 : i32
    %sign3A_13 = arith.cmpi sgt, %jit3A, %sign3A_12 : i32
    %sign3A_14 = arith.extui %sign3A_13 : i1 to i32
    %sign3A_15 = arith.constant 0 : i32
    %sign3A_16 = arith.cmpi slt, %jit3A, %sign3A_15 : i32
    %sign3A_17 = arith.extui %sign3A_16 : i1 to i32
    %sign3A_18 = arith.subi %sign3A_14, %sign3A_17 : i32
    %ne3A = arith.cmpi ne, %sign3A_11, %sign3A_18 : i32
    %rem3A = arith.remsi %sub3A_5, %jit3A : i32
    %ne3A_19 = arith.constant 0 : i32
    %ne3A_20 = arith.cmpi ne, %rem3A, %ne3A_19 : i32
    %and3A = arith.andi %ne3A, %ne3A_20 : i1
    %sub3A_21 = arith.constant 1 : i32
    %sub3A_22 = arith.subi %div3A, %sub3A_21 : i32
    %select_n3A = arith.select %and3A, %sub3A_22, %div3A : i32
    %lt3A = arith.constant 10 : i32
    %lt3A_23 = arith.cmpi slt, %arg1, %lt3A : i32
    %convert_element_type3A = arith.extui %lt3A_23 : i1 to i32
    %cond3A = arith.constant 0 : i32
    %cond3A_24 = arith.cmpi ne, %convert_element_type3A, %cond3A : i32
    scf.if %cond3A_24 {
      %mul3A_40 = arith.constant 1000 : i32
      %mul3A_41 = arith.muli %arg1, %mul3A_40 : i32
      "tpu.region"() ({
        %run_scoped3A = tpu.sem_alloc : memref<!tpu.dma_semaphore, #tpu.memory_space<semaphore_mem>>
        %dma_start3A = arith.constant 0 : i32
        %dma_start3A_44 = tpu.memref_slice %arg4[%mul3A_41, %dma_start3A] : memref<10000x16xf32, #tpu.memory_space<hbm>> -> memref<1000x16xf32, #tpu.memory_space<hbm>>
        %dma_start3A_45 = arith.constant 0 : i32
        %dma_start3A_46 = tpu.memref_slice %arg4[%mul3A_41, %dma_start3A_45] : memref<10000x16xf32, #tpu.memory_space<hbm>> -> memref<1000x16xf32, #tpu.memory_space<hbm>>
        tpu.enqueue_dma source(%dma_start3A_46 : memref<1000x16xf32, #tpu.memory_space<hbm>>) target(%arg8 : memref<1000x16xf32, #tpu.memory_space<vmem>>) target_semaphore(%run_scoped3A : memref<!tpu.dma_semaphore, #tpu.memory_space<semaphore_mem>>)
        %dma_wait3A = arith.constant 0 : i32
        %dma_wait3A_47 = tpu.memref_slice %arg4[%mul3A_41, %dma_wait3A] : memref<10000x16xf32, #tpu.memory_space<hbm>> -> memref<1000x16xf32, #tpu.memory_space<hbm>>
        %dma_wait3A_48 = arith.constant 0 : i32
        %dma_wait3A_49 = tpu.memref_slice %arg4[%mul3A_41, %dma_wait3A_48] : memref<10000x16xf32, #tpu.memory_space<hbm>> -> memref<1000x16xf32, #tpu.memory_space<hbm>>
        tpu.wait_dma2 semaphore(%run_scoped3A : memref<!tpu.dma_semaphore, #tpu.memory_space<semaphore_mem>>) src(%dma_wait3A_49 : memref<1000x16xf32, #tpu.memory_space<hbm>>) dst(%arg8 : memref<1000x16xf32, #tpu.memory_space<vmem>>)
        tpu.yield
      }) : () -> ()
      %mul3A_42 = arith.constant 1000 : i32
      %mul3A_43 = arith.muli %arg1, %mul3A_42 : i32
      "tpu.region"() ({
        %run_scoped3A = tpu.sem_alloc : memref<!tpu.dma_semaphore, #tpu.memory_space<semaphore_mem>>
        %dma_start3A = arith.constant 0 : i32
        %dma_start3A_44 = tpu.memref_slice %arg9[%mul3A_43, %dma_start3A] : memref<10000x16xf32, #tpu.memory_space<vmem_shared>> -> memref<1000x16xf32, #tpu.memory_space<vmem_shared>>
        %dma_start3A_45 = arith.constant 0 : i32
        %dma_start3A_46 = tpu.memref_slice %arg9[%mul3A_43, %dma_start3A_45] : memref<10000x16xf32, #tpu.memory_space<vmem_shared>> -> memref<1000x16xf32, #tpu.memory_space<vmem_shared>>
        tpu.enqueue_dma source(%arg8 : memref<1000x16xf32, #tpu.memory_space<vmem>>) target(%dma_start3A_46 : memref<1000x16xf32, #tpu.memory_space<vmem_shared>>) target_semaphore(%run_scoped3A : memref<!tpu.dma_semaphore, #tpu.memory_space<semaphore_mem>>)
        %dma_wait3A = arith.constant 0 : i32
        %dma_wait3A_47 = tpu.memref_slice %arg9[%mul3A_43, %dma_wait3A] : memref<10000x16xf32, #tpu.memory_space<vmem_shared>> -> memref<1000x16xf32, #tpu.memory_space<vmem_shared>>
        %dma_wait3A_48 = arith.constant 0 : i32
        %dma_wait3A_49 = tpu.memref_slice %arg9[%mul3A_43, %dma_wait3A_48] : memref<10000x16xf32, #tpu.memory_space<vmem_shared>> -> memref<1000x16xf32, #tpu.memory_space<vmem_shared>>
        tpu.wait_dma2 semaphore(%run_scoped3A : memref<!tpu.dma_semaphore, #tpu.memory_space<semaphore_mem>>) src(%arg8 : memref<1000x16xf32, #tpu.memory_space<vmem>>) dst(%dma_wait3A_49 : memref<1000x16xf32, #tpu.memory_space<vmem_shared>>)
        tpu.yield
      }) : () -> ()
    } else {
    }
    %barrier3A = arith.constant 0 : index
    tpu.barrier barrier_id(%barrier3A)
    %while3A = arith.constant 0 : i32
    %while3A_25 = arith.constant 0 : i32
    %while3A_26 = arith.subi %select_n3A, %while3A_25 : i32
    %while3A_27 = arith.addi %while3A_25, %while3A_26 : i32
    %while3A_28 = arith.constant 1 : i32
    %while3A_29 = arith.divsi %while3A_26, %while3A_28 : i32
    %while3A_30 = arith.muli %while3A_29, %while3A_28 : i32
    %while3A_31 = arith.addi %while3A_25, %while3A_30 : i32
    %while3A_32 = arith.constant 1 : i32
    scf.for %while3A_40 = %while3A_25 to %while3A_31 step %while3A_32  : i32 {
      %mul3A_41 = arith.constant 32 : i32
      %mul3A_42 = arith.muli %while3A_40, %mul3A_41 : i32
      %add3A_43 = arith.addi %add3A, %mul3A_42 : i32
      "tpu.region"() ({
        %run_scoped3A_46 = tpu.sem_alloc : memref<!tpu.dma_semaphore, #tpu.memory_space<semaphore_mem>>
        %dma_start3A = arith.constant 0 : i32
        %dma_start3A_47 = arith.constant 0 : i32
        %dma_start3A_48 = tpu.memref_slice %arg3[%add3A_43, %dma_start3A, %dma_start3A_47] : memref<1250x1x128xi32, #tpu.memory_space<hbm>> -> memref<1x1x128xi32, #tpu.memory_space<hbm>>
        %dma_start3A_49 = tpu.memref_squeeze %dma_start3A_48 : memref<1x1x128xi32, #tpu.memory_space<hbm>> -> memref<1x128xi32, #tpu.memory_space<hbm>>
        %dma_start3A_50 = arith.constant 0 : i32
        %dma_start3A_51 = arith.constant 0 : i32
        %dma_start3A_52 = tpu.memref_slice %arg3[%add3A_43, %dma_start3A_50, %dma_start3A_51] : memref<1250x1x128xi32, #tpu.memory_space<hbm>> -> memref<1x1x128xi32, #tpu.memory_space<hbm>>
        %dma_start3A_53 = tpu.memref_squeeze %dma_start3A_52 : memref<1x1x128xi32, #tpu.memory_space<hbm>> -> memref<1x128xi32, #tpu.memory_space<hbm>>
        tpu.enqueue_dma source(%dma_start3A_53 : memref<1x128xi32, #tpu.memory_space<hbm>>) target(%arg6 : memref<1x128xi32, #tpu.memory_space<vmem>>) target_semaphore(%run_scoped3A_46 : memref<!tpu.dma_semaphore, #tpu.memory_space<semaphore_mem>>)
        %dma_wait3A = arith.constant 0 : i32
        %dma_wait3A_54 = arith.constant 0 : i32
        %dma_wait3A_55 = tpu.memref_slice %arg3[%add3A_43, %dma_wait3A, %dma_wait3A_54] : memref<1250x1x128xi32, #tpu.memory_space<hbm>> -> memref<1x1x128xi32, #tpu.memory_space<hbm>>
        %dma_wait3A_56 = tpu.memref_squeeze %dma_wait3A_55 : memref<1x1x128xi32, #tpu.memory_space<hbm>> -> memref<1x128xi32, #tpu.memory_space<hbm>>
        %dma_wait3A_57 = arith.constant 0 : i32
        %dma_wait3A_58 = arith.constant 0 : i32
        %dma_wait3A_59 = tpu.memref_slice %arg3[%add3A_43, %dma_wait3A_57, %dma_wait3A_58] : memref<1250x1x128xi32, #tpu.memory_space<hbm>> -> memref<1x1x128xi32, #tpu.memory_space<hbm>>
        %dma_wait3A_60 = tpu.memref_squeeze %dma_wait3A_59 : memref<1x1x128xi32, #tpu.memory_space<hbm>> -> memref<1x128xi32, #tpu.memory_space<hbm>>
        tpu.wait_dma2 semaphore(%run_scoped3A_46 : memref<!tpu.dma_semaphore, #tpu.memory_space<semaphore_mem>>) src(%dma_wait3A_60 : memref<1x128xi32, #tpu.memory_space<hbm>>) dst(%arg6 : memref<1x128xi32, #tpu.memory_space<vmem>>)
        tpu.yield
      }) : () -> ()
      %mul3A_44 = arith.constant 128 : i32
      %mul3A_45 = arith.muli %add3A_43, %mul3A_44 : i32
      "tpu.region"() ({
        %run_scoped3A_46 = tpu.sem_alloc : memref<!tpu.dma_semaphore, #tpu.memory_space<semaphore_mem>>
        %dma_start3A = arith.constant 0 : i32
        %dma_start3A_47 = tpu.memref_slice %arg2[%mul3A_45, %dma_start3A] : memref<160000x16xf32, #tpu.memory_space<hbm>> -> memref<128x16xf32, #tpu.memory_space<hbm>>
        %dma_start3A_48 = arith.constant 0 : i32
        %dma_start3A_49 = tpu.memref_slice %arg2[%mul3A_45, %dma_start3A_48] : memref<160000x16xf32, #tpu.memory_space<hbm>> -> memref<128x16xf32, #tpu.memory_space<hbm>>
        tpu.enqueue_dma source(%dma_start3A_49 : memref<128x16xf32, #tpu.memory_space<hbm>>) target(%arg7 : memref<128x16xf32, #tpu.memory_space<vmem>>) target_semaphore(%run_scoped3A_46 : memref<!tpu.dma_semaphore, #tpu.memory_space<semaphore_mem>>)
        %dma_wait3A = arith.constant 0 : i32
        %dma_wait3A_50 = tpu.memref_slice %arg2[%mul3A_45, %dma_wait3A] : memref<160000x16xf32, #tpu.memory_space<hbm>> -> memref<128x16xf32, #tpu.memory_space<hbm>>
        %dma_wait3A_51 = arith.constant 0 : i32
        %dma_wait3A_52 = tpu.memref_slice %arg2[%mul3A_45, %dma_wait3A_51] : memref<160000x16xf32, #tpu.memory_space<hbm>> -> memref<128x16xf32, #tpu.memory_space<hbm>>
        tpu.wait_dma2 semaphore(%run_scoped3A_46 : memref<!tpu.dma_semaphore, #tpu.memory_space<semaphore_mem>>) src(%dma_wait3A_52 : memref<128x16xf32, #tpu.memory_space<hbm>>) dst(%arg7 : memref<128x16xf32, #tpu.memory_space<vmem>>)
        tpu.yield
      }) : () -> ()
      %run_scoped3A = arith.constant 0 : i32
      "tpu.region"() ({
        %run_scoped3A_46 = tpu.sem_alloc : memref<!tpu.dma_semaphore, #tpu.memory_space<semaphore_mem>>
        %dma_start3A = arith.constant 0 : i32
        %dma_start3A_47 = tpu.memref_slice %arg6[%run_scoped3A, %dma_start3A] : memref<1x128xi32, #tpu.memory_space<vmem>> -> memref<1x128xi32, #tpu.memory_space<vmem>>
        %dma_start3A_48 = tpu.memref_squeeze %dma_start3A_47 : memref<1x128xi32, #tpu.memory_space<vmem>> -> memref<128xi32, #tpu.memory_space<vmem>>
        %dma_start3A_49 = arith.constant 0 : i32
        %dma_start3A_50 = arith.constant 0 : i32
        %dma_start3A_51 = tpu.memref_slice %arg9[%dma_start3A_49, %dma_start3A_50] : memref<10000x16xf32, #tpu.memory_space<vmem_shared>> -> memref<10000x16xf32, #tpu.memory_space<vmem_shared>>
        tpu.enqueue_indirect_dma source(%arg7 : memref<128x16xf32, #tpu.memory_space<vmem>>) target(%dma_start3A_51 : memref<10000x16xf32, #tpu.memory_space<vmem_shared>>) offsets(%dma_start3A_48 : memref<128xi32, #tpu.memory_space<vmem>>) semaphore(%run_scoped3A_46 : memref<!tpu.dma_semaphore, #tpu.memory_space<semaphore_mem>>) {add = true}
        %dma_wait3A = arith.constant 0 : i32
        %dma_wait3A_52 = tpu.memref_slice %arg6[%run_scoped3A, %dma_wait3A] : memref<1x128xi32, #tpu.memory_space<vmem>> -> memref<1x128xi32, #tpu.memory_space<vmem>>
        %dma_wait3A_53 = tpu.memref_squeeze %dma_wait3A_52 : memref<1x128xi32, #tpu.memory_space<vmem>> -> memref<128xi32, #tpu.memory_space<vmem>>
        %dma_wait3A_54 = arith.constant 0 : i32
        %dma_wait3A_55 = arith.constant 0 : i32
        %dma_wait3A_56 = tpu.memref_slice %arg9[%dma_wait3A_54, %dma_wait3A_55] : memref<10000x16xf32, #tpu.memory_space<vmem_shared>> -> memref<10000x16xf32, #tpu.memory_space<vmem_shared>>
        tpu.wait_indirect_dma semaphore(%run_scoped3A_46 : memref<!tpu.dma_semaphore, #tpu.memory_space<semaphore_mem>>) src(%arg7 : memref<128x16xf32, #tpu.memory_space<vmem>>) dst(%dma_wait3A_56 : memref<10000x16xf32, #tpu.memory_space<vmem_shared>>)
        tpu.yield
      }) : () -> ()
    }
    %while3A_33 = arith.constant 1 : i32
    scf.for %while3A_40 = %while3A_31 to %while3A_27 step %while3A_33  : i32 {
      %mul3A_41 = arith.constant 32 : i32
      %mul3A_42 = arith.muli %while3A_40, %mul3A_41 : i32
      %add3A_43 = arith.addi %add3A, %mul3A_42 : i32
      "tpu.region"() ({
        %run_scoped3A_46 = tpu.sem_alloc : memref<!tpu.dma_semaphore, #tpu.memory_space<semaphore_mem>>
        %dma_start3A = arith.constant 0 : i32
        %dma_start3A_47 = arith.constant 0 : i32
        %dma_start3A_48 = tpu.memref_slice %arg3[%add3A_43, %dma_start3A, %dma_start3A_47] : memref<1250x1x128xi32, #tpu.memory_space<hbm>> -> memref<1x1x128xi32, #tpu.memory_space<hbm>>
        %dma_start3A_49 = tpu.memref_squeeze %dma_start3A_48 : memref<1x1x128xi32, #tpu.memory_space<hbm>> -> memref<1x128xi32, #tpu.memory_space<hbm>>
        %dma_start3A_50 = arith.constant 0 : i32
        %dma_start3A_51 = arith.constant 0 : i32
        %dma_start3A_52 = tpu.memref_slice %arg3[%add3A_43, %dma_start3A_50, %dma_start3A_51] : memref<1250x1x128xi32, #tpu.memory_space<hbm>> -> memref<1x1x128xi32, #tpu.memory_space<hbm>>
        %dma_start3A_53 = tpu.memref_squeeze %dma_start3A_52 : memref<1x1x128xi32, #tpu.memory_space<hbm>> -> memref<1x128xi32, #tpu.memory_space<hbm>>
        tpu.enqueue_dma source(%dma_start3A_53 : memref<1x128xi32, #tpu.memory_space<hbm>>) target(%arg6 : memref<1x128xi32, #tpu.memory_space<vmem>>) target_semaphore(%run_scoped3A_46 : memref<!tpu.dma_semaphore, #tpu.memory_space<semaphore_mem>>)
        %dma_wait3A = arith.constant 0 : i32
        %dma_wait3A_54 = arith.constant 0 : i32
        %dma_wait3A_55 = tpu.memref_slice %arg3[%add3A_43, %dma_wait3A, %dma_wait3A_54] : memref<1250x1x128xi32, #tpu.memory_space<hbm>> -> memref<1x1x128xi32, #tpu.memory_space<hbm>>
        %dma_wait3A_56 = tpu.memref_squeeze %dma_wait3A_55 : memref<1x1x128xi32, #tpu.memory_space<hbm>> -> memref<1x128xi32, #tpu.memory_space<hbm>>
        %dma_wait3A_57 = arith.constant 0 : i32
        %dma_wait3A_58 = arith.constant 0 : i32
        %dma_wait3A_59 = tpu.memref_slice %arg3[%add3A_43, %dma_wait3A_57, %dma_wait3A_58] : memref<1250x1x128xi32, #tpu.memory_space<hbm>> -> memref<1x1x128xi32, #tpu.memory_space<hbm>>
        %dma_wait3A_60 = tpu.memref_squeeze %dma_wait3A_59 : memref<1x1x128xi32, #tpu.memory_space<hbm>> -> memref<1x128xi32, #tpu.memory_space<hbm>>
        tpu.wait_dma2 semaphore(%run_scoped3A_46 : memref<!tpu.dma_semaphore, #tpu.memory_space<semaphore_mem>>) src(%dma_wait3A_60 : memref<1x128xi32, #tpu.memory_space<hbm>>) dst(%arg6 : memref<1x128xi32, #tpu.memory_space<vmem>>)
        tpu.yield
      }) : () -> ()
      %mul3A_44 = arith.constant 128 : i32
      %mul3A_45 = arith.muli %add3A_43, %mul3A_44 : i32
      "tpu.region"() ({
        %run_scoped3A_46 = tpu.sem_alloc : memref<!tpu.dma_semaphore, #tpu.memory_space<semaphore_mem>>
        %dma_start3A = arith.constant 0 : i32
        %dma_start3A_47 = tpu.memref_slice %arg2[%mul3A_45, %dma_start3A] : memref<160000x16xf32, #tpu.memory_space<hbm>> -> memref<128x16xf32, #tpu.memory_space<hbm>>
        %dma_start3A_48 = arith.constant 0 : i32
        %dma_start3A_49 = tpu.memref_slice %arg2[%mul3A_45, %dma_start3A_48] : memref<160000x16xf32, #tpu.memory_space<hbm>> -> memref<128x16xf32, #tpu.memory_space<hbm>>
        tpu.enqueue_dma source(%dma_start3A_49 : memref<128x16xf32, #tpu.memory_space<hbm>>) target(%arg7 : memref<128x16xf32, #tpu.memory_space<vmem>>) target_semaphore(%run_scoped3A_46 : memref<!tpu.dma_semaphore, #tpu.memory_space<semaphore_mem>>)
        %dma_wait3A = arith.constant 0 : i32
        %dma_wait3A_50 = tpu.memref_slice %arg2[%mul3A_45, %dma_wait3A] : memref<160000x16xf32, #tpu.memory_space<hbm>> -> memref<128x16xf32, #tpu.memory_space<hbm>>
        %dma_wait3A_51 = arith.constant 0 : i32
        %dma_wait3A_52 = tpu.memref_slice %arg2[%mul3A_45, %dma_wait3A_51] : memref<160000x16xf32, #tpu.memory_space<hbm>> -> memref<128x16xf32, #tpu.memory_space<hbm>>
        tpu.wait_dma2 semaphore(%run_scoped3A_46 : memref<!tpu.dma_semaphore, #tpu.memory_space<semaphore_mem>>) src(%dma_wait3A_52 : memref<128x16xf32, #tpu.memory_space<hbm>>) dst(%arg7 : memref<128x16xf32, #tpu.memory_space<vmem>>)
        tpu.yield
      }) : () -> ()
      %run_scoped3A = arith.constant 0 : i32
      "tpu.region"() ({
        %run_scoped3A_46 = tpu.sem_alloc : memref<!tpu.dma_semaphore, #tpu.memory_space<semaphore_mem>>
        %dma_start3A = arith.constant 0 : i32
        %dma_start3A_47 = tpu.memref_slice %arg6[%run_scoped3A, %dma_start3A] : memref<1x128xi32, #tpu.memory_space<vmem>> -> memref<1x128xi32, #tpu.memory_space<vmem>>
        %dma_start3A_48 = tpu.memref_squeeze %dma_start3A_47 : memref<1x128xi32, #tpu.memory_space<vmem>> -> memref<128xi32, #tpu.memory_space<vmem>>
        %dma_start3A_49 = arith.constant 0 : i32
        %dma_start3A_50 = arith.constant 0 : i32
        %dma_start3A_51 = tpu.memref_slice %arg9[%dma_start3A_49, %dma_start3A_50] : memref<10000x16xf32, #tpu.memory_space<vmem_shared>> -> memref<10000x16xf32, #tpu.memory_space<vmem_shared>>
        tpu.enqueue_indirect_dma source(%arg7 : memref<128x16xf32, #tpu.memory_space<vmem>>) target(%dma_start3A_51 : memref<10000x16xf32, #tpu.memory_space<vmem_shared>>) offsets(%dma_start3A_48 : memref<128xi32, #tpu.memory_space<vmem>>) semaphore(%run_scoped3A_46 : memref<!tpu.dma_semaphore, #tpu.memory_space<semaphore_mem>>) {add = true}
        %dma_wait3A = arith.constant 0 : i32
        %dma_wait3A_52 = tpu.memref_slice %arg6[%run_scoped3A, %dma_wait3A] : memref<1x128xi32, #tpu.memory_space<vmem>> -> memref<1x128xi32, #tpu.memory_space<vmem>>
        %dma_wait3A_53 = tpu.memref_squeeze %dma_wait3A_52 : memref<1x128xi32, #tpu.memory_space<vmem>> -> memref<128xi32, #tpu.memory_space<vmem>>
        %dma_wait3A_54 = arith.constant 0 : i32
        %dma_wait3A_55 = arith.constant 0 : i32
        %dma_wait3A_56 = tpu.memref_slice %arg9[%dma_wait3A_54, %dma_wait3A_55] : memref<10000x16xf32, #tpu.memory_space<vmem_shared>> -> memref<10000x16xf32, #tpu.memory_space<vmem_shared>>
        tpu.wait_indirect_dma semaphore(%run_scoped3A_46 : memref<!tpu.dma_semaphore, #tpu.memory_space<semaphore_mem>>) src(%arg7 : memref<128x16xf32, #tpu.memory_space<vmem>>) dst(%dma_wait3A_56 : memref<10000x16xf32, #tpu.memory_space<vmem_shared>>)
        tpu.yield
      }) : () -> ()
    }
    %barrier3A_34 = arith.constant 0 : index
    tpu.barrier barrier_id(%barrier3A_34)
    %lt3A_35 = arith.constant 10 : i32
    %lt3A_36 = arith.cmpi slt, %arg1, %lt3A_35 : i32
    %convert_element_type3A_37 = arith.extui %lt3A_36 : i1 to i32
    %cond3A_38 = arith.constant 0 : i32
    %cond3A_39 = arith.cmpi ne, %convert_element_type3A_37, %cond3A_38 : i32
    scf.if %cond3A_39 {
      %mul3A_40 = arith.constant 1000 : i32
      %mul3A_41 = arith.muli %arg1, %mul3A_40 : i32
      "tpu.region"() ({
        %run_scoped3A = tpu.sem_alloc : memref<!tpu.dma_semaphore, #tpu.memory_space<semaphore_mem>>
        %dma_start3A = arith.constant 0 : i32
        %dma_start3A_44 = tpu.memref_slice %arg9[%mul3A_41, %dma_start3A] : memref<10000x16xf32, #tpu.memory_space<vmem_shared>> -> memref<1000x16xf32, #tpu.memory_space<vmem_shared>>
        %dma_start3A_45 = arith.constant 0 : i32
        %dma_start3A_46 = tpu.memref_slice %arg9[%mul3A_41, %dma_start3A_45] : memref<10000x16xf32, #tpu.memory_space<vmem_shared>> -> memref<1000x16xf32, #tpu.memory_space<vmem_shared>>
        tpu.enqueue_dma source(%dma_start3A_46 : memref<1000x16xf32, #tpu.memory_space<vmem_shared>>) target(%arg8 : memref<1000x16xf32, #tpu.memory_space<vmem>>) target_semaphore(%run_scoped3A : memref<!tpu.dma_semaphore, #tpu.memory_space<semaphore_mem>>)
        %dma_wait3A = arith.constant 0 : i32
        %dma_wait3A_47 = tpu.memref_slice %arg9[%mul3A_41, %dma_wait3A] : memref<10000x16xf32, #tpu.memory_space<vmem_shared>> -> memref<1000x16xf32, #tpu.memory_space<vmem_shared>>
        %dma_wait3A_48 = arith.constant 0 : i32
        %dma_wait3A_49 = tpu.memref_slice %arg9[%mul3A_41, %dma_wait3A_48] : memref<10000x16xf32, #tpu.memory_space<vmem_shared>> -> memref<1000x16xf32, #tpu.memory_space<vmem_shared>>
        tpu.wait_dma2 semaphore(%run_scoped3A : memref<!tpu.dma_semaphore, #tpu.memory_space<semaphore_mem>>) src(%dma_wait3A_49 : memref<1000x16xf32, #tpu.memory_space<vmem_shared>>) dst(%arg8 : memref<1000x16xf32, #tpu.memory_space<vmem>>)
        tpu.yield
      }) : () -> ()
      %mul3A_42 = arith.constant 1000 : i32
      %mul3A_43 = arith.muli %arg1, %mul3A_42 : i32
      "tpu.region"() ({
        %run_scoped3A = tpu.sem_alloc : memref<!tpu.dma_semaphore, #tpu.memory_space<semaphore_mem>>
        %dma_start3A = arith.constant 0 : i32
        %dma_start3A_44 = arith.constant 0 : i32
        %dma_start3A_45 = tpu.memref_slice %arg5[%arg0, %dma_start3A, %dma_start3A_44] : memref<2x10000x16xf32, #tpu.memory_space<hbm>> -> memref<1x10000x16xf32, #tpu.memory_space<hbm>>
        %dma_start3A_46 = tpu.memref_squeeze %dma_start3A_45 : memref<1x10000x16xf32, #tpu.memory_space<hbm>> -> memref<10000x16xf32, #tpu.memory_space<hbm>>
        %dma_start3A_47 = arith.constant 0 : i32
        %dma_start3A_48 = tpu.memref_slice %dma_start3A_46[%mul3A_43, %dma_start3A_47] : memref<10000x16xf32, #tpu.memory_space<hbm>> -> memref<1000x16xf32, #tpu.memory_space<hbm>>
        %dma_start3A_49 = arith.constant 0 : i32
        %dma_start3A_50 = arith.constant 0 : i32
        %dma_start3A_51 = tpu.memref_slice %arg5[%arg0, %dma_start3A_49, %dma_start3A_50] : memref<2x10000x16xf32, #tpu.memory_space<hbm>> -> memref<1x10000x16xf32, #tpu.memory_space<hbm>>
        %dma_start3A_52 = tpu.memref_squeeze %dma_start3A_51 : memref<1x10000x16xf32, #tpu.memory_space<hbm>> -> memref<10000x16xf32, #tpu.memory_space<hbm>>
        %dma_start3A_53 = arith.constant 0 : i32
        %dma_start3A_54 = tpu.memref_slice %dma_start3A_52[%mul3A_43, %dma_start3A_53] : memref<10000x16xf32, #tpu.memory_space<hbm>> -> memref<1000x16xf32, #tpu.memory_space<hbm>>
        tpu.enqueue_dma source(%arg8 : memref<1000x16xf32, #tpu.memory_space<vmem>>) target(%dma_start3A_54 : memref<1000x16xf32, #tpu.memory_space<hbm>>) target_semaphore(%run_scoped3A : memref<!tpu.dma_semaphore, #tpu.memory_space<semaphore_mem>>)
        %dma_wait3A = arith.constant 0 : i32
        %dma_wait3A_55 = arith.constant 0 : i32
        %dma_wait3A_56 = tpu.memref_slice %arg5[%arg0, %dma_wait3A, %dma_wait3A_55] : memref<2x10000x16xf32, #tpu.memory_space<hbm>> -> memref<1x10000x16xf32, #tpu.memory_space<hbm>>
        %dma_wait3A_57 = tpu.memref_squeeze %dma_wait3A_56 : memref<1x10000x16xf32, #tpu.memory_space<hbm>> -> memref<10000x16xf32, #tpu.memory_space<hbm>>
        %dma_wait3A_58 = arith.constant 0 : i32
        %dma_wait3A_59 = tpu.memref_slice %dma_wait3A_57[%mul3A_43, %dma_wait3A_58] : memref<10000x16xf32, #tpu.memory_space<hbm>> -> memref<1000x16xf32, #tpu.memory_space<hbm>>
        %dma_wait3A_60 = arith.constant 0 : i32
        %dma_wait3A_61 = arith.constant 0 : i32
        %dma_wait3A_62 = tpu.memref_slice %arg5[%arg0, %dma_wait3A_60, %dma_wait3A_61] : memref<2x10000x16xf32, #tpu.memory_space<hbm>> -> memref<1x10000x16xf32, #tpu.memory_space<hbm>>
        %dma_wait3A_63 = tpu.memref_squeeze %dma_wait3A_62 : memref<1x10000x16xf32, #tpu.memory_space<hbm>> -> memref<10000x16xf32, #tpu.memory_space<hbm>>
        %dma_wait3A_64 = arith.constant 0 : i32
        %dma_wait3A_65 = tpu.memref_slice %dma_wait3A_63[%mul3A_43, %dma_wait3A_64] : memref<10000x16xf32, #tpu.memory_space<hbm>> -> memref<1000x16xf32, #tpu.memory_space<hbm>>
        tpu.wait_dma2 semaphore(%run_scoped3A : memref<!tpu.dma_semaphore, #tpu.memory_space<semaphore_mem>>) src(%arg8 : memref<1000x16xf32, #tpu.memory_space<vmem>>) dst(%dma_wait3A_65 : memref<1000x16xf32, #tpu.memory_space<hbm>>)
        tpu.yield
      }) : () -> ()
    } else {
    }
    return
  }
}

#map = affine_map<(d0, d1) -> (0, 0)>
#map1 = affine_map<(d0, d1) -> (0, 0, 0)>
module attributes {stable_mosaic.version = 14 : i64} {
  func.func @gk(%arg0: i32, %arg1: i32, %arg2: memref<10000x64xbf16, #tpu.memory_space<hbm>>, %arg3: memref<1250x1x128xi32, #tpu.memory_space<hbm>>, %arg4: memref<160000x64xbf16, #tpu.memory_space<hbm>>, %arg5: memref<1x128xi32, #tpu.memory_space<vmem>>, %arg6: memref<128x64xbf16, #tpu.memory_space<vmem>>, %arg7: memref<!tpu.dma_semaphore, #tpu.memory_space<semaphore_mem>>) attributes {dimension_semantics = [#tpu.dimension_semantics<core_parallel>, #tpu.dimension_semantics<subcore_parallel>], iteration_bounds = array<i64: 2, 16>, scalar_prefetch = 0 : i64, scratch_operands = 3 : i64, tpu.core_type = #tpu.core_type<sc_vector_subcore>, window_params = [{transform_indices = #map}, {transform_indices = #map1}, {transform_indices = #map}]} {
    %mul3A = arith.constant 2 : i32
    %mul3A_0 = arith.muli %arg1, %mul3A : i32
    %add3A = arith.addi %mul3A_0, %arg0 : i32
    %sub3A = arith.constant 1250 : i32
    %sub3A_1 = arith.subi %sub3A, %add3A : i32
    %add3A_2 = arith.constant 32 : i32
    %add3A_3 = arith.addi %sub3A_1, %add3A_2 : i32
    %sub3A_4 = arith.constant 1 : i32
    %sub3A_5 = arith.subi %add3A_3, %sub3A_4 : i32
    %jit3A = arith.constant 32 : i32
    %div3A = arith.divsi %sub3A_5, %jit3A : i32
    %sign3A = arith.constant 0 : i32
    %sign3A_6 = arith.cmpi sgt, %sub3A_5, %sign3A : i32
    %sign3A_7 = arith.extui %sign3A_6 : i1 to i32
    %sign3A_8 = arith.constant 0 : i32
    %sign3A_9 = arith.cmpi slt, %sub3A_5, %sign3A_8 : i32
    %sign3A_10 = arith.extui %sign3A_9 : i1 to i32
    %sign3A_11 = arith.subi %sign3A_7, %sign3A_10 : i32
    %sign3A_12 = arith.constant 0 : i32
    %sign3A_13 = arith.cmpi sgt, %jit3A, %sign3A_12 : i32
    %sign3A_14 = arith.extui %sign3A_13 : i1 to i32
    %sign3A_15 = arith.constant 0 : i32
    %sign3A_16 = arith.cmpi slt, %jit3A, %sign3A_15 : i32
    %sign3A_17 = arith.extui %sign3A_16 : i1 to i32
    %sign3A_18 = arith.subi %sign3A_14, %sign3A_17 : i32
    %ne3A = arith.cmpi ne, %sign3A_11, %sign3A_18 : i32
    %rem3A = arith.remsi %sub3A_5, %jit3A : i32
    %ne3A_19 = arith.constant 0 : i32
    %ne3A_20 = arith.cmpi ne, %rem3A, %ne3A_19 : i32
    %and3A = arith.andi %ne3A, %ne3A_20 : i1
    %sub3A_21 = arith.constant 1 : i32
    %sub3A_22 = arith.subi %div3A, %sub3A_21 : i32
    %select_n3A = arith.select %and3A, %sub3A_22, %div3A : i32
    %while3A = arith.constant 0 : i32
    %while3A_23 = arith.constant 0 : i32
    %while3A_24 = arith.subi %select_n3A, %while3A_23 : i32
    %while3A_25 = arith.addi %while3A_23, %while3A_24 : i32
    %while3A_26 = arith.constant 1 : i32
    %while3A_27 = arith.divsi %while3A_24, %while3A_26 : i32
    %while3A_28 = arith.muli %while3A_27, %while3A_26 : i32
    %while3A_29 = arith.addi %while3A_23, %while3A_28 : i32
    %while3A_30 = arith.constant 1 : i32
    scf.for %while3A_32 = %while3A_23 to %while3A_29 step %while3A_30  : i32 {
      %mul3A_33 = arith.constant 32 : i32
      %mul3A_34 = arith.muli %while3A_32, %mul3A_33 : i32
      %add3A_35 = arith.addi %add3A, %mul3A_34 : i32
      "tpu.region"() ({
        %run_scoped3A = tpu.sem_alloc : memref<!tpu.dma_semaphore, #tpu.memory_space<semaphore_mem>>
        %dma_start3A_50 = arith.constant 0 : i32
        %dma_start3A_51 = arith.constant 0 : i32
        %dma_start3A_52 = tpu.memref_slice %arg3[%add3A_35, %dma_start3A_50, %dma_start3A_51] : memref<1250x1x128xi32, #tpu.memory_space<hbm>> -> memref<1x1x128xi32, #tpu.memory_space<hbm>>
        %dma_start3A_53 = tpu.memref_squeeze %dma_start3A_52 : memref<1x1x128xi32, #tpu.memory_space<hbm>> -> memref<1x128xi32, #tpu.memory_space<hbm>>
        %dma_start3A_54 = arith.constant 0 : i32
        %dma_start3A_55 = arith.constant 0 : i32
        %dma_start3A_56 = tpu.memref_slice %arg3[%add3A_35, %dma_start3A_54, %dma_start3A_55] : memref<1250x1x128xi32, #tpu.memory_space<hbm>> -> memref<1x1x128xi32, #tpu.memory_space<hbm>>
        %dma_start3A_57 = tpu.memref_squeeze %dma_start3A_56 : memref<1x1x128xi32, #tpu.memory_space<hbm>> -> memref<1x128xi32, #tpu.memory_space<hbm>>
        tpu.enqueue_dma source(%dma_start3A_57 : memref<1x128xi32, #tpu.memory_space<hbm>>) target(%arg5 : memref<1x128xi32, #tpu.memory_space<vmem>>) target_semaphore(%run_scoped3A : memref<!tpu.dma_semaphore, #tpu.memory_space<semaphore_mem>>)
        %dma_wait3A_58 = arith.constant 0 : i32
        %dma_wait3A_59 = arith.constant 0 : i32
        %dma_wait3A_60 = tpu.memref_slice %arg3[%add3A_35, %dma_wait3A_58, %dma_wait3A_59] : memref<1250x1x128xi32, #tpu.memory_space<hbm>> -> memref<1x1x128xi32, #tpu.memory_space<hbm>>
        %dma_wait3A_61 = tpu.memref_squeeze %dma_wait3A_60 : memref<1x1x128xi32, #tpu.memory_space<hbm>> -> memref<1x128xi32, #tpu.memory_space<hbm>>
        %dma_wait3A_62 = arith.constant 0 : i32
        %dma_wait3A_63 = arith.constant 0 : i32
        %dma_wait3A_64 = tpu.memref_slice %arg3[%add3A_35, %dma_wait3A_62, %dma_wait3A_63] : memref<1250x1x128xi32, #tpu.memory_space<hbm>> -> memref<1x1x128xi32, #tpu.memory_space<hbm>>
        %dma_wait3A_65 = tpu.memref_squeeze %dma_wait3A_64 : memref<1x1x128xi32, #tpu.memory_space<hbm>> -> memref<1x128xi32, #tpu.memory_space<hbm>>
        tpu.wait_dma2 semaphore(%run_scoped3A : memref<!tpu.dma_semaphore, #tpu.memory_space<semaphore_mem>>) src(%dma_wait3A_65 : memref<1x128xi32, #tpu.memory_space<hbm>>) dst(%arg5 : memref<1x128xi32, #tpu.memory_space<vmem>>)
        tpu.yield
      }) : () -> ()
      %dma_start3A = arith.constant 0 : i32
      %dma_start3A_36 = arith.constant 0 : i32
      %dma_start3A_37 = tpu.memref_slice %arg5[%dma_start3A, %dma_start3A_36] : memref<1x128xi32, #tpu.memory_space<vmem>> -> memref<1x128xi32, #tpu.memory_space<vmem>>
      %dma_start3A_38 = tpu.memref_squeeze %dma_start3A_37 : memref<1x128xi32, #tpu.memory_space<vmem>> -> memref<128xi32, #tpu.memory_space<vmem>>
      %dma_start3A_39 = arith.constant 0 : i32
      %dma_start3A_40 = arith.constant 0 : i32
      %dma_start3A_41 = tpu.memref_slice %arg2[%dma_start3A_39, %dma_start3A_40] : memref<10000x64xbf16, #tpu.memory_space<hbm>> -> memref<10000x64xbf16, #tpu.memory_space<hbm>>
      tpu.enqueue_indirect_dma source(%dma_start3A_41 : memref<10000x64xbf16, #tpu.memory_space<hbm>>) target(%arg6 : memref<128x64xbf16, #tpu.memory_space<vmem>>) offsets(%dma_start3A_38 : memref<128xi32, #tpu.memory_space<vmem>>) semaphore(%arg7 : memref<!tpu.dma_semaphore, #tpu.memory_space<semaphore_mem>>)
      %dma_wait3A = arith.constant 0 : i32
      %dma_wait3A_42 = arith.constant 0 : i32
      %dma_wait3A_43 = tpu.memref_slice %arg5[%dma_wait3A, %dma_wait3A_42] : memref<1x128xi32, #tpu.memory_space<vmem>> -> memref<1x128xi32, #tpu.memory_space<vmem>>
      %dma_wait3A_44 = tpu.memref_squeeze %dma_wait3A_43 : memref<1x128xi32, #tpu.memory_space<vmem>> -> memref<128xi32, #tpu.memory_space<vmem>>
      %dma_wait3A_45 = arith.constant 0 : i32
      %dma_wait3A_46 = arith.constant 0 : i32
      %dma_wait3A_47 = tpu.memref_slice %arg2[%dma_wait3A_45, %dma_wait3A_46] : memref<10000x64xbf16, #tpu.memory_space<hbm>> -> memref<10000x64xbf16, #tpu.memory_space<hbm>>
      tpu.wait_indirect_dma semaphore(%arg7 : memref<!tpu.dma_semaphore, #tpu.memory_space<semaphore_mem>>) src(%dma_wait3A_47 : memref<10000x64xbf16, #tpu.memory_space<hbm>>) dst(%arg6 : memref<128x64xbf16, #tpu.memory_space<vmem>>)
      %mul3A_48 = arith.constant 128 : i32
      %mul3A_49 = arith.muli %add3A_35, %mul3A_48 : i32
      "tpu.region"() ({
        %run_scoped3A = tpu.sem_alloc : memref<!tpu.dma_semaphore, #tpu.memory_space<semaphore_mem>>
        %dma_start3A_50 = arith.constant 0 : i32
        %dma_start3A_51 = tpu.memref_slice %arg4[%mul3A_49, %dma_start3A_50] : memref<160000x64xbf16, #tpu.memory_space<hbm>> -> memref<128x64xbf16, #tpu.memory_space<hbm>>
        %dma_start3A_52 = arith.constant 0 : i32
        %dma_start3A_53 = tpu.memref_slice %arg4[%mul3A_49, %dma_start3A_52] : memref<160000x64xbf16, #tpu.memory_space<hbm>> -> memref<128x64xbf16, #tpu.memory_space<hbm>>
        tpu.enqueue_dma source(%arg6 : memref<128x64xbf16, #tpu.memory_space<vmem>>) target(%dma_start3A_53 : memref<128x64xbf16, #tpu.memory_space<hbm>>) target_semaphore(%run_scoped3A : memref<!tpu.dma_semaphore, #tpu.memory_space<semaphore_mem>>)
        %dma_wait3A_54 = arith.constant 0 : i32
        %dma_wait3A_55 = tpu.memref_slice %arg4[%mul3A_49, %dma_wait3A_54] : memref<160000x64xbf16, #tpu.memory_space<hbm>> -> memref<128x64xbf16, #tpu.memory_space<hbm>>
        %dma_wait3A_56 = arith.constant 0 : i32
        %dma_wait3A_57 = tpu.memref_slice %arg4[%mul3A_49, %dma_wait3A_56] : memref<160000x64xbf16, #tpu.memory_space<hbm>> -> memref<128x64xbf16, #tpu.memory_space<hbm>>
        tpu.wait_dma2 semaphore(%run_scoped3A : memref<!tpu.dma_semaphore, #tpu.memory_space<semaphore_mem>>) src(%arg6 : memref<128x64xbf16, #tpu.memory_space<vmem>>) dst(%dma_wait3A_57 : memref<128x64xbf16, #tpu.memory_space<hbm>>)
        tpu.yield
      }) : () -> ()
    }
    %while3A_31 = arith.constant 1 : i32
    scf.for %while3A_32 = %while3A_29 to %while3A_25 step %while3A_31  : i32 {
      %mul3A_33 = arith.constant 32 : i32
      %mul3A_34 = arith.muli %while3A_32, %mul3A_33 : i32
      %add3A_35 = arith.addi %add3A, %mul3A_34 : i32
      "tpu.region"() ({
        %run_scoped3A = tpu.sem_alloc : memref<!tpu.dma_semaphore, #tpu.memory_space<semaphore_mem>>
        %dma_start3A_50 = arith.constant 0 : i32
        %dma_start3A_51 = arith.constant 0 : i32
        %dma_start3A_52 = tpu.memref_slice %arg3[%add3A_35, %dma_start3A_50, %dma_start3A_51] : memref<1250x1x128xi32, #tpu.memory_space<hbm>> -> memref<1x1x128xi32, #tpu.memory_space<hbm>>
        %dma_start3A_53 = tpu.memref_squeeze %dma_start3A_52 : memref<1x1x128xi32, #tpu.memory_space<hbm>> -> memref<1x128xi32, #tpu.memory_space<hbm>>
        %dma_start3A_54 = arith.constant 0 : i32
        %dma_start3A_55 = arith.constant 0 : i32
        %dma_start3A_56 = tpu.memref_slice %arg3[%add3A_35, %dma_start3A_54, %dma_start3A_55] : memref<1250x1x128xi32, #tpu.memory_space<hbm>> -> memref<1x1x128xi32, #tpu.memory_space<hbm>>
        %dma_start3A_57 = tpu.memref_squeeze %dma_start3A_56 : memref<1x1x128xi32, #tpu.memory_space<hbm>> -> memref<1x128xi32, #tpu.memory_space<hbm>>
        tpu.enqueue_dma source(%dma_start3A_57 : memref<1x128xi32, #tpu.memory_space<hbm>>) target(%arg5 : memref<1x128xi32, #tpu.memory_space<vmem>>) target_semaphore(%run_scoped3A : memref<!tpu.dma_semaphore, #tpu.memory_space<semaphore_mem>>)
        %dma_wait3A_58 = arith.constant 0 : i32
        %dma_wait3A_59 = arith.constant 0 : i32
        %dma_wait3A_60 = tpu.memref_slice %arg3[%add3A_35, %dma_wait3A_58, %dma_wait3A_59] : memref<1250x1x128xi32, #tpu.memory_space<hbm>> -> memref<1x1x128xi32, #tpu.memory_space<hbm>>
        %dma_wait3A_61 = tpu.memref_squeeze %dma_wait3A_60 : memref<1x1x128xi32, #tpu.memory_space<hbm>> -> memref<1x128xi32, #tpu.memory_space<hbm>>
        %dma_wait3A_62 = arith.constant 0 : i32
        %dma_wait3A_63 = arith.constant 0 : i32
        %dma_wait3A_64 = tpu.memref_slice %arg3[%add3A_35, %dma_wait3A_62, %dma_wait3A_63] : memref<1250x1x128xi32, #tpu.memory_space<hbm>> -> memref<1x1x128xi32, #tpu.memory_space<hbm>>
        %dma_wait3A_65 = tpu.memref_squeeze %dma_wait3A_64 : memref<1x1x128xi32, #tpu.memory_space<hbm>> -> memref<1x128xi32, #tpu.memory_space<hbm>>
        tpu.wait_dma2 semaphore(%run_scoped3A : memref<!tpu.dma_semaphore, #tpu.memory_space<semaphore_mem>>) src(%dma_wait3A_65 : memref<1x128xi32, #tpu.memory_space<hbm>>) dst(%arg5 : memref<1x128xi32, #tpu.memory_space<vmem>>)
        tpu.yield
      }) : () -> ()
      %dma_start3A = arith.constant 0 : i32
      %dma_start3A_36 = arith.constant 0 : i32
      %dma_start3A_37 = tpu.memref_slice %arg5[%dma_start3A, %dma_start3A_36] : memref<1x128xi32, #tpu.memory_space<vmem>> -> memref<1x128xi32, #tpu.memory_space<vmem>>
      %dma_start3A_38 = tpu.memref_squeeze %dma_start3A_37 : memref<1x128xi32, #tpu.memory_space<vmem>> -> memref<128xi32, #tpu.memory_space<vmem>>
      %dma_start3A_39 = arith.constant 0 : i32
      %dma_start3A_40 = arith.constant 0 : i32
      %dma_start3A_41 = tpu.memref_slice %arg2[%dma_start3A_39, %dma_start3A_40] : memref<10000x64xbf16, #tpu.memory_space<hbm>> -> memref<10000x64xbf16, #tpu.memory_space<hbm>>
      tpu.enqueue_indirect_dma source(%dma_start3A_41 : memref<10000x64xbf16, #tpu.memory_space<hbm>>) target(%arg6 : memref<128x64xbf16, #tpu.memory_space<vmem>>) offsets(%dma_start3A_38 : memref<128xi32, #tpu.memory_space<vmem>>) semaphore(%arg7 : memref<!tpu.dma_semaphore, #tpu.memory_space<semaphore_mem>>)
      %dma_wait3A = arith.constant 0 : i32
      %dma_wait3A_42 = arith.constant 0 : i32
      %dma_wait3A_43 = tpu.memref_slice %arg5[%dma_wait3A, %dma_wait3A_42] : memref<1x128xi32, #tpu.memory_space<vmem>> -> memref<1x128xi32, #tpu.memory_space<vmem>>
      %dma_wait3A_44 = tpu.memref_squeeze %dma_wait3A_43 : memref<1x128xi32, #tpu.memory_space<vmem>> -> memref<128xi32, #tpu.memory_space<vmem>>
      %dma_wait3A_45 = arith.constant 0 : i32
      %dma_wait3A_46 = arith.constant 0 : i32
      %dma_wait3A_47 = tpu.memref_slice %arg2[%dma_wait3A_45, %dma_wait3A_46] : memref<10000x64xbf16, #tpu.memory_space<hbm>> -> memref<10000x64xbf16, #tpu.memory_space<hbm>>
      tpu.wait_indirect_dma semaphore(%arg7 : memref<!tpu.dma_semaphore, #tpu.memory_space<semaphore_mem>>) src(%dma_wait3A_47 : memref<10000x64xbf16, #tpu.memory_space<hbm>>) dst(%arg6 : memref<128x64xbf16, #tpu.memory_space<vmem>>)
      %mul3A_48 = arith.constant 128 : i32
      %mul3A_49 = arith.muli %add3A_35, %mul3A_48 : i32
      "tpu.region"() ({
        %run_scoped3A = tpu.sem_alloc : memref<!tpu.dma_semaphore, #tpu.memory_space<semaphore_mem>>
        %dma_start3A_50 = arith.constant 0 : i32
        %dma_start3A_51 = tpu.memref_slice %arg4[%mul3A_49, %dma_start3A_50] : memref<160000x64xbf16, #tpu.memory_space<hbm>> -> memref<128x64xbf16, #tpu.memory_space<hbm>>
        %dma_start3A_52 = arith.constant 0 : i32
        %dma_start3A_53 = tpu.memref_slice %arg4[%mul3A_49, %dma_start3A_52] : memref<160000x64xbf16, #tpu.memory_space<hbm>> -> memref<128x64xbf16, #tpu.memory_space<hbm>>
        tpu.enqueue_dma source(%arg6 : memref<128x64xbf16, #tpu.memory_space<vmem>>) target(%dma_start3A_53 : memref<128x64xbf16, #tpu.memory_space<hbm>>) target_semaphore(%run_scoped3A : memref<!tpu.dma_semaphore, #tpu.memory_space<semaphore_mem>>)
        %dma_wait3A_54 = arith.constant 0 : i32
        %dma_wait3A_55 = tpu.memref_slice %arg4[%mul3A_49, %dma_wait3A_54] : memref<160000x64xbf16, #tpu.memory_space<hbm>> -> memref<128x64xbf16, #tpu.memory_space<hbm>>
        %dma_wait3A_56 = arith.constant 0 : i32
        %dma_wait3A_57 = tpu.memref_slice %arg4[%mul3A_49, %dma_wait3A_56] : memref<160000x64xbf16, #tpu.memory_space<hbm>> -> memref<128x64xbf16, #tpu.memory_space<hbm>>
        tpu.wait_dma2 semaphore(%run_scoped3A : memref<!tpu.dma_semaphore, #tpu.memory_space<semaphore_mem>>) src(%arg6 : memref<128x64xbf16, #tpu.memory_space<vmem>>) dst(%dma_wait3A_57 : memref<128x64xbf16, #tpu.memory_space<hbm>>)
        tpu.yield
      }) : () -> ()
    }
    return
  }
}

#map = affine_map<(d0, d1) -> (0, 0)>
#map1 = affine_map<(d0, d1) -> (0, 0, 0)>
module attributes {stable_mosaic.version = 14 : i64} {
  func.func @sk(%arg0: i32, %arg1: i32, %arg2: memref<160000x16xf32, #tpu.memory_space<hbm>>, %arg3: memref<1250x1x128xi32, #tpu.memory_space<hbm>>, %arg4: memref<10000x16xf32, #tpu.memory_space<hbm>>, %arg5: memref<2x10000x16xf32, #tpu.memory_space<hbm>>, %arg6: memref<1x128xi32, #tpu.memory_space<vmem>>, %arg7: memref<128x16xf32, #tpu.memory_space<vmem>>, %arg8: memref<1000x16xf32, #tpu.memory_space<vmem>>, %arg9: memref<10000x16xf32, #tpu.memory_space<vmem_shared>>) attributes {dimension_semantics = [#tpu.dimension_semantics<core_parallel>, #tpu.dimension_semantics<subcore_parallel>], iteration_bounds = array<i64: 2, 16>, scalar_prefetch = 0 : i64, scratch_operands = 4 : i64, tpu.core_type = #tpu.core_type<sc_vector_subcore>, window_params = [{transform_indices = #map}, {transform_indices = #map1}, {transform_indices = #map}, {transform_indices = #map1}]} {
    %mul3A = arith.constant 2 : i32
    %mul3A_0 = arith.muli %arg1, %mul3A : i32
    %add3A = arith.addi %mul3A_0, %arg0 : i32
    %sub3A = arith.constant 1250 : i32
    %sub3A_1 = arith.subi %sub3A, %add3A : i32
    %add3A_2 = arith.constant 32 : i32
    %add3A_3 = arith.addi %sub3A_1, %add3A_2 : i32
    %sub3A_4 = arith.constant 1 : i32
    %sub3A_5 = arith.subi %add3A_3, %sub3A_4 : i32
    %jit3A = arith.constant 32 : i32
    %div3A = arith.divsi %sub3A_5, %jit3A : i32
    %sign3A = arith.constant 0 : i32
    %sign3A_6 = arith.cmpi sgt, %sub3A_5, %sign3A : i32
    %sign3A_7 = arith.extui %sign3A_6 : i1 to i32
    %sign3A_8 = arith.constant 0 : i32
    %sign3A_9 = arith.cmpi slt, %sub3A_5, %sign3A_8 : i32
    %sign3A_10 = arith.extui %sign3A_9 : i1 to i32
    %sign3A_11 = arith.subi %sign3A_7, %sign3A_10 : i32
    %sign3A_12 = arith.constant 0 : i32
    %sign3A_13 = arith.cmpi sgt, %jit3A, %sign3A_12 : i32
    %sign3A_14 = arith.extui %sign3A_13 : i1 to i32
    %sign3A_15 = arith.constant 0 : i32
    %sign3A_16 = arith.cmpi slt, %jit3A, %sign3A_15 : i32
    %sign3A_17 = arith.extui %sign3A_16 : i1 to i32
    %sign3A_18 = arith.subi %sign3A_14, %sign3A_17 : i32
    %ne3A = arith.cmpi ne, %sign3A_11, %sign3A_18 : i32
    %rem3A = arith.remsi %sub3A_5, %jit3A : i32
    %ne3A_19 = arith.constant 0 : i32
    %ne3A_20 = arith.cmpi ne, %rem3A, %ne3A_19 : i32
    %and3A = arith.andi %ne3A, %ne3A_20 : i1
    %sub3A_21 = arith.constant 1 : i32
    %sub3A_22 = arith.subi %div3A, %sub3A_21 : i32
    %select_n3A = arith.select %and3A, %sub3A_22, %div3A : i32
    %lt3A = arith.constant 10 : i32
    %lt3A_23 = arith.cmpi slt, %arg1, %lt3A : i32
    %convert_element_type3A = arith.extui %lt3A_23 : i1 to i32
    %cond3A = arith.constant 0 : i32
    %cond3A_24 = arith.cmpi ne, %convert_element_type3A, %cond3A : i32
    scf.if %cond3A_24 {
      %mul3A_40 = arith.constant 1000 : i32
      %mul3A_41 = arith.muli %arg1, %mul3A_40 : i32
      "tpu.region"() ({
        %run_scoped3A = tpu.sem_alloc : memref<!tpu.dma_semaphore, #tpu.memory_space<semaphore_mem>>
        %dma_start3A = arith.constant 0 : i32
        %dma_start3A_44 = tpu.memref_slice %arg4[%mul3A_41, %dma_start3A] : memref<10000x16xf32, #tpu.memory_space<hbm>> -> memref<1000x16xf32, #tpu.memory_space<hbm>>
        %dma_start3A_45 = arith.constant 0 : i32
        %dma_start3A_46 = tpu.memref_slice %arg4[%mul3A_41, %dma_start3A_45] : memref<10000x16xf32, #tpu.memory_space<hbm>> -> memref<1000x16xf32, #tpu.memory_space<hbm>>
        tpu.enqueue_dma source(%dma_start3A_46 : memref<1000x16xf32, #tpu.memory_space<hbm>>) target(%arg8 : memref<1000x16xf32, #tpu.memory_space<vmem>>) target_semaphore(%run_scoped3A : memref<!tpu.dma_semaphore, #tpu.memory_space<semaphore_mem>>)
        %dma_wait3A = arith.constant 0 : i32
        %dma_wait3A_47 = tpu.memref_slice %arg4[%mul3A_41, %dma_wait3A] : memref<10000x16xf32, #tpu.memory_space<hbm>> -> memref<1000x16xf32, #tpu.memory_space<hbm>>
        %dma_wait3A_48 = arith.constant 0 : i32
        %dma_wait3A_49 = tpu.memref_slice %arg4[%mul3A_41, %dma_wait3A_48] : memref<10000x16xf32, #tpu.memory_space<hbm>> -> memref<1000x16xf32, #tpu.memory_space<hbm>>
        tpu.wait_dma2 semaphore(%run_scoped3A : memref<!tpu.dma_semaphore, #tpu.memory_space<semaphore_mem>>) src(%dma_wait3A_49 : memref<1000x16xf32, #tpu.memory_space<hbm>>) dst(%arg8 : memref<1000x16xf32, #tpu.memory_space<vmem>>)
        tpu.yield
      }) : () -> ()
      %mul3A_42 = arith.constant 1000 : i32
      %mul3A_43 = arith.muli %arg1, %mul3A_42 : i32
      "tpu.region"() ({
        %run_scoped3A = tpu.sem_alloc : memref<!tpu.dma_semaphore, #tpu.memory_space<semaphore_mem>>
        %dma_start3A = arith.constant 0 : i32
        %dma_start3A_44 = tpu.memref_slice %arg9[%mul3A_43, %dma_start3A] : memref<10000x16xf32, #tpu.memory_space<vmem_shared>> -> memref<1000x16xf32, #tpu.memory_space<vmem_shared>>
        %dma_start3A_45 = arith.constant 0 : i32
        %dma_start3A_46 = tpu.memref_slice %arg9[%mul3A_43, %dma_start3A_45] : memref<10000x16xf32, #tpu.memory_space<vmem_shared>> -> memref<1000x16xf32, #tpu.memory_space<vmem_shared>>
        tpu.enqueue_dma source(%arg8 : memref<1000x16xf32, #tpu.memory_space<vmem>>) target(%dma_start3A_46 : memref<1000x16xf32, #tpu.memory_space<vmem_shared>>) target_semaphore(%run_scoped3A : memref<!tpu.dma_semaphore, #tpu.memory_space<semaphore_mem>>)
        %dma_wait3A = arith.constant 0 : i32
        %dma_wait3A_47 = tpu.memref_slice %arg9[%mul3A_43, %dma_wait3A] : memref<10000x16xf32, #tpu.memory_space<vmem_shared>> -> memref<1000x16xf32, #tpu.memory_space<vmem_shared>>
        %dma_wait3A_48 = arith.constant 0 : i32
        %dma_wait3A_49 = tpu.memref_slice %arg9[%mul3A_43, %dma_wait3A_48] : memref<10000x16xf32, #tpu.memory_space<vmem_shared>> -> memref<1000x16xf32, #tpu.memory_space<vmem_shared>>
        tpu.wait_dma2 semaphore(%run_scoped3A : memref<!tpu.dma_semaphore, #tpu.memory_space<semaphore_mem>>) src(%arg8 : memref<1000x16xf32, #tpu.memory_space<vmem>>) dst(%dma_wait3A_49 : memref<1000x16xf32, #tpu.memory_space<vmem_shared>>)
        tpu.yield
      }) : () -> ()
    } else {
    }
    %barrier3A = arith.constant 0 : index
    tpu.barrier barrier_id(%barrier3A)
    %while3A = arith.constant 0 : i32
    %while3A_25 = arith.constant 0 : i32
    %while3A_26 = arith.subi %select_n3A, %while3A_25 : i32
    %while3A_27 = arith.addi %while3A_25, %while3A_26 : i32
    %while3A_28 = arith.constant 1 : i32
    %while3A_29 = arith.divsi %while3A_26, %while3A_28 : i32
    %while3A_30 = arith.muli %while3A_29, %while3A_28 : i32
    %while3A_31 = arith.addi %while3A_25, %while3A_30 : i32
    %while3A_32 = arith.constant 1 : i32
    scf.for %while3A_40 = %while3A_25 to %while3A_31 step %while3A_32  : i32 {
      %mul3A_41 = arith.constant 32 : i32
      %mul3A_42 = arith.muli %while3A_40, %mul3A_41 : i32
      %add3A_43 = arith.addi %add3A, %mul3A_42 : i32
      "tpu.region"() ({
        %run_scoped3A_46 = tpu.sem_alloc : memref<!tpu.dma_semaphore, #tpu.memory_space<semaphore_mem>>
        %dma_start3A = arith.constant 0 : i32
        %dma_start3A_47 = arith.constant 0 : i32
        %dma_start3A_48 = tpu.memref_slice %arg3[%add3A_43, %dma_start3A, %dma_start3A_47] : memref<1250x1x128xi32, #tpu.memory_space<hbm>> -> memref<1x1x128xi32, #tpu.memory_space<hbm>>
        %dma_start3A_49 = tpu.memref_squeeze %dma_start3A_48 : memref<1x1x128xi32, #tpu.memory_space<hbm>> -> memref<1x128xi32, #tpu.memory_space<hbm>>
        %dma_start3A_50 = arith.constant 0 : i32
        %dma_start3A_51 = arith.constant 0 : i32
        %dma_start3A_52 = tpu.memref_slice %arg3[%add3A_43, %dma_start3A_50, %dma_start3A_51] : memref<1250x1x128xi32, #tpu.memory_space<hbm>> -> memref<1x1x128xi32, #tpu.memory_space<hbm>>
        %dma_start3A_53 = tpu.memref_squeeze %dma_start3A_52 : memref<1x1x128xi32, #tpu.memory_space<hbm>> -> memref<1x128xi32, #tpu.memory_space<hbm>>
        tpu.enqueue_dma source(%dma_start3A_53 : memref<1x128xi32, #tpu.memory_space<hbm>>) target(%arg6 : memref<1x128xi32, #tpu.memory_space<vmem>>) target_semaphore(%run_scoped3A_46 : memref<!tpu.dma_semaphore, #tpu.memory_space<semaphore_mem>>)
        %dma_wait3A = arith.constant 0 : i32
        %dma_wait3A_54 = arith.constant 0 : i32
        %dma_wait3A_55 = tpu.memref_slice %arg3[%add3A_43, %dma_wait3A, %dma_wait3A_54] : memref<1250x1x128xi32, #tpu.memory_space<hbm>> -> memref<1x1x128xi32, #tpu.memory_space<hbm>>
        %dma_wait3A_56 = tpu.memref_squeeze %dma_wait3A_55 : memref<1x1x128xi32, #tpu.memory_space<hbm>> -> memref<1x128xi32, #tpu.memory_space<hbm>>
        %dma_wait3A_57 = arith.constant 0 : i32
        %dma_wait3A_58 = arith.constant 0 : i32
        %dma_wait3A_59 = tpu.memref_slice %arg3[%add3A_43, %dma_wait3A_57, %dma_wait3A_58] : memref<1250x1x128xi32, #tpu.memory_space<hbm>> -> memref<1x1x128xi32, #tpu.memory_space<hbm>>
        %dma_wait3A_60 = tpu.memref_squeeze %dma_wait3A_59 : memref<1x1x128xi32, #tpu.memory_space<hbm>> -> memref<1x128xi32, #tpu.memory_space<hbm>>
        tpu.wait_dma2 semaphore(%run_scoped3A_46 : memref<!tpu.dma_semaphore, #tpu.memory_space<semaphore_mem>>) src(%dma_wait3A_60 : memref<1x128xi32, #tpu.memory_space<hbm>>) dst(%arg6 : memref<1x128xi32, #tpu.memory_space<vmem>>)
        tpu.yield
      }) : () -> ()
      %mul3A_44 = arith.constant 128 : i32
      %mul3A_45 = arith.muli %add3A_43, %mul3A_44 : i32
      "tpu.region"() ({
        %run_scoped3A_46 = tpu.sem_alloc : memref<!tpu.dma_semaphore, #tpu.memory_space<semaphore_mem>>
        %dma_start3A = arith.constant 0 : i32
        %dma_start3A_47 = tpu.memref_slice %arg2[%mul3A_45, %dma_start3A] : memref<160000x16xf32, #tpu.memory_space<hbm>> -> memref<128x16xf32, #tpu.memory_space<hbm>>
        %dma_start3A_48 = arith.constant 0 : i32
        %dma_start3A_49 = tpu.memref_slice %arg2[%mul3A_45, %dma_start3A_48] : memref<160000x16xf32, #tpu.memory_space<hbm>> -> memref<128x16xf32, #tpu.memory_space<hbm>>
        tpu.enqueue_dma source(%dma_start3A_49 : memref<128x16xf32, #tpu.memory_space<hbm>>) target(%arg7 : memref<128x16xf32, #tpu.memory_space<vmem>>) target_semaphore(%run_scoped3A_46 : memref<!tpu.dma_semaphore, #tpu.memory_space<semaphore_mem>>)
        %dma_wait3A = arith.constant 0 : i32
        %dma_wait3A_50 = tpu.memref_slice %arg2[%mul3A_45, %dma_wait3A] : memref<160000x16xf32, #tpu.memory_space<hbm>> -> memref<128x16xf32, #tpu.memory_space<hbm>>
        %dma_wait3A_51 = arith.constant 0 : i32
        %dma_wait3A_52 = tpu.memref_slice %arg2[%mul3A_45, %dma_wait3A_51] : memref<160000x16xf32, #tpu.memory_space<hbm>> -> memref<128x16xf32, #tpu.memory_space<hbm>>
        tpu.wait_dma2 semaphore(%run_scoped3A_46 : memref<!tpu.dma_semaphore, #tpu.memory_space<semaphore_mem>>) src(%dma_wait3A_52 : memref<128x16xf32, #tpu.memory_space<hbm>>) dst(%arg7 : memref<128x16xf32, #tpu.memory_space<vmem>>)
        tpu.yield
      }) : () -> ()
      %run_scoped3A = arith.constant 0 : i32
      "tpu.region"() ({
        %run_scoped3A_46 = tpu.sem_alloc : memref<!tpu.dma_semaphore, #tpu.memory_space<semaphore_mem>>
        %dma_start3A = arith.constant 0 : i32
        %dma_start3A_47 = tpu.memref_slice %arg6[%run_scoped3A, %dma_start3A] : memref<1x128xi32, #tpu.memory_space<vmem>> -> memref<1x128xi32, #tpu.memory_space<vmem>>
        %dma_start3A_48 = tpu.memref_squeeze %dma_start3A_47 : memref<1x128xi32, #tpu.memory_space<vmem>> -> memref<128xi32, #tpu.memory_space<vmem>>
        %dma_start3A_49 = arith.constant 0 : i32
        %dma_start3A_50 = arith.constant 0 : i32
        %dma_start3A_51 = tpu.memref_slice %arg9[%dma_start3A_49, %dma_start3A_50] : memref<10000x16xf32, #tpu.memory_space<vmem_shared>> -> memref<10000x16xf32, #tpu.memory_space<vmem_shared>>
        tpu.enqueue_indirect_dma source(%arg7 : memref<128x16xf32, #tpu.memory_space<vmem>>) target(%dma_start3A_51 : memref<10000x16xf32, #tpu.memory_space<vmem_shared>>) offsets(%dma_start3A_48 : memref<128xi32, #tpu.memory_space<vmem>>) semaphore(%run_scoped3A_46 : memref<!tpu.dma_semaphore, #tpu.memory_space<semaphore_mem>>) {add = true}
        %dma_wait3A = arith.constant 0 : i32
        %dma_wait3A_52 = tpu.memref_slice %arg6[%run_scoped3A, %dma_wait3A] : memref<1x128xi32, #tpu.memory_space<vmem>> -> memref<1x128xi32, #tpu.memory_space<vmem>>
        %dma_wait3A_53 = tpu.memref_squeeze %dma_wait3A_52 : memref<1x128xi32, #tpu.memory_space<vmem>> -> memref<128xi32, #tpu.memory_space<vmem>>
        %dma_wait3A_54 = arith.constant 0 : i32
        %dma_wait3A_55 = arith.constant 0 : i32
        %dma_wait3A_56 = tpu.memref_slice %arg9[%dma_wait3A_54, %dma_wait3A_55] : memref<10000x16xf32, #tpu.memory_space<vmem_shared>> -> memref<10000x16xf32, #tpu.memory_space<vmem_shared>>
        tpu.wait_indirect_dma semaphore(%run_scoped3A_46 : memref<!tpu.dma_semaphore, #tpu.memory_space<semaphore_mem>>) src(%arg7 : memref<128x16xf32, #tpu.memory_space<vmem>>) dst(%dma_wait3A_56 : memref<10000x16xf32, #tpu.memory_space<vmem_shared>>)
        tpu.yield
      }) : () -> ()
    }
    %while3A_33 = arith.constant 1 : i32
    scf.for %while3A_40 = %while3A_31 to %while3A_27 step %while3A_33  : i32 {
      %mul3A_41 = arith.constant 32 : i32
      %mul3A_42 = arith.muli %while3A_40, %mul3A_41 : i32
      %add3A_43 = arith.addi %add3A, %mul3A_42 : i32
      "tpu.region"() ({
        %run_scoped3A_46 = tpu.sem_alloc : memref<!tpu.dma_semaphore, #tpu.memory_space<semaphore_mem>>
        %dma_start3A = arith.constant 0 : i32
        %dma_start3A_47 = arith.constant 0 : i32
        %dma_start3A_48 = tpu.memref_slice %arg3[%add3A_43, %dma_start3A, %dma_start3A_47] : memref<1250x1x128xi32, #tpu.memory_space<hbm>> -> memref<1x1x128xi32, #tpu.memory_space<hbm>>
        %dma_start3A_49 = tpu.memref_squeeze %dma_start3A_48 : memref<1x1x128xi32, #tpu.memory_space<hbm>> -> memref<1x128xi32, #tpu.memory_space<hbm>>
        %dma_start3A_50 = arith.constant 0 : i32
        %dma_start3A_51 = arith.constant 0 : i32
        %dma_start3A_52 = tpu.memref_slice %arg3[%add3A_43, %dma_start3A_50, %dma_start3A_51] : memref<1250x1x128xi32, #tpu.memory_space<hbm>> -> memref<1x1x128xi32, #tpu.memory_space<hbm>>
        %dma_start3A_53 = tpu.memref_squeeze %dma_start3A_52 : memref<1x1x128xi32, #tpu.memory_space<hbm>> -> memref<1x128xi32, #tpu.memory_space<hbm>>
        tpu.enqueue_dma source(%dma_start3A_53 : memref<1x128xi32, #tpu.memory_space<hbm>>) target(%arg6 : memref<1x128xi32, #tpu.memory_space<vmem>>) target_semaphore(%run_scoped3A_46 : memref<!tpu.dma_semaphore, #tpu.memory_space<semaphore_mem>>)
        %dma_wait3A = arith.constant 0 : i32
        %dma_wait3A_54 = arith.constant 0 : i32
        %dma_wait3A_55 = tpu.memref_slice %arg3[%add3A_43, %dma_wait3A, %dma_wait3A_54] : memref<1250x1x128xi32, #tpu.memory_space<hbm>> -> memref<1x1x128xi32, #tpu.memory_space<hbm>>
        %dma_wait3A_56 = tpu.memref_squeeze %dma_wait3A_55 : memref<1x1x128xi32, #tpu.memory_space<hbm>> -> memref<1x128xi32, #tpu.memory_space<hbm>>
        %dma_wait3A_57 = arith.constant 0 : i32
        %dma_wait3A_58 = arith.constant 0 : i32
        %dma_wait3A_59 = tpu.memref_slice %arg3[%add3A_43, %dma_wait3A_57, %dma_wait3A_58] : memref<1250x1x128xi32, #tpu.memory_space<hbm>> -> memref<1x1x128xi32, #tpu.memory_space<hbm>>
        %dma_wait3A_60 = tpu.memref_squeeze %dma_wait3A_59 : memref<1x1x128xi32, #tpu.memory_space<hbm>> -> memref<1x128xi32, #tpu.memory_space<hbm>>
        tpu.wait_dma2 semaphore(%run_scoped3A_46 : memref<!tpu.dma_semaphore, #tpu.memory_space<semaphore_mem>>) src(%dma_wait3A_60 : memref<1x128xi32, #tpu.memory_space<hbm>>) dst(%arg6 : memref<1x128xi32, #tpu.memory_space<vmem>>)
        tpu.yield
      }) : () -> ()
      %mul3A_44 = arith.constant 128 : i32
      %mul3A_45 = arith.muli %add3A_43, %mul3A_44 : i32
      "tpu.region"() ({
        %run_scoped3A_46 = tpu.sem_alloc : memref<!tpu.dma_semaphore, #tpu.memory_space<semaphore_mem>>
        %dma_start3A = arith.constant 0 : i32
        %dma_start3A_47 = tpu.memref_slice %arg2[%mul3A_45, %dma_start3A] : memref<160000x16xf32, #tpu.memory_space<hbm>> -> memref<128x16xf32, #tpu.memory_space<hbm>>
        %dma_start3A_48 = arith.constant 0 : i32
        %dma_start3A_49 = tpu.memref_slice %arg2[%mul3A_45, %dma_start3A_48] : memref<160000x16xf32, #tpu.memory_space<hbm>> -> memref<128x16xf32, #tpu.memory_space<hbm>>
        tpu.enqueue_dma source(%dma_start3A_49 : memref<128x16xf32, #tpu.memory_space<hbm>>) target(%arg7 : memref<128x16xf32, #tpu.memory_space<vmem>>) target_semaphore(%run_scoped3A_46 : memref<!tpu.dma_semaphore, #tpu.memory_space<semaphore_mem>>)
        %dma_wait3A = arith.constant 0 : i32
        %dma_wait3A_50 = tpu.memref_slice %arg2[%mul3A_45, %dma_wait3A] : memref<160000x16xf32, #tpu.memory_space<hbm>> -> memref<128x16xf32, #tpu.memory_space<hbm>>
        %dma_wait3A_51 = arith.constant 0 : i32
        %dma_wait3A_52 = tpu.memref_slice %arg2[%mul3A_45, %dma_wait3A_51] : memref<160000x16xf32, #tpu.memory_space<hbm>> -> memref<128x16xf32, #tpu.memory_space<hbm>>
        tpu.wait_dma2 semaphore(%run_scoped3A_46 : memref<!tpu.dma_semaphore, #tpu.memory_space<semaphore_mem>>) src(%dma_wait3A_52 : memref<128x16xf32, #tpu.memory_space<hbm>>) dst(%arg7 : memref<128x16xf32, #tpu.memory_space<vmem>>)
        tpu.yield
      }) : () -> ()
      %run_scoped3A = arith.constant 0 : i32
      "tpu.region"() ({
        %run_scoped3A_46 = tpu.sem_alloc : memref<!tpu.dma_semaphore, #tpu.memory_space<semaphore_mem>>
        %dma_start3A = arith.constant 0 : i32
        %dma_start3A_47 = tpu.memref_slice %arg6[%run_scoped3A, %dma_start3A] : memref<1x128xi32, #tpu.memory_space<vmem>> -> memref<1x128xi32, #tpu.memory_space<vmem>>
        %dma_start3A_48 = tpu.memref_squeeze %dma_start3A_47 : memref<1x128xi32, #tpu.memory_space<vmem>> -> memref<128xi32, #tpu.memory_space<vmem>>
        %dma_start3A_49 = arith.constant 0 : i32
        %dma_start3A_50 = arith.constant 0 : i32
        %dma_start3A_51 = tpu.memref_slice %arg9[%dma_start3A_49, %dma_start3A_50] : memref<10000x16xf32, #tpu.memory_space<vmem_shared>> -> memref<10000x16xf32, #tpu.memory_space<vmem_shared>>
        tpu.enqueue_indirect_dma source(%arg7 : memref<128x16xf32, #tpu.memory_space<vmem>>) target(%dma_start3A_51 : memref<10000x16xf32, #tpu.memory_space<vmem_shared>>) offsets(%dma_start3A_48 : memref<128xi32, #tpu.memory_space<vmem>>) semaphore(%run_scoped3A_46 : memref<!tpu.dma_semaphore, #tpu.memory_space<semaphore_mem>>) {add = true}
        %dma_wait3A = arith.constant 0 : i32
        %dma_wait3A_52 = tpu.memref_slice %arg6[%run_scoped3A, %dma_wait3A] : memref<1x128xi32, #tpu.memory_space<vmem>> -> memref<1x128xi32, #tpu.memory_space<vmem>>
        %dma_wait3A_53 = tpu.memref_squeeze %dma_wait3A_52 : memref<1x128xi32, #tpu.memory_space<vmem>> -> memref<128xi32, #tpu.memory_space<vmem>>
        %dma_wait3A_54 = arith.constant 0 : i32
        %dma_wait3A_55 = arith.constant 0 : i32
        %dma_wait3A_56 = tpu.memref_slice %arg9[%dma_wait3A_54, %dma_wait3A_55] : memref<10000x16xf32, #tpu.memory_space<vmem_shared>> -> memref<10000x16xf32, #tpu.memory_space<vmem_shared>>
        tpu.wait_indirect_dma semaphore(%run_scoped3A_46 : memref<!tpu.dma_semaphore, #tpu.memory_space<semaphore_mem>>) src(%arg7 : memref<128x16xf32, #tpu.memory_space<vmem>>) dst(%dma_wait3A_56 : memref<10000x16xf32, #tpu.memory_space<vmem_shared>>)
        tpu.yield
      }) : () -> ()
    }
    %barrier3A_34 = arith.constant 0 : index
    tpu.barrier barrier_id(%barrier3A_34)
    %lt3A_35 = arith.constant 10 : i32
    %lt3A_36 = arith.cmpi slt, %arg1, %lt3A_35 : i32
    %convert_element_type3A_37 = arith.extui %lt3A_36 : i1 to i32
    %cond3A_38 = arith.constant 0 : i32
    %cond3A_39 = arith.cmpi ne, %convert_element_type3A_37, %cond3A_38 : i32
    scf.if %cond3A_39 {
      %mul3A_40 = arith.constant 1000 : i32
      %mul3A_41 = arith.muli %arg1, %mul3A_40 : i32
      "tpu.region"() ({
        %run_scoped3A = tpu.sem_alloc : memref<!tpu.dma_semaphore, #tpu.memory_space<semaphore_mem>>
        %dma_start3A = arith.constant 0 : i32
        %dma_start3A_44 = tpu.memref_slice %arg9[%mul3A_41, %dma_start3A] : memref<10000x16xf32, #tpu.memory_space<vmem_shared>> -> memref<1000x16xf32, #tpu.memory_space<vmem_shared>>
        %dma_start3A_45 = arith.constant 0 : i32
        %dma_start3A_46 = tpu.memref_slice %arg9[%mul3A_41, %dma_start3A_45] : memref<10000x16xf32, #tpu.memory_space<vmem_shared>> -> memref<1000x16xf32, #tpu.memory_space<vmem_shared>>
        tpu.enqueue_dma source(%dma_start3A_46 : memref<1000x16xf32, #tpu.memory_space<vmem_shared>>) target(%arg8 : memref<1000x16xf32, #tpu.memory_space<vmem>>) target_semaphore(%run_scoped3A : memref<!tpu.dma_semaphore, #tpu.memory_space<semaphore_mem>>)
        %dma_wait3A = arith.constant 0 : i32
        %dma_wait3A_47 = tpu.memref_slice %arg9[%mul3A_41, %dma_wait3A] : memref<10000x16xf32, #tpu.memory_space<vmem_shared>> -> memref<1000x16xf32, #tpu.memory_space<vmem_shared>>
        %dma_wait3A_48 = arith.constant 0 : i32
        %dma_wait3A_49 = tpu.memref_slice %arg9[%mul3A_41, %dma_wait3A_48] : memref<10000x16xf32, #tpu.memory_space<vmem_shared>> -> memref<1000x16xf32, #tpu.memory_space<vmem_shared>>
        tpu.wait_dma2 semaphore(%run_scoped3A : memref<!tpu.dma_semaphore, #tpu.memory_space<semaphore_mem>>) src(%dma_wait3A_49 : memref<1000x16xf32, #tpu.memory_space<vmem_shared>>) dst(%arg8 : memref<1000x16xf32, #tpu.memory_space<vmem>>)
        tpu.yield
      }) : () -> ()
      %mul3A_42 = arith.constant 1000 : i32
      %mul3A_43 = arith.muli %arg1, %mul3A_42 : i32
      "tpu.region"() ({
        %run_scoped3A = tpu.sem_alloc : memref<!tpu.dma_semaphore, #tpu.memory_space<semaphore_mem>>
        %dma_start3A = arith.constant 0 : i32
        %dma_start3A_44 = arith.constant 0 : i32
        %dma_start3A_45 = tpu.memref_slice %arg5[%arg0, %dma_start3A, %dma_start3A_44] : memref<2x10000x16xf32, #tpu.memory_space<hbm>> -> memref<1x10000x16xf32, #tpu.memory_space<hbm>>
        %dma_start3A_46 = tpu.memref_squeeze %dma_start3A_45 : memref<1x10000x16xf32, #tpu.memory_space<hbm>> -> memref<10000x16xf32, #tpu.memory_space<hbm>>
        %dma_start3A_47 = arith.constant 0 : i32
        %dma_start3A_48 = tpu.memref_slice %dma_start3A_46[%mul3A_43, %dma_start3A_47] : memref<10000x16xf32, #tpu.memory_space<hbm>> -> memref<1000x16xf32, #tpu.memory_space<hbm>>
        %dma_start3A_49 = arith.constant 0 : i32
        %dma_start3A_50 = arith.constant 0 : i32
        %dma_start3A_51 = tpu.memref_slice %arg5[%arg0, %dma_start3A_49, %dma_start3A_50] : memref<2x10000x16xf32, #tpu.memory_space<hbm>> -> memref<1x10000x16xf32, #tpu.memory_space<hbm>>
        %dma_start3A_52 = tpu.memref_squeeze %dma_start3A_51 : memref<1x10000x16xf32, #tpu.memory_space<hbm>> -> memref<10000x16xf32, #tpu.memory_space<hbm>>
        %dma_start3A_53 = arith.constant 0 : i32
        %dma_start3A_54 = tpu.memref_slice %dma_start3A_52[%mul3A_43, %dma_start3A_53] : memref<10000x16xf32, #tpu.memory_space<hbm>> -> memref<1000x16xf32, #tpu.memory_space<hbm>>
        tpu.enqueue_dma source(%arg8 : memref<1000x16xf32, #tpu.memory_space<vmem>>) target(%dma_start3A_54 : memref<1000x16xf32, #tpu.memory_space<hbm>>) target_semaphore(%run_scoped3A : memref<!tpu.dma_semaphore, #tpu.memory_space<semaphore_mem>>)
        %dma_wait3A = arith.constant 0 : i32
        %dma_wait3A_55 = arith.constant 0 : i32
        %dma_wait3A_56 = tpu.memref_slice %arg5[%arg0, %dma_wait3A, %dma_wait3A_55] : memref<2x10000x16xf32, #tpu.memory_space<hbm>> -> memref<1x10000x16xf32, #tpu.memory_space<hbm>>
        %dma_wait3A_57 = tpu.memref_squeeze %dma_wait3A_56 : memref<1x10000x16xf32, #tpu.memory_space<hbm>> -> memref<10000x16xf32, #tpu.memory_space<hbm>>
        %dma_wait3A_58 = arith.constant 0 : i32
        %dma_wait3A_59 = tpu.memref_slice %dma_wait3A_57[%mul3A_43, %dma_wait3A_58] : memref<10000x16xf32, #tpu.memory_space<hbm>> -> memref<1000x16xf32, #tpu.memory_space<hbm>>
        %dma_wait3A_60 = arith.constant 0 : i32
        %dma_wait3A_61 = arith.constant 0 : i32
        %dma_wait3A_62 = tpu.memref_slice %arg5[%arg0, %dma_wait3A_60, %dma_wait3A_61] : memref<2x10000x16xf32, #tpu.memory_space<hbm>> -> memref<1x10000x16xf32, #tpu.memory_space<hbm>>
        %dma_wait3A_63 = tpu.memref_squeeze %dma_wait3A_62 : memref<1x10000x16xf32, #tpu.memory_space<hbm>> -> memref<10000x16xf32, #tpu.memory_space<hbm>>
        %dma_wait3A_64 = arith.constant 0 : i32
        %dma_wait3A_65 = tpu.memref_slice %dma_wait3A_63[%mul3A_43, %dma_wait3A_64] : memref<10000x16xf32, #tpu.memory_space<hbm>> -> memref<1000x16xf32, #tpu.memory_space<hbm>>
        tpu.wait_dma2 semaphore(%run_scoped3A : memref<!tpu.dma_semaphore, #tpu.memory_space<semaphore_mem>>) src(%arg8 : memref<1000x16xf32, #tpu.memory_space<vmem>>) dst(%dma_wait3A_65 : memref<1000x16xf32, #tpu.memory_space<hbm>>)
        tpu.yield
      }) : () -> ()
    } else {
    }
    return
  }
}

module attributes {stable_mosaic.version = 14 : i64} {
  func.func @body(%arg0: i32, %arg1: memref<4000x16xbf16, #tpu.memory_space<vmem>>, %arg2: memref<4000x128xbf16, #tpu.memory_space<vmem>>, %arg3: memref<16x1024xbf16, #tpu.memory_space<vmem>>, %arg4: memref<1x1024xf32, #tpu.memory_space<vmem>>, %arg5: memref<1024x1024xbf16, #tpu.memory_space<vmem>>, %arg6: memref<1x1024xf32, #tpu.memory_space<vmem>>, %arg7: memref<1024x8xbf16, #tpu.memory_space<vmem>>, %arg8: memref<4000x16xf32, #tpu.memory_space<vmem>>) attributes {dimension_semantics = [#tpu.dimension_semantics<arbitrary>], iteration_bounds = array<i64: 40>, scalar_prefetch = 0 : i64, scratch_operands = 0 : i64, tpu.core_type = #tpu.core_type<tc>, window_params = [{transform_indices = @transform_0, window_bounds = array<i64: 4000, 16>}, {transform_indices = @transform_1, window_bounds = array<i64: 4000, 128>}, {pipeline_mode = #tpu.pipeline_mode<synchronous>, transform_indices = @transform_2, window_bounds = array<i64: 16, 1024>}, {pipeline_mode = #tpu.pipeline_mode<synchronous>, transform_indices = @transform_3, window_bounds = array<i64: 1, 1024>}, {pipeline_mode = #tpu.pipeline_mode<synchronous>, transform_indices = @transform_4, window_bounds = array<i64: 1024, 1024>}, {pipeline_mode = #tpu.pipeline_mode<synchronous>, transform_indices = @transform_5, window_bounds = array<i64: 1, 1024>}, {pipeline_mode = #tpu.pipeline_mode<synchronous>, transform_indices = @transform_6, window_bounds = array<i64: 1024, 8>}, {transform_indices = @transform_7, window_bounds = array<i64: 4000, 16>}]} {
    %get3A = arith.constant 0 : index
    %get3A_0 = arith.constant 0 : index
    %get3A_1 = vector.load %arg1[%get3A, %get3A_0] : memref<4000x16xbf16, #tpu.memory_space<vmem>>, vector<4000x16xbf16>
    %get3A_2 = arith.constant 0 : index
    %get3A_3 = arith.constant 0 : index
    %get3A_4 = vector.load %arg3[%get3A_2, %get3A_3] : memref<16x1024xbf16, #tpu.memory_space<vmem>>, vector<16x1024xbf16>
    %dot_general3A = arith.constant dense<0.000000e+00> : vector<4000x1024xf32>
    %dot_general3A_5 = tpu.matmul %get3A_1, %get3A_4, %dot_general3A {dimension_numbers = #tpu.dot_dimension_numbers<[1], [0], [0], [1], [0, 0, 1, 1], [], []>, transpose_lhs_hint = false} : vector<4000x16xbf16>, vector<16x1024xbf16>, vector<4000x1024xf32> -> vector<4000x1024xf32>
    %get3A_6 = arith.constant 0 : index
    %get3A_7 = arith.constant 0 : index
    %get3A_8 = vector.load %arg4[%get3A_6, %get3A_7] : memref<1x1024xf32, #tpu.memory_space<vmem>>, vector<1x1024xf32>
    %add3A = vector.broadcast %get3A_8 : vector<1x1024xf32> to vector<4000x1024xf32>
    %add3A_9 = arith.addf %dot_general3A_5, %add3A : vector<4000x1024xf32>
    %max3A = arith.constant 0.000000e+00 : f32
    %max3A_10 = vector.broadcast %max3A : f32 to vector<4000x1024xf32>
    %max3A_11 = arith.maximumf %add3A_9, %max3A_10 : vector<4000x1024xf32>
    %convert_element_type3A = arith.truncf %max3A_11 : vector<4000x1024xf32> to vector<4000x1024xbf16>
    %get3A_12 = arith.constant 0 : index
    %get3A_13 = arith.constant 0 : index
    %get3A_14 = vector.load %arg5[%get3A_12, %get3A_13] : memref<1024x1024xbf16, #tpu.memory_space<vmem>>, vector<1024x1024xbf16>
    %dot_general3A_15 = arith.constant dense<0.000000e+00> : vector<4000x1024xf32>
    %dot_general3A_16 = tpu.matmul %convert_element_type3A, %get3A_14, %dot_general3A_15 {dimension_numbers = #tpu.dot_dimension_numbers<[1], [0], [0], [1], [0, 0, 1, 1], [], []>, transpose_lhs_hint = false} : vector<4000x1024xbf16>, vector<1024x1024xbf16>, vector<4000x1024xf32> -> vector<4000x1024xf32>
    %get3A_17 = arith.constant 0 : index
    %get3A_18 = arith.constant 0 : index
    %get3A_19 = vector.load %arg6[%get3A_17, %get3A_18] : memref<1x1024xf32, #tpu.memory_space<vmem>>, vector<1x1024xf32>
    %add3A_20 = vector.broadcast %get3A_19 : vector<1x1024xf32> to vector<4000x1024xf32>
    %add3A_21 = arith.addf %dot_general3A_16, %add3A_20 : vector<4000x1024xf32>
    %get3A_22 = arith.constant 0 : index
    %get3A_23 = arith.constant 0 : index
    %get3A_24 = vector.load %arg2[%get3A_22, %get3A_23] : memref<4000x128xbf16, #tpu.memory_space<vmem>>, vector<4000x128xbf16>
    %concatenate3A = tpu.concatenate %get3A_24, %get3A_24, %get3A_24, %get3A_24, %get3A_24, %get3A_24, %get3A_24, %get3A_24 in 1 : vector<4000x128xbf16>, vector<4000x128xbf16>, vector<4000x128xbf16>, vector<4000x128xbf16>, vector<4000x128xbf16>, vector<4000x128xbf16>, vector<4000x128xbf16>, vector<4000x128xbf16> -> vector<4000x1024xbf16>
    %convert_element_type3A_25 = arith.truncf %add3A_21 : vector<4000x1024xf32> to vector<4000x1024xbf16>
    %mul3A = arith.mulf %convert_element_type3A_25, %concatenate3A : vector<4000x1024xbf16>
    %get3A_26 = arith.constant 0 : index
    %get3A_27 = arith.constant 0 : index
    %get3A_28 = vector.load %arg7[%get3A_26, %get3A_27] : memref<1024x8xbf16, #tpu.memory_space<vmem>>, vector<1024x8xbf16>
    %dot_general3A_29 = arith.constant dense<0.000000e+00> : vector<4000x8xf32>
    %dot_general3A_30 = tpu.matmul %mul3A, %get3A_28, %dot_general3A_29 {dimension_numbers = #tpu.dot_dimension_numbers<[1], [0], [0], [1], [0, 0, 1, 1], [], []>, transpose_lhs_hint = false} : vector<4000x1024xbf16>, vector<1024x8xbf16>, vector<4000x8xf32> -> vector<4000x8xf32>
    %broadcast_in_dim3A = arith.constant 0.000000e+00 : f32
    %broadcast_in_dim3A_31 = vector.broadcast %broadcast_in_dim3A : f32 to vector<4000x8xf32>
    %concatenate3A_32 = tpu.concatenate %dot_general3A_30, %broadcast_in_dim3A_31 in 1 : vector<4000x8xf32>, vector<4000x8xf32> -> vector<4000x16xf32>
    %swap3A = arith.constant 0 : index
    %swap3A_33 = arith.constant 0 : index
    %swap3A_34 = vector.load %arg8[%swap3A, %swap3A_33] : memref<4000x16xf32, #tpu.memory_space<vmem>>, vector<4000x16xf32>
    tpu.vector_store %arg8[%swap3A, %swap3A_33], %concatenate3A_32 {strides = array<i32>} : memref<4000x16xf32, #tpu.memory_space<vmem>>, vector<4000x16xf32>,
    return
  }
  func.func @transform_0(%arg0: i32) -> (i32, i32) {
    %c0_i32 = arith.constant 0 : i32
    %c0_i32_0 = arith.constant 0 : i32
    return %arg0, %c0_i32 : i32, i32
  }
  func.func @transform_1(%arg0: i32) -> (i32, i32) {
    %c0_i32 = arith.constant 0 : i32
    %c0_i32_0 = arith.constant 0 : i32
    return %arg0, %c0_i32 : i32, i32
  }
  func.func @transform_2(%arg0: i32) -> (i32, i32) {
    %c0_i32 = arith.constant 0 : i32
    %c0_i32_0 = arith.constant 0 : i32
    %c0_i32_1 = arith.constant 0 : i32
    return %c0_i32, %c0_i32_0 : i32, i32
  }
  func.func @transform_3(%arg0: i32) -> (i32, i32) {
    %c0_i32 = arith.constant 0 : i32
    %c0_i32_0 = arith.constant 0 : i32
    %c0_i32_1 = arith.constant 0 : i32
    return %c0_i32, %c0_i32_0 : i32, i32
  }
  func.func @transform_4(%arg0: i32) -> (i32, i32) {
    %c0_i32 = arith.constant 0 : i32
    %c0_i32_0 = arith.constant 0 : i32
    %c0_i32_1 = arith.constant 0 : i32
    return %c0_i32, %c0_i32_0 : i32, i32
  }
  func.func @transform_5(%arg0: i32) -> (i32, i32) {
    %c0_i32 = arith.constant 0 : i32
    %c0_i32_0 = arith.constant 0 : i32
    %c0_i32_1 = arith.constant 0 : i32
    return %c0_i32, %c0_i32_0 : i32, i32
  }
  func.func @transform_6(%arg0: i32) -> (i32, i32) {
    %c0_i32 = arith.constant 0 : i32
    %c0_i32_0 = arith.constant 0 : i32
    %c0_i32_1 = arith.constant 0 : i32
    return %c0_i32, %c0_i32_0 : i32, i32
  }
  func.func @transform_7(%arg0: i32) -> (i32, i32) {
    %c0_i32 = arith.constant 0 : i32
    %c0_i32_0 = arith.constant 0 : i32
    return %arg0, %c0_i32 : i32, i32
  }
}

module attributes {stable_mosaic.version = 14 : i64} {
  func.func @body(%arg0: i32, %arg1: memref<2x1000x16xf32, #tpu.memory_space<vmem>>, %arg2: memref<1000x128xf32, #tpu.memory_space<vmem>>, %arg3: memref<128x8xf32, #tpu.memory_space<vmem>>, %arg4: memref<1x8xf32, #tpu.memory_space<vmem>>, %arg5: memref<1x8xf32, #tpu.memory_space<vmem>>, %arg6: memref<1x8xf32, #tpu.memory_space<vmem>>, %arg7: memref<1000x64xbf16, #tpu.memory_space<vmem>>) attributes {dimension_semantics = [#tpu.dimension_semantics<arbitrary>], iteration_bounds = array<i64: 10>, scalar_prefetch = 0 : i64, scratch_operands = 0 : i64, tpu.core_type = #tpu.core_type<tc>, window_params = [{transform_indices = @transform_0, window_bounds = array<i64: 2, 1000, 16>}, {transform_indices = @transform_1, window_bounds = array<i64: 1000, 128>}, {pipeline_mode = #tpu.pipeline_mode<synchronous>, transform_indices = @transform_2, window_bounds = array<i64: 128, 8>}, {pipeline_mode = #tpu.pipeline_mode<synchronous>, transform_indices = @transform_3, window_bounds = array<i64: 1, 8>}, {pipeline_mode = #tpu.pipeline_mode<synchronous>, transform_indices = @transform_4, window_bounds = array<i64: 1, 8>}, {pipeline_mode = #tpu.pipeline_mode<synchronous>, transform_indices = @transform_5, window_bounds = array<i64: 1, 8>}, {transform_indices = @transform_6, window_bounds = array<i64: 1000, 64>}]} {
    %get3A = arith.constant 0 : index
    %get3A_0 = arith.constant 0 : index
    %get3A_1 = arith.constant 0 : index
    %get3A_2 = vector.load %arg1[%get3A, %get3A_0, %get3A_1] : memref<2x1000x16xf32, #tpu.memory_space<vmem>>, vector<1x1000x8xf32>
    %get3A_3 = vector.shape_cast %get3A_2 : vector<1x1000x8xf32> to vector<1000x8xf32>
    %get3A_4 = arith.constant 1 : index
    %get3A_5 = arith.constant 0 : index
    %get3A_6 = arith.constant 0 : index
    %get3A_7 = vector.load %arg1[%get3A_4, %get3A_5, %get3A_6] : memref<2x1000x16xf32, #tpu.memory_space<vmem>>, vector<1x1000x8xf32>
    %get3A_8 = vector.shape_cast %get3A_7 : vector<1x1000x8xf32> to vector<1000x8xf32>
    %add3A = arith.addf %get3A_3, %get3A_8 : vector<1000x8xf32>
    %get3A_9 = arith.constant 0 : index
    %get3A_10 = arith.constant 0 : index
    %get3A_11 = vector.load %arg2[%get3A_9, %get3A_10] : memref<1000x128xf32, #tpu.memory_space<vmem>>, vector<1000x128xf32>
    %get3A_12 = arith.constant 0 : index
    %get3A_13 = arith.constant 0 : index
    %get3A_14 = vector.load %arg3[%get3A_12, %get3A_13] : memref<128x8xf32, #tpu.memory_space<vmem>>, vector<128x8xf32>
    %dot_general3A = arith.constant dense<0.000000e+00> : vector<1000x8xf32>
    %dot_general3A_15 = tpu.matmul %get3A_11, %get3A_14, %dot_general3A {dimension_numbers = #tpu.dot_dimension_numbers<[1], [0], [0], [1], [0, 0, 1, 1], [], []>, transpose_lhs_hint = false} : vector<1000x128xf32>, vector<128x8xf32>, vector<1000x8xf32> -> vector<1000x8xf32>
    %add3A_16 = arith.addf %add3A, %dot_general3A_15 : vector<1000x8xf32>
    %get3A_17 = arith.constant 0 : index
    %get3A_18 = arith.constant 0 : index
    %get3A_19 = vector.load %arg4[%get3A_17, %get3A_18] : memref<1x8xf32, #tpu.memory_space<vmem>>, vector<1x8xf32>
    %add3A_20 = vector.broadcast %get3A_19 : vector<1x8xf32> to vector<1000x8xf32>
    %add3A_21 = arith.addf %add3A_16, %add3A_20 : vector<1000x8xf32>
    %get3A_22 = arith.constant 0 : index
    %get3A_23 = arith.constant 0 : index
    %get3A_24 = vector.load %arg5[%get3A_22, %get3A_23] : memref<1x8xf32, #tpu.memory_space<vmem>>, vector<1x8xf32>
    %get3A_25 = arith.constant 0 : index
    %get3A_26 = arith.constant 0 : index
    %get3A_27 = vector.load %arg6[%get3A_25, %get3A_26] : memref<1x8xf32, #tpu.memory_space<vmem>>, vector<1x8xf32>
    %reduce_sum3A = arith.constant dense<0.000000e+00> : vector<1000xf32>
    %reduce_sum3A_28 = vector.multi_reduction <add>, %add3A_21, %reduce_sum3A [1] : vector<1000x8xf32> to vector<1000xf32>
    %broadcast_in_dim3A = vector.shape_cast %reduce_sum3A_28 : vector<1000xf32> to vector<1000x1xf32>
    %div3A = arith.constant 8.000000e+00 : f32
    %div3A_29 = vector.broadcast %div3A : f32 to vector<1000x1xf32>
    %div3A_30 = arith.divf %broadcast_in_dim3A, %div3A_29 : vector<1000x1xf32>
    %sub3A = vector.broadcast %div3A_30 : vector<1000x1xf32> to vector<1000x8xf32>
    %sub3A_31 = arith.subf %add3A_21, %sub3A : vector<1000x8xf32>
    %integer_pow3A = arith.mulf %sub3A_31, %sub3A_31 : vector<1000x8xf32>
    %reduce_sum3A_32 = arith.constant dense<0.000000e+00> : vector<1000xf32>
    %reduce_sum3A_33 = vector.multi_reduction <add>, %integer_pow3A, %reduce_sum3A_32 [1] : vector<1000x8xf32> to vector<1000xf32>
    %broadcast_in_dim3A_34 = vector.shape_cast %reduce_sum3A_33 : vector<1000xf32> to vector<1000x1xf32>
    %div3A_35 = arith.constant 8.000000e+00 : f32
    %div3A_36 = vector.broadcast %div3A_35 : f32 to vector<1000x1xf32>
    %div3A_37 = arith.divf %broadcast_in_dim3A_34, %div3A_36 : vector<1000x1xf32>
    %sub3A_38 = vector.broadcast %div3A_30 : vector<1000x1xf32> to vector<1000x8xf32>
    %sub3A_39 = arith.subf %add3A_21, %sub3A_38 : vector<1000x8xf32>
    %add3A_40 = arith.constant 9.99999974E-6 : f32
    %add3A_41 = vector.broadcast %add3A_40 : f32 to vector<1000x1xf32>
    %add3A_42 = arith.addf %div3A_37, %add3A_41 : vector<1000x1xf32>
    %rsqrt3A = math.rsqrt %add3A_42 : vector<1000x1xf32>
    %mul3A = vector.broadcast %rsqrt3A : vector<1000x1xf32> to vector<1000x8xf32>
    %mul3A_43 = arith.mulf %sub3A_39, %mul3A : vector<1000x8xf32>
    %mul3A_44 = vector.broadcast %get3A_24 : vector<1x8xf32> to vector<1000x8xf32>
    %mul3A_45 = arith.mulf %mul3A_43, %mul3A_44 : vector<1000x8xf32>
    %add3A_46 = vector.broadcast %get3A_27 : vector<1x8xf32> to vector<1000x8xf32>
    %add3A_47 = arith.addf %mul3A_45, %add3A_46 : vector<1000x8xf32>
    %ge3A = arith.constant 0.000000e+00 : f32
    %ge3A_48 = vector.broadcast %ge3A : f32 to vector<1000x8xf32>
    %ge3A_49 = arith.cmpf oge, %add3A_47, %ge3A_48 : vector<1000x8xf32>
    %mul3A_50 = arith.constant 1.000000e-01 : f32
    %mul3A_51 = vector.broadcast %mul3A_50 : f32 to vector<1000x8xf32>
    %mul3A_52 = arith.mulf %mul3A_51, %add3A_47 : vector<1000x8xf32>
    %select_n3A = arith.select %ge3A_49, %add3A_47, %mul3A_52 : vector<1000x8xi1>, vector<1000x8xf32>
    %concatenate3A = tpu.concatenate %select_n3A, %select_n3A, %select_n3A, %select_n3A, %select_n3A, %select_n3A, %select_n3A, %select_n3A in 1 : vector<1000x8xf32>, vector<1000x8xf32>, vector<1000x8xf32>, vector<1000x8xf32>, vector<1000x8xf32>, vector<1000x8xf32>, vector<1000x8xf32>, vector<1000x8xf32> -> vector<1000x64xf32>
    %convert_element_type3A = arith.truncf %concatenate3A : vector<1000x64xf32> to vector<1000x64xbf16>
    %swap3A = arith.constant 0 : index
    %swap3A_53 = arith.constant 0 : index
    %swap3A_54 = vector.load %arg7[%swap3A, %swap3A_53] : memref<1000x64xbf16, #tpu.memory_space<vmem>>, vector<1000x64xbf16>
    tpu.vector_store %arg7[%swap3A, %swap3A_53], %convert_element_type3A {strides = array<i32>} : memref<1000x64xbf16, #tpu.memory_space<vmem>>, vector<1000x64xbf16>,
    return
  }
  func.func @transform_0(%arg0: i32) -> (i32, i32, i32) {
    %c0_i32 = arith.constant 0 : i32
    %c0_i32_0 = arith.constant 0 : i32
    %c0_i32_1 = arith.constant 0 : i32
    return %c0_i32, %arg0, %c0_i32_0 : i32, i32, i32
  }
  func.func @transform_1(%arg0: i32) -> (i32, i32) {
    %c0_i32 = arith.constant 0 : i32
    %c0_i32_0 = arith.constant 0 : i32
    return %arg0, %c0_i32 : i32, i32
  }
  func.func @transform_2(%arg0: i32) -> (i32, i32) {
    %c0_i32 = arith.constant 0 : i32
    %c0_i32_0 = arith.constant 0 : i32
    %c0_i32_1 = arith.constant 0 : i32
    return %c0_i32, %c0_i32_0 : i32, i32
  }
  func.func @transform_3(%arg0: i32) -> (i32, i32) {
    %c0_i32 = arith.constant 0 : i32
    %c0_i32_0 = arith.constant 0 : i32
    %c0_i32_1 = arith.constant 0 : i32
    return %c0_i32, %c0_i32_0 : i32, i32
  }
  func.func @transform_4(%arg0: i32) -> (i32, i32) {
    %c0_i32 = arith.constant 0 : i32
    %c0_i32_0 = arith.constant 0 : i32
    %c0_i32_1 = arith.constant 0 : i32
    return %c0_i32, %c0_i32_0 : i32, i32
  }
  func.func @transform_5(%arg0: i32) -> (i32, i32) {
    %c0_i32 = arith.constant 0 : i32
    %c0_i32_0 = arith.constant 0 : i32
    %c0_i32_1 = arith.constant 0 : i32
    return %c0_i32, %c0_i32_0 : i32, i32
  }
  func.func @transform_6(%arg0: i32) -> (i32, i32) {
    %c0_i32 = arith.constant 0 : i32
    %c0_i32_0 = arith.constant 0 : i32
    return %arg0, %c0_i32 : i32, i32
  }
}

module attributes {stable_mosaic.version = 14 : i64} {
  func.func @body(%arg0: i32, %arg1: memref<4000x16xf32, #tpu.memory_space<vmem>>, %arg2: memref<4000x64xbf16, #tpu.memory_space<vmem>>, %arg3: memref<16x64xf32, #tpu.memory_space<vmem>>, %arg4: memref<1x64xf32, #tpu.memory_space<vmem>>, %arg5: memref<64x64xf32, #tpu.memory_space<vmem>>, %arg6: memref<1x64xf32, #tpu.memory_space<vmem>>, %arg7: memref<64x8xbf16, #tpu.memory_space<vmem>>, %arg8: memref<4000x16xf32, #tpu.memory_space<vmem>>) attributes {dimension_semantics = [#tpu.dimension_semantics<arbitrary>], iteration_bounds = array<i64: 40>, scalar_prefetch = 0 : i64, scratch_operands = 0 : i64, tpu.core_type = #tpu.core_type<tc>, window_params = [{transform_indices = @transform_0, window_bounds = array<i64: 4000, 16>}, {transform_indices = @transform_1, window_bounds = array<i64: 4000, 64>}, {pipeline_mode = #tpu.pipeline_mode<synchronous>, transform_indices = @transform_2, window_bounds = array<i64: 16, 64>}, {pipeline_mode = #tpu.pipeline_mode<synchronous>, transform_indices = @transform_3, window_bounds = array<i64: 1, 64>}, {pipeline_mode = #tpu.pipeline_mode<synchronous>, transform_indices = @transform_4, window_bounds = array<i64: 64, 64>}, {pipeline_mode = #tpu.pipeline_mode<synchronous>, transform_indices = @transform_5, window_bounds = array<i64: 1, 64>}, {pipeline_mode = #tpu.pipeline_mode<synchronous>, transform_indices = @transform_6, window_bounds = array<i64: 64, 8>}, {transform_indices = @transform_7, window_bounds = array<i64: 4000, 16>}]} {
    %get3A = arith.constant 0 : index
    %get3A_0 = arith.constant 0 : index
    %get3A_1 = vector.load %arg1[%get3A, %get3A_0] : memref<4000x16xf32, #tpu.memory_space<vmem>>, vector<4000x16xf32>
    %get3A_2 = arith.constant 0 : index
    %get3A_3 = arith.constant 0 : index
    %get3A_4 = vector.load %arg3[%get3A_2, %get3A_3] : memref<16x64xf32, #tpu.memory_space<vmem>>, vector<16x64xf32>
    %dot_general3A = arith.constant dense<0.000000e+00> : vector<4000x64xf32>
    %dot_general3A_5 = tpu.matmul %get3A_1, %get3A_4, %dot_general3A {dimension_numbers = #tpu.dot_dimension_numbers<[1], [0], [0], [1], [0, 0, 1, 1], [], []>, transpose_lhs_hint = false} : vector<4000x16xf32>, vector<16x64xf32>, vector<4000x64xf32> -> vector<4000x64xf32>
    %get3A_6 = arith.constant 0 : index
    %get3A_7 = arith.constant 0 : index
    %get3A_8 = vector.load %arg4[%get3A_6, %get3A_7] : memref<1x64xf32, #tpu.memory_space<vmem>>, vector<1x64xf32>
    %add3A = vector.broadcast %get3A_8 : vector<1x64xf32> to vector<4000x64xf32>
    %add3A_9 = arith.addf %dot_general3A_5, %add3A : vector<4000x64xf32>
    %max3A = arith.constant 0.000000e+00 : f32
    %max3A_10 = vector.broadcast %max3A : f32 to vector<4000x64xf32>
    %max3A_11 = arith.maximumf %add3A_9, %max3A_10 : vector<4000x64xf32>
    %get3A_12 = arith.constant 0 : index
    %get3A_13 = arith.constant 0 : index
    %get3A_14 = vector.load %arg5[%get3A_12, %get3A_13] : memref<64x64xf32, #tpu.memory_space<vmem>>, vector<64x64xf32>
    %dot_general3A_15 = arith.constant dense<0.000000e+00> : vector<4000x64xf32>
    %dot_general3A_16 = tpu.matmul %max3A_11, %get3A_14, %dot_general3A_15 {dimension_numbers = #tpu.dot_dimension_numbers<[1], [0], [0], [1], [0, 0, 1, 1], [], []>, transpose_lhs_hint = false} : vector<4000x64xf32>, vector<64x64xf32>, vector<4000x64xf32> -> vector<4000x64xf32>
    %get3A_17 = arith.constant 0 : index
    %get3A_18 = arith.constant 0 : index
    %get3A_19 = vector.load %arg6[%get3A_17, %get3A_18] : memref<1x64xf32, #tpu.memory_space<vmem>>, vector<1x64xf32>
    %add3A_20 = vector.broadcast %get3A_19 : vector<1x64xf32> to vector<4000x64xf32>
    %add3A_21 = arith.addf %dot_general3A_16, %add3A_20 : vector<4000x64xf32>
    %convert_element_type3A = arith.truncf %add3A_21 : vector<4000x64xf32> to vector<4000x64xbf16>
    %get3A_22 = arith.constant 0 : index
    %get3A_23 = arith.constant 0 : index
    %get3A_24 = vector.load %arg2[%get3A_22, %get3A_23] : memref<4000x64xbf16, #tpu.memory_space<vmem>>, vector<4000x64xbf16>
    %mul3A = arith.mulf %convert_element_type3A, %get3A_24 : vector<4000x64xbf16>
    %get3A_25 = arith.constant 0 : index
    %get3A_26 = arith.constant 0 : index
    %get3A_27 = vector.load %arg7[%get3A_25, %get3A_26] : memref<64x8xbf16, #tpu.memory_space<vmem>>, vector<64x8xbf16>
    %dot_general3A_28 = arith.constant dense<0.000000e+00> : vector<4000x8xf32>
    %dot_general3A_29 = tpu.matmul %mul3A, %get3A_27, %dot_general3A_28 {dimension_numbers = #tpu.dot_dimension_numbers<[1], [0], [0], [1], [0, 0, 1, 1], [], []>, transpose_lhs_hint = false} : vector<4000x64xbf16>, vector<64x8xbf16>, vector<4000x8xf32> -> vector<4000x8xf32>
    %broadcast_in_dim3A = arith.constant 0.000000e+00 : f32
    %broadcast_in_dim3A_30 = vector.broadcast %broadcast_in_dim3A : f32 to vector<4000x8xf32>
    %concatenate3A = tpu.concatenate %dot_general3A_29, %broadcast_in_dim3A_30 in 1 : vector<4000x8xf32>, vector<4000x8xf32> -> vector<4000x16xf32>
    %swap3A = arith.constant 0 : index
    %swap3A_31 = arith.constant 0 : index
    %swap3A_32 = vector.load %arg8[%swap3A, %swap3A_31] : memref<4000x16xf32, #tpu.memory_space<vmem>>, vector<4000x16xf32>
    tpu.vector_store %arg8[%swap3A, %swap3A_31], %concatenate3A {strides = array<i32>} : memref<4000x16xf32, #tpu.memory_space<vmem>>, vector<4000x16xf32>,
    return
  }
  func.func @transform_0(%arg0: i32) -> (i32, i32) {
    %c0_i32 = arith.constant 0 : i32
    %c0_i32_0 = arith.constant 0 : i32
    return %arg0, %c0_i32 : i32, i32
  }
  func.func @transform_1(%arg0: i32) -> (i32, i32) {
    %c0_i32 = arith.constant 0 : i32
    %c0_i32_0 = arith.constant 0 : i32
    return %arg0, %c0_i32 : i32, i32
  }
  func.func @transform_2(%arg0: i32) -> (i32, i32) {
    %c0_i32 = arith.constant 0 : i32
    %c0_i32_0 = arith.constant 0 : i32
    %c0_i32_1 = arith.constant 0 : i32
    return %c0_i32, %c0_i32_0 : i32, i32
  }
  func.func @transform_3(%arg0: i32) -> (i32, i32) {
    %c0_i32 = arith.constant 0 : i32
    %c0_i32_0 = arith.constant 0 : i32
    %c0_i32_1 = arith.constant 0 : i32
    return %c0_i32, %c0_i32_0 : i32, i32
  }
  func.func @transform_4(%arg0: i32) -> (i32, i32) {
    %c0_i32 = arith.constant 0 : i32
    %c0_i32_0 = arith.constant 0 : i32
    %c0_i32_1 = arith.constant 0 : i32
    return %c0_i32, %c0_i32_0 : i32, i32
  }
  func.func @transform_5(%arg0: i32) -> (i32, i32) {
    %c0_i32 = arith.constant 0 : i32
    %c0_i32_0 = arith.constant 0 : i32
    %c0_i32_1 = arith.constant 0 : i32
    return %c0_i32, %c0_i32_0 : i32, i32
  }
  func.func @transform_6(%arg0: i32) -> (i32, i32) {
    %c0_i32 = arith.constant 0 : i32
    %c0_i32_0 = arith.constant 0 : i32
    %c0_i32_1 = arith.constant 0 : i32
    return %c0_i32, %c0_i32_0 : i32, i32
  }
  func.func @transform_7(%arg0: i32) -> (i32, i32) {
    %c0_i32 = arith.constant 0 : i32
    %c0_i32_0 = arith.constant 0 : i32
    return %arg0, %c0_i32 : i32, i32
  }
}

module attributes {stable_mosaic.version = 14 : i64} {
  func.func @body(%arg0: i32, %arg1: memref<2x1000x16xf32, #tpu.memory_space<vmem>>, %arg2: memref<1000x64xbf16, #tpu.memory_space<vmem>>, %arg3: memref<1x16x1000xf32, #tpu.memory_space<vmem>>, %arg4: memref<1000x16xf32, #tpu.memory_space<vmem>>, %arg5: memref<8x8xf32, #tpu.memory_space<vmem>>, %arg6: memref<1x8xf32, #tpu.memory_space<vmem>>, %arg7: memref<1x8xf32, #tpu.memory_space<vmem>>, %arg8: memref<1x8xf32, #tpu.memory_space<vmem>>, %arg9: memref<16x64xf32, #tpu.memory_space<vmem>>, %arg10: memref<1x64xf32, #tpu.memory_space<vmem>>, %arg11: memref<16x64xf32, #tpu.memory_space<vmem>>, %arg12: memref<16x8xf32, #tpu.memory_space<vmem>>, %arg13: memref<16x8xf32, #tpu.memory_space<vmem>>, %arg14: memref<16x1xf32, #tpu.memory_space<vmem>>) attributes {dimension_semantics = [#tpu.dimension_semantics<arbitrary>], iteration_bounds = array<i64: 10>, scalar_prefetch = 0 : i64, scratch_operands = 3 : i64, tpu.core_type = #tpu.core_type<tc>, window_params = [{transform_indices = @transform_0, window_bounds = array<i64: 2, 1000, 16>}, {transform_indices = @transform_1, window_bounds = array<i64: 1000, 64>}, {transform_indices = @transform_2, window_bounds = array<i64: 1, 16, 1000>}, {transform_indices = @transform_3, window_bounds = array<i64: 1000, 16>}, {pipeline_mode = #tpu.pipeline_mode<synchronous>, transform_indices = @transform_4, window_bounds = array<i64: 8, 8>}, {pipeline_mode = #tpu.pipeline_mode<synchronous>, transform_indices = @transform_5, window_bounds = array<i64: 1, 8>}, {pipeline_mode = #tpu.pipeline_mode<synchronous>, transform_indices = @transform_6, window_bounds = array<i64: 1, 8>}, {pipeline_mode = #tpu.pipeline_mode<synchronous>, transform_indices = @transform_7, window_bounds = array<i64: 1, 8>}, {pipeline_mode = #tpu.pipeline_mode<synchronous>, transform_indices = @transform_8, window_bounds = array<i64: 16, 64>}, {pipeline_mode = #tpu.pipeline_mode<synchronous>, transform_indices = @transform_9, window_bounds = array<i64: 1, 64>}, {pipeline_mode = #tpu.pipeline_mode<synchronous>, transform_indices = @transform_10, window_bounds = array<i64: 16, 64>}]} {
    %eq3A = arith.constant 0 : i32
    %eq3A_0 = arith.cmpi eq, %arg0, %eq3A : i32
    %convert_element_type3A = arith.extui %eq3A_0 : i1 to i32
    %cond3A = arith.constant 0 : i32
    %cond3A_1 = arith.cmpi ne, %convert_element_type3A, %cond3A : i32
    scf.if %cond3A_1 {
      %broadcast_in_dim3A_388 = arith.constant 0xFF800000 : f32
      %broadcast_in_dim3A_389 = vector.broadcast %broadcast_in_dim3A_388 : f32 to vector<16x8xf32>
      %swap3A_390 = arith.constant 0 : index
      %swap3A_391 = arith.constant 0 : index
      %swap3A_392 = vector.load %arg12[%swap3A_390, %swap3A_391] : memref<16x8xf32, #tpu.memory_space<vmem>>, vector<16x8xf32>
      tpu.vector_store %arg12[%swap3A_390, %swap3A_391], %broadcast_in_dim3A_389 {strides = array<i32>} : memref<16x8xf32, #tpu.memory_space<vmem>>, vector<16x8xf32>,
      %broadcast_in_dim3A_393 = arith.constant 0.000000e+00 : f32
      %broadcast_in_dim3A_394 = vector.broadcast %broadcast_in_dim3A_393 : f32 to vector<16x8xf32>
      %swap3A_395 = arith.constant 0 : index
      %swap3A_396 = arith.constant 0 : index
      %swap3A_397 = vector.load %arg13[%swap3A_395, %swap3A_396] : memref<16x8xf32, #tpu.memory_space<vmem>>, vector<16x8xf32>
      tpu.vector_store %arg13[%swap3A_395, %swap3A_396], %broadcast_in_dim3A_394 {strides = array<i32>} : memref<16x8xf32, #tpu.memory_space<vmem>>, vector<16x8xf32>,
      %broadcast_in_dim3A_398 = arith.constant 0.000000e+00 : f32
      %broadcast_in_dim3A_399 = vector.broadcast %broadcast_in_dim3A_398 : f32 to vector<16x1xf32>
      %swap3A_400 = arith.constant 0 : index
      %swap3A_401 = arith.constant 0 : index
      %swap3A_402 = vector.load %arg14[%swap3A_400, %swap3A_401] : memref<16x1xf32, #tpu.memory_space<vmem>>, vector<16x1xf32>
      tpu.vector_store %arg14[%swap3A_400, %swap3A_401], %broadcast_in_dim3A_399 {strides = array<i32>} : memref<16x1xf32, #tpu.memory_space<vmem>>, vector<16x1xf32>,
    } else {
    }
    %get3A = arith.constant 0 : index
    %get3A_2 = arith.constant 0 : index
    %get3A_3 = vector.load %arg2[%get3A, %get3A_2] : memref<1000x64xbf16, #tpu.memory_space<vmem>>, vector<1000x64xbf16>
    %slice3A = vector.extract_strided_slice %get3A_3 {offsets = [0, 0], sizes = [1000, 8], strides = [1, 1]} : vector<1000x64xbf16> to vector<1000x8xbf16>
    %convert_element_type3A_4 = arith.extf %slice3A : vector<1000x8xbf16> to vector<1000x8xf32>
    %get3A_5 = arith.constant 0 : index
    %get3A_6 = arith.constant 0 : index
    %get3A_7 = arith.constant 0 : index
    %get3A_8 = vector.load %arg1[%get3A_5, %get3A_6, %get3A_7] : memref<2x1000x16xf32, #tpu.memory_space<vmem>>, vector<1x1000x8xf32>
    %get3A_9 = vector.shape_cast %get3A_8 : vector<1x1000x8xf32> to vector<1000x8xf32>
    %get3A_10 = arith.constant 1 : index
    %get3A_11 = arith.constant 0 : index
    %get3A_12 = arith.constant 0 : index
    %get3A_13 = vector.load %arg1[%get3A_10, %get3A_11, %get3A_12] : memref<2x1000x16xf32, #tpu.memory_space<vmem>>, vector<1x1000x8xf32>
    %get3A_14 = vector.shape_cast %get3A_13 : vector<1x1000x8xf32> to vector<1000x8xf32>
    %add3A = arith.addf %get3A_9, %get3A_14 : vector<1000x8xf32>
    %get3A_15 = arith.constant 0 : index
    %get3A_16 = arith.constant 0 : index
    %get3A_17 = vector.load %arg5[%get3A_15, %get3A_16] : memref<8x8xf32, #tpu.memory_space<vmem>>, vector<8x8xf32>
    %dot_general3A = arith.constant dense<0.000000e+00> : vector<1000x8xf32>
    %dot_general3A_18 = tpu.matmul %convert_element_type3A_4, %get3A_17, %dot_general3A {dimension_numbers = #tpu.dot_dimension_numbers<[1], [0], [0], [1], [0, 0, 1, 1], [], []>, transpose_lhs_hint = false} : vector<1000x8xf32>, vector<8x8xf32>, vector<1000x8xf32> -> vector<1000x8xf32>
    %add3A_19 = arith.addf %add3A, %dot_general3A_18 : vector<1000x8xf32>
    %get3A_20 = arith.constant 0 : index
    %get3A_21 = arith.constant 0 : index
    %get3A_22 = vector.load %arg6[%get3A_20, %get3A_21] : memref<1x8xf32, #tpu.memory_space<vmem>>, vector<1x8xf32>
    %add3A_23 = vector.broadcast %get3A_22 : vector<1x8xf32> to vector<1000x8xf32>
    %add3A_24 = arith.addf %add3A_19, %add3A_23 : vector<1000x8xf32>
    %get3A_25 = arith.constant 0 : index
    %get3A_26 = arith.constant 0 : index
    %get3A_27 = vector.load %arg7[%get3A_25, %get3A_26] : memref<1x8xf32, #tpu.memory_space<vmem>>, vector<1x8xf32>
    %get3A_28 = arith.constant 0 : index
    %get3A_29 = arith.constant 0 : index
    %get3A_30 = vector.load %arg8[%get3A_28, %get3A_29] : memref<1x8xf32, #tpu.memory_space<vmem>>, vector<1x8xf32>
    %reduce_sum3A = arith.constant dense<0.000000e+00> : vector<1000xf32>
    %reduce_sum3A_31 = vector.multi_reduction <add>, %add3A_24, %reduce_sum3A [1] : vector<1000x8xf32> to vector<1000xf32>
    %broadcast_in_dim3A = vector.shape_cast %reduce_sum3A_31 : vector<1000xf32> to vector<1000x1xf32>
    %div3A = arith.constant 8.000000e+00 : f32
    %div3A_32 = vector.broadcast %div3A : f32 to vector<1000x1xf32>
    %div3A_33 = arith.divf %broadcast_in_dim3A, %div3A_32 : vector<1000x1xf32>
    %sub3A = vector.broadcast %div3A_33 : vector<1000x1xf32> to vector<1000x8xf32>
    %sub3A_34 = arith.subf %add3A_24, %sub3A : vector<1000x8xf32>
    %integer_pow3A = arith.mulf %sub3A_34, %sub3A_34 : vector<1000x8xf32>
    %reduce_sum3A_35 = arith.constant dense<0.000000e+00> : vector<1000xf32>
    %reduce_sum3A_36 = vector.multi_reduction <add>, %integer_pow3A, %reduce_sum3A_35 [1] : vector<1000x8xf32> to vector<1000xf32>
    %broadcast_in_dim3A_37 = vector.shape_cast %reduce_sum3A_36 : vector<1000xf32> to vector<1000x1xf32>
    %div3A_38 = arith.constant 8.000000e+00 : f32
    %div3A_39 = vector.broadcast %div3A_38 : f32 to vector<1000x1xf32>
    %div3A_40 = arith.divf %broadcast_in_dim3A_37, %div3A_39 : vector<1000x1xf32>
    %sub3A_41 = vector.broadcast %div3A_33 : vector<1000x1xf32> to vector<1000x8xf32>
    %sub3A_42 = arith.subf %add3A_24, %sub3A_41 : vector<1000x8xf32>
    %add3A_43 = arith.constant 9.99999974E-6 : f32
    %add3A_44 = vector.broadcast %add3A_43 : f32 to vector<1000x1xf32>
    %add3A_45 = arith.addf %div3A_40, %add3A_44 : vector<1000x1xf32>
    %rsqrt3A = math.rsqrt %add3A_45 : vector<1000x1xf32>
    %mul3A = vector.broadcast %rsqrt3A : vector<1000x1xf32> to vector<1000x8xf32>
    %mul3A_46 = arith.mulf %sub3A_42, %mul3A : vector<1000x8xf32>
    %mul3A_47 = vector.broadcast %get3A_27 : vector<1x8xf32> to vector<1000x8xf32>
    %mul3A_48 = arith.mulf %mul3A_46, %mul3A_47 : vector<1000x8xf32>
    %add3A_49 = vector.broadcast %get3A_30 : vector<1x8xf32> to vector<1000x8xf32>
    %add3A_50 = arith.addf %mul3A_48, %add3A_49 : vector<1000x8xf32>
    %ge3A = arith.constant 0.000000e+00 : f32
    %ge3A_51 = vector.broadcast %ge3A : f32 to vector<1000x8xf32>
    %ge3A_52 = arith.cmpf oge, %add3A_50, %ge3A_51 : vector<1000x8xf32>
    %mul3A_53 = arith.constant 1.000000e-01 : f32
    %mul3A_54 = vector.broadcast %mul3A_53 : f32 to vector<1000x8xf32>
    %mul3A_55 = arith.mulf %mul3A_54, %add3A_50 : vector<1000x8xf32>
    %select_n3A = arith.select %ge3A_52, %add3A_50, %mul3A_55 : vector<1000x8xi1>, vector<1000x8xf32>
    %get3A_56 = arith.constant 0 : index
    %get3A_57 = arith.constant 0 : index
    %get3A_58 = arith.constant 0 : index
    %get3A_59 = vector.load %arg3[%get3A_56, %get3A_57, %get3A_58] : memref<1x16x1000xf32, #tpu.memory_space<vmem>>, vector<1x16x1000xf32>
    %get3A_60 = vector.shape_cast %get3A_59 : vector<1x16x1000xf32> to vector<16x1000xf32>
    %get3A_61 = arith.constant 0 : index
    %get3A_62 = arith.constant 0 : index
    %get3A_63 = vector.load %arg13[%get3A_61, %get3A_62] : memref<16x8xf32, #tpu.memory_space<vmem>>, vector<16x8xf32>
    %dot_general3A_64 = arith.constant dense<0.000000e+00> : vector<16x8xf32>
    %dot_general3A_65 = tpu.matmul %get3A_60, %select_n3A, %dot_general3A_64 {dimension_numbers = #tpu.dot_dimension_numbers<[1], [0], [0], [1], [0, 0, 1, 1], [], []>, transpose_lhs_hint = false} : vector<16x1000xf32>, vector<1000x8xf32>, vector<16x8xf32> -> vector<16x8xf32>
    %add3A_66 = arith.addf %get3A_63, %dot_general3A_65 : vector<16x8xf32>
    %swap3A = arith.constant 0 : index
    %swap3A_67 = arith.constant 0 : index
    %swap3A_68 = vector.load %arg13[%swap3A, %swap3A_67] : memref<16x8xf32, #tpu.memory_space<vmem>>, vector<16x8xf32>
    tpu.vector_store %arg13[%swap3A, %swap3A_67], %add3A_66 {strides = array<i32>} : memref<16x8xf32, #tpu.memory_space<vmem>>, vector<16x8xf32>,
    %get3A_69 = arith.constant 0 : index
    %get3A_70 = arith.constant 0 : index
    %get3A_71 = vector.load %arg14[%get3A_69, %get3A_70] : memref<16x1xf32, #tpu.memory_space<vmem>>, vector<16x1xf32>
    %broadcast_in_dim3A_72 = arith.constant 1.000000e+00 : f32
    %broadcast_in_dim3A_73 = vector.broadcast %broadcast_in_dim3A_72 : f32 to vector<1000x1xf32>
    %dot_general3A_74 = arith.constant dense<0.000000e+00> : vector<16x1xf32>
    %dot_general3A_75 = tpu.matmul %get3A_60, %broadcast_in_dim3A_73, %dot_general3A_74 {dimension_numbers = #tpu.dot_dimension_numbers<[1], [0], [0], [1], [0, 0, 1, 1], [], []>, transpose_lhs_hint = false} : vector<16x1000xf32>, vector<1000x1xf32>, vector<16x1xf32> -> vector<16x1xf32>
    %add3A_76 = arith.addf %get3A_71, %dot_general3A_75 : vector<16x1xf32>
    %swap3A_77 = arith.constant 0 : index
    %swap3A_78 = arith.constant 0 : index
    %swap3A_79 = vector.load %arg14[%swap3A_77, %swap3A_78] : memref<16x1xf32, #tpu.memory_space<vmem>>, vector<16x1xf32>
    tpu.vector_store %arg14[%swap3A_77, %swap3A_78], %add3A_76 {strides = array<i32>} : memref<16x1xf32, #tpu.memory_space<vmem>>, vector<16x1xf32>,
    %get3A_80 = arith.constant 0 : index
    %get3A_81 = arith.constant 0 : index
    %get3A_82 = vector.load %arg4[%get3A_80, %get3A_81] : memref<1000x16xf32, #tpu.memory_space<vmem>>, vector<1000x16xf32>
    %slice3A_83 = vector.extract_strided_slice %get3A_82 {offsets = [0, 0], sizes = [1000, 1], strides = [1, 1]} : vector<1000x16xf32> to vector<1000x1xf32>
    %gt3A = arith.constant 5.000000e-01 : f32
    %gt3A_84 = vector.broadcast %gt3A : f32 to vector<1000x1xf32>
    %gt3A_85 = arith.cmpf ogt, %slice3A_83, %gt3A_84 : vector<1000x1xf32>
    %jit3A = arith.constant 0xFF800000 : f32
    %broadcast_in_dim3A_86 = vector.shape_cast %gt3A_85 : vector<1000x1xi1> to vector<1000x1xi1>
    %broadcast_in_dim3A_87 = vector.broadcast %broadcast_in_dim3A_86 : vector<1000x1xi1> to vector<1000x8xi1>
    %broadcast_in_dim3A_88 = vector.broadcast %jit3A : f32 to vector<1000x8xf32>
    %select_n3A_89 = arith.select %broadcast_in_dim3A_87, %select_n3A, %broadcast_in_dim3A_88 : vector<1000x8xi1>, vector<1000x8xf32>
    %reduce_max3A = arith.constant dense<0xFF800000> : vector<8xf32>
    %reduce_max3A_90 = vector.multi_reduction <maximumf>, %select_n3A_89, %reduce_max3A [0] : vector<1000x8xf32> to vector<8xf32>
    %broadcast_in_dim3A_91 = vector.shape_cast %reduce_max3A_90 : vector<8xf32> to vector<1x8xf32>
    %get3A_92 = arith.constant 0 : index
    %get3A_93 = arith.constant 0 : index
    %get3A_94 = vector.load %arg12[%get3A_92, %get3A_93] : memref<16x8xf32, #tpu.memory_space<vmem>>, vector<1x8xf32>
    %max3A = arith.maximumf %get3A_94, %broadcast_in_dim3A_91 : vector<1x8xf32>
    %swap3A_95 = arith.constant 0 : index
    %swap3A_96 = arith.constant 0 : index
    %swap3A_97 = vector.load %arg12[%swap3A_95, %swap3A_96] : memref<16x8xf32, #tpu.memory_space<vmem>>, vector<1x8xf32>
    tpu.vector_store %arg12[%swap3A_95, %swap3A_96], %max3A {strides = array<i32>} : memref<16x8xf32, #tpu.memory_space<vmem>>, vector<1x8xf32>,
    %slice3A_98 = vector.extract_strided_slice %get3A_82 {offsets = [0, 1], sizes = [1000, 1], strides = [1, 1]} : vector<1000x16xf32> to vector<1000x1xf32>
    %gt3A_99 = arith.constant 5.000000e-01 : f32
    %gt3A_100 = vector.broadcast %gt3A_99 : f32 to vector<1000x1xf32>
    %gt3A_101 = arith.cmpf ogt, %slice3A_98, %gt3A_100 : vector<1000x1xf32>
    %jit3A_102 = arith.constant 0xFF800000 : f32
    %broadcast_in_dim3A_103 = vector.shape_cast %gt3A_101 : vector<1000x1xi1> to vector<1000x1xi1>
    %broadcast_in_dim3A_104 = vector.broadcast %broadcast_in_dim3A_103 : vector<1000x1xi1> to vector<1000x8xi1>
    %broadcast_in_dim3A_105 = vector.broadcast %jit3A_102 : f32 to vector<1000x8xf32>
    %select_n3A_106 = arith.select %broadcast_in_dim3A_104, %select_n3A, %broadcast_in_dim3A_105 : vector<1000x8xi1>, vector<1000x8xf32>
    %reduce_max3A_107 = arith.constant dense<0xFF800000> : vector<8xf32>
    %reduce_max3A_108 = vector.multi_reduction <maximumf>, %select_n3A_106, %reduce_max3A_107 [0] : vector<1000x8xf32> to vector<8xf32>
    %broadcast_in_dim3A_109 = vector.shape_cast %reduce_max3A_108 : vector<8xf32> to vector<1x8xf32>
    %get3A_110 = arith.constant 1 : index
    %get3A_111 = arith.constant 0 : index
    %get3A_112 = vector.load %arg12[%get3A_110, %get3A_111] : memref<16x8xf32, #tpu.memory_space<vmem>>, vector<1x8xf32>
    %max3A_113 = arith.maximumf %get3A_112, %broadcast_in_dim3A_109 : vector<1x8xf32>
    %swap3A_114 = arith.constant 1 : index
    %swap3A_115 = arith.constant 0 : index
    %swap3A_116 = vector.load %arg12[%swap3A_114, %swap3A_115] : memref<16x8xf32, #tpu.memory_space<vmem>>, vector<1x8xf32>
    tpu.vector_store %arg12[%swap3A_114, %swap3A_115], %max3A_113 {strides = array<i32>} : memref<16x8xf32, #tpu.memory_space<vmem>>, vector<1x8xf32>,
    %slice3A_117 = vector.extract_strided_slice %get3A_82 {offsets = [0, 2], sizes = [1000, 1], strides = [1, 1]} : vector<1000x16xf32> to vector<1000x1xf32>
    %gt3A_118 = arith.constant 5.000000e-01 : f32
    %gt3A_119 = vector.broadcast %gt3A_118 : f32 to vector<1000x1xf32>
    %gt3A_120 = arith.cmpf ogt, %slice3A_117, %gt3A_119 : vector<1000x1xf32>
    %jit3A_121 = arith.constant 0xFF800000 : f32
    %broadcast_in_dim3A_122 = vector.shape_cast %gt3A_120 : vector<1000x1xi1> to vector<1000x1xi1>
    %broadcast_in_dim3A_123 = vector.broadcast %broadcast_in_dim3A_122 : vector<1000x1xi1> to vector<1000x8xi1>
    %broadcast_in_dim3A_124 = vector.broadcast %jit3A_121 : f32 to vector<1000x8xf32>
    %select_n3A_125 = arith.select %broadcast_in_dim3A_123, %select_n3A, %broadcast_in_dim3A_124 : vector<1000x8xi1>, vector<1000x8xf32>
    %reduce_max3A_126 = arith.constant dense<0xFF800000> : vector<8xf32>
    %reduce_max3A_127 = vector.multi_reduction <maximumf>, %select_n3A_125, %reduce_max3A_126 [0] : vector<1000x8xf32> to vector<8xf32>
    %broadcast_in_dim3A_128 = vector.shape_cast %reduce_max3A_127 : vector<8xf32> to vector<1x8xf32>
    %get3A_129 = arith.constant 2 : index
    %get3A_130 = arith.constant 0 : index
    %get3A_131 = vector.load %arg12[%get3A_129, %get3A_130] : memref<16x8xf32, #tpu.memory_space<vmem>>, vector<1x8xf32>
    %max3A_132 = arith.maximumf %get3A_131, %broadcast_in_dim3A_128 : vector<1x8xf32>
    %swap3A_133 = arith.constant 2 : index
    %swap3A_134 = arith.constant 0 : index
    %swap3A_135 = vector.load %arg12[%swap3A_133, %swap3A_134] : memref<16x8xf32, #tpu.memory_space<vmem>>, vector<1x8xf32>
    tpu.vector_store %arg12[%swap3A_133, %swap3A_134], %max3A_132 {strides = array<i32>} : memref<16x8xf32, #tpu.memory_space<vmem>>, vector<1x8xf32>,
    %slice3A_136 = vector.extract_strided_slice %get3A_82 {offsets = [0, 3], sizes = [1000, 1], strides = [1, 1]} : vector<1000x16xf32> to vector<1000x1xf32>
    %gt3A_137 = arith.constant 5.000000e-01 : f32
    %gt3A_138 = vector.broadcast %gt3A_137 : f32 to vector<1000x1xf32>
    %gt3A_139 = arith.cmpf ogt, %slice3A_136, %gt3A_138 : vector<1000x1xf32>
    %jit3A_140 = arith.constant 0xFF800000 : f32
    %broadcast_in_dim3A_141 = vector.shape_cast %gt3A_139 : vector<1000x1xi1> to vector<1000x1xi1>
    %broadcast_in_dim3A_142 = vector.broadcast %broadcast_in_dim3A_141 : vector<1000x1xi1> to vector<1000x8xi1>
    %broadcast_in_dim3A_143 = vector.broadcast %jit3A_140 : f32 to vector<1000x8xf32>
    %select_n3A_144 = arith.select %broadcast_in_dim3A_142, %select_n3A, %broadcast_in_dim3A_143 : vector<1000x8xi1>, vector<1000x8xf32>
    %reduce_max3A_145 = arith.constant dense<0xFF800000> : vector<8xf32>
    %reduce_max3A_146 = vector.multi_reduction <maximumf>, %select_n3A_144, %reduce_max3A_145 [0] : vector<1000x8xf32> to vector<8xf32>
    %broadcast_in_dim3A_147 = vector.shape_cast %reduce_max3A_146 : vector<8xf32> to vector<1x8xf32>
    %get3A_148 = arith.constant 3 : index
    %get3A_149 = arith.constant 0 : index
    %get3A_150 = vector.load %arg12[%get3A_148, %get3A_149] : memref<16x8xf32, #tpu.memory_space<vmem>>, vector<1x8xf32>
    %max3A_151 = arith.maximumf %get3A_150, %broadcast_in_dim3A_147 : vector<1x8xf32>
    %swap3A_152 = arith.constant 3 : index
    %swap3A_153 = arith.constant 0 : index
    %swap3A_154 = vector.load %arg12[%swap3A_152, %swap3A_153] : memref<16x8xf32, #tpu.memory_space<vmem>>, vector<1x8xf32>
    tpu.vector_store %arg12[%swap3A_152, %swap3A_153], %max3A_151 {strides = array<i32>} : memref<16x8xf32, #tpu.memory_space<vmem>>, vector<1x8xf32>,
    %slice3A_155 = vector.extract_strided_slice %get3A_82 {offsets = [0, 4], sizes = [1000, 1], strides = [1, 1]} : vector<1000x16xf32> to vector<1000x1xf32>
    %gt3A_156 = arith.constant 5.000000e-01 : f32
    %gt3A_157 = vector.broadcast %gt3A_156 : f32 to vector<1000x1xf32>
    %gt3A_158 = arith.cmpf ogt, %slice3A_155, %gt3A_157 : vector<1000x1xf32>
    %jit3A_159 = arith.constant 0xFF800000 : f32
    %broadcast_in_dim3A_160 = vector.shape_cast %gt3A_158 : vector<1000x1xi1> to vector<1000x1xi1>
    %broadcast_in_dim3A_161 = vector.broadcast %broadcast_in_dim3A_160 : vector<1000x1xi1> to vector<1000x8xi1>
    %broadcast_in_dim3A_162 = vector.broadcast %jit3A_159 : f32 to vector<1000x8xf32>
    %select_n3A_163 = arith.select %broadcast_in_dim3A_161, %select_n3A, %broadcast_in_dim3A_162 : vector<1000x8xi1>, vector<1000x8xf32>
    %reduce_max3A_164 = arith.constant dense<0xFF800000> : vector<8xf32>
    %reduce_max3A_165 = vector.multi_reduction <maximumf>, %select_n3A_163, %reduce_max3A_164 [0] : vector<1000x8xf32> to vector<8xf32>
    %broadcast_in_dim3A_166 = vector.shape_cast %reduce_max3A_165 : vector<8xf32> to vector<1x8xf32>
    %get3A_167 = arith.constant 4 : index
    %get3A_168 = arith.constant 0 : index
    %get3A_169 = vector.load %arg12[%get3A_167, %get3A_168] : memref<16x8xf32, #tpu.memory_space<vmem>>, vector<1x8xf32>
    %max3A_170 = arith.maximumf %get3A_169, %broadcast_in_dim3A_166 : vector<1x8xf32>
    %swap3A_171 = arith.constant 4 : index
    %swap3A_172 = arith.constant 0 : index
    %swap3A_173 = vector.load %arg12[%swap3A_171, %swap3A_172] : memref<16x8xf32, #tpu.memory_space<vmem>>, vector<1x8xf32>
    tpu.vector_store %arg12[%swap3A_171, %swap3A_172], %max3A_170 {strides = array<i32>} : memref<16x8xf32, #tpu.memory_space<vmem>>, vector<1x8xf32>,
    %slice3A_174 = vector.extract_strided_slice %get3A_82 {offsets = [0, 5], sizes = [1000, 1], strides = [1, 1]} : vector<1000x16xf32> to vector<1000x1xf32>
    %gt3A_175 = arith.constant 5.000000e-01 : f32
    %gt3A_176 = vector.broadcast %gt3A_175 : f32 to vector<1000x1xf32>
    %gt3A_177 = arith.cmpf ogt, %slice3A_174, %gt3A_176 : vector<1000x1xf32>
    %jit3A_178 = arith.constant 0xFF800000 : f32
    %broadcast_in_dim3A_179 = vector.shape_cast %gt3A_177 : vector<1000x1xi1> to vector<1000x1xi1>
    %broadcast_in_dim3A_180 = vector.broadcast %broadcast_in_dim3A_179 : vector<1000x1xi1> to vector<1000x8xi1>
    %broadcast_in_dim3A_181 = vector.broadcast %jit3A_178 : f32 to vector<1000x8xf32>
    %select_n3A_182 = arith.select %broadcast_in_dim3A_180, %select_n3A, %broadcast_in_dim3A_181 : vector<1000x8xi1>, vector<1000x8xf32>
    %reduce_max3A_183 = arith.constant dense<0xFF800000> : vector<8xf32>
    %reduce_max3A_184 = vector.multi_reduction <maximumf>, %select_n3A_182, %reduce_max3A_183 [0] : vector<1000x8xf32> to vector<8xf32>
    %broadcast_in_dim3A_185 = vector.shape_cast %reduce_max3A_184 : vector<8xf32> to vector<1x8xf32>
    %get3A_186 = arith.constant 5 : index
    %get3A_187 = arith.constant 0 : index
    %get3A_188 = vector.load %arg12[%get3A_186, %get3A_187] : memref<16x8xf32, #tpu.memory_space<vmem>>, vector<1x8xf32>
    %max3A_189 = arith.maximumf %get3A_188, %broadcast_in_dim3A_185 : vector<1x8xf32>
    %swap3A_190 = arith.constant 5 : index
    %swap3A_191 = arith.constant 0 : index
    %swap3A_192 = vector.load %arg12[%swap3A_190, %swap3A_191] : memref<16x8xf32, #tpu.memory_space<vmem>>, vector<1x8xf32>
    tpu.vector_store %arg12[%swap3A_190, %swap3A_191], %max3A_189 {strides = array<i32>} : memref<16x8xf32, #tpu.memory_space<vmem>>, vector<1x8xf32>,
    %slice3A_193 = vector.extract_strided_slice %get3A_82 {offsets = [0, 6], sizes = [1000, 1], strides = [1, 1]} : vector<1000x16xf32> to vector<1000x1xf32>
    %gt3A_194 = arith.constant 5.000000e-01 : f32
    %gt3A_195 = vector.broadcast %gt3A_194 : f32 to vector<1000x1xf32>
    %gt3A_196 = arith.cmpf ogt, %slice3A_193, %gt3A_195 : vector<1000x1xf32>
    %jit3A_197 = arith.constant 0xFF800000 : f32
    %broadcast_in_dim3A_198 = vector.shape_cast %gt3A_196 : vector<1000x1xi1> to vector<1000x1xi1>
    %broadcast_in_dim3A_199 = vector.broadcast %broadcast_in_dim3A_198 : vector<1000x1xi1> to vector<1000x8xi1>
    %broadcast_in_dim3A_200 = vector.broadcast %jit3A_197 : f32 to vector<1000x8xf32>
    %select_n3A_201 = arith.select %broadcast_in_dim3A_199, %select_n3A, %broadcast_in_dim3A_200 : vector<1000x8xi1>, vector<1000x8xf32>
    %reduce_max3A_202 = arith.constant dense<0xFF800000> : vector<8xf32>
    %reduce_max3A_203 = vector.multi_reduction <maximumf>, %select_n3A_201, %reduce_max3A_202 [0] : vector<1000x8xf32> to vector<8xf32>
    %broadcast_in_dim3A_204 = vector.shape_cast %reduce_max3A_203 : vector<8xf32> to vector<1x8xf32>
    %get3A_205 = arith.constant 6 : index
    %get3A_206 = arith.constant 0 : index
    %get3A_207 = vector.load %arg12[%get3A_205, %get3A_206] : memref<16x8xf32, #tpu.memory_space<vmem>>, vector<1x8xf32>
    %max3A_208 = arith.maximumf %get3A_207, %broadcast_in_dim3A_204 : vector<1x8xf32>
    %swap3A_209 = arith.constant 6 : index
    %swap3A_210 = arith.constant 0 : index
    %swap3A_211 = vector.load %arg12[%swap3A_209, %swap3A_210] : memref<16x8xf32, #tpu.memory_space<vmem>>, vector<1x8xf32>
    tpu.vector_store %arg12[%swap3A_209, %swap3A_210], %max3A_208 {strides = array<i32>} : memref<16x8xf32, #tpu.memory_space<vmem>>, vector<1x8xf32>,
    %slice3A_212 = vector.extract_strided_slice %get3A_82 {offsets = [0, 7], sizes = [1000, 1], strides = [1, 1]} : vector<1000x16xf32> to vector<1000x1xf32>
    %gt3A_213 = arith.constant 5.000000e-01 : f32
    %gt3A_214 = vector.broadcast %gt3A_213 : f32 to vector<1000x1xf32>
    %gt3A_215 = arith.cmpf ogt, %slice3A_212, %gt3A_214 : vector<1000x1xf32>
    %jit3A_216 = arith.constant 0xFF800000 : f32
    %broadcast_in_dim3A_217 = vector.shape_cast %gt3A_215 : vector<1000x1xi1> to vector<1000x1xi1>
    %broadcast_in_dim3A_218 = vector.broadcast %broadcast_in_dim3A_217 : vector<1000x1xi1> to vector<1000x8xi1>
    %broadcast_in_dim3A_219 = vector.broadcast %jit3A_216 : f32 to vector<1000x8xf32>
    %select_n3A_220 = arith.select %broadcast_in_dim3A_218, %select_n3A, %broadcast_in_dim3A_219 : vector<1000x8xi1>, vector<1000x8xf32>
    %reduce_max3A_221 = arith.constant dense<0xFF800000> : vector<8xf32>
    %reduce_max3A_222 = vector.multi_reduction <maximumf>, %select_n3A_220, %reduce_max3A_221 [0] : vector<1000x8xf32> to vector<8xf32>
    %broadcast_in_dim3A_223 = vector.shape_cast %reduce_max3A_222 : vector<8xf32> to vector<1x8xf32>
    %get3A_224 = arith.constant 7 : index
    %get3A_225 = arith.constant 0 : index
    %get3A_226 = vector.load %arg12[%get3A_224, %get3A_225] : memref<16x8xf32, #tpu.memory_space<vmem>>, vector<1x8xf32>
    %max3A_227 = arith.maximumf %get3A_226, %broadcast_in_dim3A_223 : vector<1x8xf32>
    %swap3A_228 = arith.constant 7 : index
    %swap3A_229 = arith.constant 0 : index
    %swap3A_230 = vector.load %arg12[%swap3A_228, %swap3A_229] : memref<16x8xf32, #tpu.memory_space<vmem>>, vector<1x8xf32>
    tpu.vector_store %arg12[%swap3A_228, %swap3A_229], %max3A_227 {strides = array<i32>} : memref<16x8xf32, #tpu.memory_space<vmem>>, vector<1x8xf32>,
    %slice3A_231 = vector.extract_strided_slice %get3A_82 {offsets = [0, 8], sizes = [1000, 1], strides = [1, 1]} : vector<1000x16xf32> to vector<1000x1xf32>
    %gt3A_232 = arith.constant 5.000000e-01 : f32
    %gt3A_233 = vector.broadcast %gt3A_232 : f32 to vector<1000x1xf32>
    %gt3A_234 = arith.cmpf ogt, %slice3A_231, %gt3A_233 : vector<1000x1xf32>
    %jit3A_235 = arith.constant 0xFF800000 : f32
    %broadcast_in_dim3A_236 = vector.shape_cast %gt3A_234 : vector<1000x1xi1> to vector<1000x1xi1>
    %broadcast_in_dim3A_237 = vector.broadcast %broadcast_in_dim3A_236 : vector<1000x1xi1> to vector<1000x8xi1>
    %broadcast_in_dim3A_238 = vector.broadcast %jit3A_235 : f32 to vector<1000x8xf32>
    %select_n3A_239 = arith.select %broadcast_in_dim3A_237, %select_n3A, %broadcast_in_dim3A_238 : vector<1000x8xi1>, vector<1000x8xf32>
    %reduce_max3A_240 = arith.constant dense<0xFF800000> : vector<8xf32>
    %reduce_max3A_241 = vector.multi_reduction <maximumf>, %select_n3A_239, %reduce_max3A_240 [0] : vector<1000x8xf32> to vector<8xf32>
    %broadcast_in_dim3A_242 = vector.shape_cast %reduce_max3A_241 : vector<8xf32> to vector<1x8xf32>
    %get3A_243 = arith.constant 8 : index
    %get3A_244 = arith.constant 0 : index
    %get3A_245 = vector.load %arg12[%get3A_243, %get3A_244] : memref<16x8xf32, #tpu.memory_space<vmem>>, vector<1x8xf32>
    %max3A_246 = arith.maximumf %get3A_245, %broadcast_in_dim3A_242 : vector<1x8xf32>
    %swap3A_247 = arith.constant 8 : index
    %swap3A_248 = arith.constant 0 : index
    %swap3A_249 = vector.load %arg12[%swap3A_247, %swap3A_248] : memref<16x8xf32, #tpu.memory_space<vmem>>, vector<1x8xf32>
    tpu.vector_store %arg12[%swap3A_247, %swap3A_248], %max3A_246 {strides = array<i32>} : memref<16x8xf32, #tpu.memory_space<vmem>>, vector<1x8xf32>,
    %slice3A_250 = vector.extract_strided_slice %get3A_82 {offsets = [0, 9], sizes = [1000, 1], strides = [1, 1]} : vector<1000x16xf32> to vector<1000x1xf32>
    %gt3A_251 = arith.constant 5.000000e-01 : f32
    %gt3A_252 = vector.broadcast %gt3A_251 : f32 to vector<1000x1xf32>
    %gt3A_253 = arith.cmpf ogt, %slice3A_250, %gt3A_252 : vector<1000x1xf32>
    %jit3A_254 = arith.constant 0xFF800000 : f32
    %broadcast_in_dim3A_255 = vector.shape_cast %gt3A_253 : vector<1000x1xi1> to vector<1000x1xi1>
    %broadcast_in_dim3A_256 = vector.broadcast %broadcast_in_dim3A_255 : vector<1000x1xi1> to vector<1000x8xi1>
    %broadcast_in_dim3A_257 = vector.broadcast %jit3A_254 : f32 to vector<1000x8xf32>
    %select_n3A_258 = arith.select %broadcast_in_dim3A_256, %select_n3A, %broadcast_in_dim3A_257 : vector<1000x8xi1>, vector<1000x8xf32>
    %reduce_max3A_259 = arith.constant dense<0xFF800000> : vector<8xf32>
    %reduce_max3A_260 = vector.multi_reduction <maximumf>, %select_n3A_258, %reduce_max3A_259 [0] : vector<1000x8xf32> to vector<8xf32>
    %broadcast_in_dim3A_261 = vector.shape_cast %reduce_max3A_260 : vector<8xf32> to vector<1x8xf32>
    %get3A_262 = arith.constant 9 : index
    %get3A_263 = arith.constant 0 : index
    %get3A_264 = vector.load %arg12[%get3A_262, %get3A_263] : memref<16x8xf32, #tpu.memory_space<vmem>>, vector<1x8xf32>
    %max3A_265 = arith.maximumf %get3A_264, %broadcast_in_dim3A_261 : vector<1x8xf32>
    %swap3A_266 = arith.constant 9 : index
    %swap3A_267 = arith.constant 0 : index
    %swap3A_268 = vector.load %arg12[%swap3A_266, %swap3A_267] : memref<16x8xf32, #tpu.memory_space<vmem>>, vector<1x8xf32>
    tpu.vector_store %arg12[%swap3A_266, %swap3A_267], %max3A_265 {strides = array<i32>} : memref<16x8xf32, #tpu.memory_space<vmem>>, vector<1x8xf32>,
    %slice3A_269 = vector.extract_strided_slice %get3A_82 {offsets = [0, 10], sizes = [1000, 1], strides = [1, 1]} : vector<1000x16xf32> to vector<1000x1xf32>
    %gt3A_270 = arith.constant 5.000000e-01 : f32
    %gt3A_271 = vector.broadcast %gt3A_270 : f32 to vector<1000x1xf32>
    %gt3A_272 = arith.cmpf ogt, %slice3A_269, %gt3A_271 : vector<1000x1xf32>
    %jit3A_273 = arith.constant 0xFF800000 : f32
    %broadcast_in_dim3A_274 = vector.shape_cast %gt3A_272 : vector<1000x1xi1> to vector<1000x1xi1>
    %broadcast_in_dim3A_275 = vector.broadcast %broadcast_in_dim3A_274 : vector<1000x1xi1> to vector<1000x8xi1>
    %broadcast_in_dim3A_276 = vector.broadcast %jit3A_273 : f32 to vector<1000x8xf32>
    %select_n3A_277 = arith.select %broadcast_in_dim3A_275, %select_n3A, %broadcast_in_dim3A_276 : vector<1000x8xi1>, vector<1000x8xf32>
    %reduce_max3A_278 = arith.constant dense<0xFF800000> : vector<8xf32>
    %reduce_max3A_279 = vector.multi_reduction <maximumf>, %select_n3A_277, %reduce_max3A_278 [0] : vector<1000x8xf32> to vector<8xf32>
    %broadcast_in_dim3A_280 = vector.shape_cast %reduce_max3A_279 : vector<8xf32> to vector<1x8xf32>
    %get3A_281 = arith.constant 10 : index
    %get3A_282 = arith.constant 0 : index
    %get3A_283 = vector.load %arg12[%get3A_281, %get3A_282] : memref<16x8xf32, #tpu.memory_space<vmem>>, vector<1x8xf32>
    %max3A_284 = arith.maximumf %get3A_283, %broadcast_in_dim3A_280 : vector<1x8xf32>
    %swap3A_285 = arith.constant 10 : index
    %swap3A_286 = arith.constant 0 : index
    %swap3A_287 = vector.load %arg12[%swap3A_285, %swap3A_286] : memref<16x8xf32, #tpu.memory_space<vmem>>, vector<1x8xf32>
    tpu.vector_store %arg12[%swap3A_285, %swap3A_286], %max3A_284 {strides = array<i32>} : memref<16x8xf32, #tpu.memory_space<vmem>>, vector<1x8xf32>,
    %slice3A_288 = vector.extract_strided_slice %get3A_82 {offsets = [0, 11], sizes = [1000, 1], strides = [1, 1]} : vector<1000x16xf32> to vector<1000x1xf32>
    %gt3A_289 = arith.constant 5.000000e-01 : f32
    %gt3A_290 = vector.broadcast %gt3A_289 : f32 to vector<1000x1xf32>
    %gt3A_291 = arith.cmpf ogt, %slice3A_288, %gt3A_290 : vector<1000x1xf32>
    %jit3A_292 = arith.constant 0xFF800000 : f32
    %broadcast_in_dim3A_293 = vector.shape_cast %gt3A_291 : vector<1000x1xi1> to vector<1000x1xi1>
    %broadcast_in_dim3A_294 = vector.broadcast %broadcast_in_dim3A_293 : vector<1000x1xi1> to vector<1000x8xi1>
    %broadcast_in_dim3A_295 = vector.broadcast %jit3A_292 : f32 to vector<1000x8xf32>
    %select_n3A_296 = arith.select %broadcast_in_dim3A_294, %select_n3A, %broadcast_in_dim3A_295 : vector<1000x8xi1>, vector<1000x8xf32>
    %reduce_max3A_297 = arith.constant dense<0xFF800000> : vector<8xf32>
    %reduce_max3A_298 = vector.multi_reduction <maximumf>, %select_n3A_296, %reduce_max3A_297 [0] : vector<1000x8xf32> to vector<8xf32>
    %broadcast_in_dim3A_299 = vector.shape_cast %reduce_max3A_298 : vector<8xf32> to vector<1x8xf32>
    %get3A_300 = arith.constant 11 : index
    %get3A_301 = arith.constant 0 : index
    %get3A_302 = vector.load %arg12[%get3A_300, %get3A_301] : memref<16x8xf32, #tpu.memory_space<vmem>>, vector<1x8xf32>
    %max3A_303 = arith.maximumf %get3A_302, %broadcast_in_dim3A_299 : vector<1x8xf32>
    %swap3A_304 = arith.constant 11 : index
    %swap3A_305 = arith.constant 0 : index
    %swap3A_306 = vector.load %arg12[%swap3A_304, %swap3A_305] : memref<16x8xf32, #tpu.memory_space<vmem>>, vector<1x8xf32>
    tpu.vector_store %arg12[%swap3A_304, %swap3A_305], %max3A_303 {strides = array<i32>} : memref<16x8xf32, #tpu.memory_space<vmem>>, vector<1x8xf32>,
    %slice3A_307 = vector.extract_strided_slice %get3A_82 {offsets = [0, 12], sizes = [1000, 1], strides = [1, 1]} : vector<1000x16xf32> to vector<1000x1xf32>
    %gt3A_308 = arith.constant 5.000000e-01 : f32
    %gt3A_309 = vector.broadcast %gt3A_308 : f32 to vector<1000x1xf32>
    %gt3A_310 = arith.cmpf ogt, %slice3A_307, %gt3A_309 : vector<1000x1xf32>
    %jit3A_311 = arith.constant 0xFF800000 : f32
    %broadcast_in_dim3A_312 = vector.shape_cast %gt3A_310 : vector<1000x1xi1> to vector<1000x1xi1>
    %broadcast_in_dim3A_313 = vector.broadcast %broadcast_in_dim3A_312 : vector<1000x1xi1> to vector<1000x8xi1>
    %broadcast_in_dim3A_314 = vector.broadcast %jit3A_311 : f32 to vector<1000x8xf32>
    %select_n3A_315 = arith.select %broadcast_in_dim3A_313, %select_n3A, %broadcast_in_dim3A_314 : vector<1000x8xi1>, vector<1000x8xf32>
    %reduce_max3A_316 = arith.constant dense<0xFF800000> : vector<8xf32>
    %reduce_max3A_317 = vector.multi_reduction <maximumf>, %select_n3A_315, %reduce_max3A_316 [0] : vector<1000x8xf32> to vector<8xf32>
    %broadcast_in_dim3A_318 = vector.shape_cast %reduce_max3A_317 : vector<8xf32> to vector<1x8xf32>
    %get3A_319 = arith.constant 12 : index
    %get3A_320 = arith.constant 0 : index
    %get3A_321 = vector.load %arg12[%get3A_319, %get3A_320] : memref<16x8xf32, #tpu.memory_space<vmem>>, vector<1x8xf32>
    %max3A_322 = arith.maximumf %get3A_321, %broadcast_in_dim3A_318 : vector<1x8xf32>
    %swap3A_323 = arith.constant 12 : index
    %swap3A_324 = arith.constant 0 : index
    %swap3A_325 = vector.load %arg12[%swap3A_323, %swap3A_324] : memref<16x8xf32, #tpu.memory_space<vmem>>, vector<1x8xf32>
    tpu.vector_store %arg12[%swap3A_323, %swap3A_324], %max3A_322 {strides = array<i32>} : memref<16x8xf32, #tpu.memory_space<vmem>>, vector<1x8xf32>,
    %slice3A_326 = vector.extract_strided_slice %get3A_82 {offsets = [0, 13], sizes = [1000, 1], strides = [1, 1]} : vector<1000x16xf32> to vector<1000x1xf32>
    %gt3A_327 = arith.constant 5.000000e-01 : f32
    %gt3A_328 = vector.broadcast %gt3A_327 : f32 to vector<1000x1xf32>
    %gt3A_329 = arith.cmpf ogt, %slice3A_326, %gt3A_328 : vector<1000x1xf32>
    %jit3A_330 = arith.constant 0xFF800000 : f32
    %broadcast_in_dim3A_331 = vector.shape_cast %gt3A_329 : vector<1000x1xi1> to vector<1000x1xi1>
    %broadcast_in_dim3A_332 = vector.broadcast %broadcast_in_dim3A_331 : vector<1000x1xi1> to vector<1000x8xi1>
    %broadcast_in_dim3A_333 = vector.broadcast %jit3A_330 : f32 to vector<1000x8xf32>
    %select_n3A_334 = arith.select %broadcast_in_dim3A_332, %select_n3A, %broadcast_in_dim3A_333 : vector<1000x8xi1>, vector<1000x8xf32>
    %reduce_max3A_335 = arith.constant dense<0xFF800000> : vector<8xf32>
    %reduce_max3A_336 = vector.multi_reduction <maximumf>, %select_n3A_334, %reduce_max3A_335 [0] : vector<1000x8xf32> to vector<8xf32>
    %broadcast_in_dim3A_337 = vector.shape_cast %reduce_max3A_336 : vector<8xf32> to vector<1x8xf32>
    %get3A_338 = arith.constant 13 : index
    %get3A_339 = arith.constant 0 : index
    %get3A_340 = vector.load %arg12[%get3A_338, %get3A_339] : memref<16x8xf32, #tpu.memory_space<vmem>>, vector<1x8xf32>
    %max3A_341 = arith.maximumf %get3A_340, %broadcast_in_dim3A_337 : vector<1x8xf32>
    %swap3A_342 = arith.constant 13 : index
    %swap3A_343 = arith.constant 0 : index
    %swap3A_344 = vector.load %arg12[%swap3A_342, %swap3A_343] : memref<16x8xf32, #tpu.memory_space<vmem>>, vector<1x8xf32>
    tpu.vector_store %arg12[%swap3A_342, %swap3A_343], %max3A_341 {strides = array<i32>} : memref<16x8xf32, #tpu.memory_space<vmem>>, vector<1x8xf32>,
    %slice3A_345 = vector.extract_strided_slice %get3A_82 {offsets = [0, 14], sizes = [1000, 1], strides = [1, 1]} : vector<1000x16xf32> to vector<1000x1xf32>
    %gt3A_346 = arith.constant 5.000000e-01 : f32
    %gt3A_347 = vector.broadcast %gt3A_346 : f32 to vector<1000x1xf32>
    %gt3A_348 = arith.cmpf ogt, %slice3A_345, %gt3A_347 : vector<1000x1xf32>
    %jit3A_349 = arith.constant 0xFF800000 : f32
    %broadcast_in_dim3A_350 = vector.shape_cast %gt3A_348 : vector<1000x1xi1> to vector<1000x1xi1>
    %broadcast_in_dim3A_351 = vector.broadcast %broadcast_in_dim3A_350 : vector<1000x1xi1> to vector<1000x8xi1>
    %broadcast_in_dim3A_352 = vector.broadcast %jit3A_349 : f32 to vector<1000x8xf32>
    %select_n3A_353 = arith.select %broadcast_in_dim3A_351, %select_n3A, %broadcast_in_dim3A_352 : vector<1000x8xi1>, vector<1000x8xf32>
    %reduce_max3A_354 = arith.constant dense<0xFF800000> : vector<8xf32>
    %reduce_max3A_355 = vector.multi_reduction <maximumf>, %select_n3A_353, %reduce_max3A_354 [0] : vector<1000x8xf32> to vector<8xf32>
    %broadcast_in_dim3A_356 = vector.shape_cast %reduce_max3A_355 : vector<8xf32> to vector<1x8xf32>
    %get3A_357 = arith.constant 14 : index
    %get3A_358 = arith.constant 0 : index
    %get3A_359 = vector.load %arg12[%get3A_357, %get3A_358] : memref<16x8xf32, #tpu.memory_space<vmem>>, vector<1x8xf32>
    %max3A_360 = arith.maximumf %get3A_359, %broadcast_in_dim3A_356 : vector<1x8xf32>
    %swap3A_361 = arith.constant 14 : index
    %swap3A_362 = arith.constant 0 : index
    %swap3A_363 = vector.load %arg12[%swap3A_361, %swap3A_362] : memref<16x8xf32, #tpu.memory_space<vmem>>, vector<1x8xf32>
    tpu.vector_store %arg12[%swap3A_361, %swap3A_362], %max3A_360 {strides = array<i32>} : memref<16x8xf32, #tpu.memory_space<vmem>>, vector<1x8xf32>,
    %slice3A_364 = vector.extract_strided_slice %get3A_82 {offsets = [0, 15], sizes = [1000, 1], strides = [1, 1]} : vector<1000x16xf32> to vector<1000x1xf32>
    %gt3A_365 = arith.constant 5.000000e-01 : f32
    %gt3A_366 = vector.broadcast %gt3A_365 : f32 to vector<1000x1xf32>
    %gt3A_367 = arith.cmpf ogt, %slice3A_364, %gt3A_366 : vector<1000x1xf32>
    %jit3A_368 = arith.constant 0xFF800000 : f32
    %broadcast_in_dim3A_369 = vector.shape_cast %gt3A_367 : vector<1000x1xi1> to vector<1000x1xi1>
    %broadcast_in_dim3A_370 = vector.broadcast %broadcast_in_dim3A_369 : vector<1000x1xi1> to vector<1000x8xi1>
    %broadcast_in_dim3A_371 = vector.broadcast %jit3A_368 : f32 to vector<1000x8xf32>
    %select_n3A_372 = arith.select %broadcast_in_dim3A_370, %select_n3A, %broadcast_in_dim3A_371 : vector<1000x8xi1>, vector<1000x8xf32>
    %reduce_max3A_373 = arith.constant dense<0xFF800000> : vector<8xf32>
    %reduce_max3A_374 = vector.multi_reduction <maximumf>, %select_n3A_372, %reduce_max3A_373 [0] : vector<1000x8xf32> to vector<8xf32>
    %broadcast_in_dim3A_375 = vector.shape_cast %reduce_max3A_374 : vector<8xf32> to vector<1x8xf32>
    %get3A_376 = arith.constant 15 : index
    %get3A_377 = arith.constant 0 : index
    %get3A_378 = vector.load %arg12[%get3A_376, %get3A_377] : memref<16x8xf32, #tpu.memory_space<vmem>>, vector<1x8xf32>
    %max3A_379 = arith.maximumf %get3A_378, %broadcast_in_dim3A_375 : vector<1x8xf32>
    %swap3A_380 = arith.constant 15 : index
    %swap3A_381 = arith.constant 0 : index
    %swap3A_382 = vector.load %arg12[%swap3A_380, %swap3A_381] : memref<16x8xf32, #tpu.memory_space<vmem>>, vector<1x8xf32>
    tpu.vector_store %arg12[%swap3A_380, %swap3A_381], %max3A_379 {strides = array<i32>} : memref<16x8xf32, #tpu.memory_space<vmem>>, vector<1x8xf32>,
    %eq3A_383 = arith.constant 9 : i32
    %eq3A_384 = arith.cmpi eq, %arg0, %eq3A_383 : i32
    %convert_element_type3A_385 = arith.extui %eq3A_384 : i1 to i32
    %cond3A_386 = arith.constant 0 : i32
    %cond3A_387 = arith.cmpi ne, %convert_element_type3A_385, %cond3A_386 : i32
    scf.if %cond3A_387 {
      %get3A_388 = arith.constant 0 : index
      %get3A_389 = arith.constant 0 : index
      %get3A_390 = vector.load %arg13[%get3A_388, %get3A_389] : memref<16x8xf32, #tpu.memory_space<vmem>>, vector<16x8xf32>
      %get3A_391 = arith.constant 0 : index
      %get3A_392 = arith.constant 0 : index
      %get3A_393 = vector.load %arg14[%get3A_391, %get3A_392] : memref<16x1xf32, #tpu.memory_space<vmem>>, vector<16x1xf32>
      %max3A_394 = arith.constant 1.000000e+00 : f32
      %max3A_395 = vector.broadcast %max3A_394 : f32 to vector<16x1xf32>
      %max3A_396 = arith.maximumf %get3A_393, %max3A_395 : vector<16x1xf32>
      %div3A_397 = vector.broadcast %max3A_396 : vector<16x1xf32> to vector<16x8xf32>
      %div3A_398 = arith.divf %get3A_390, %div3A_397 : vector<16x8xf32>
      %get3A_399 = arith.constant 0 : index
      %get3A_400 = arith.constant 0 : index
      %get3A_401 = vector.load %arg12[%get3A_399, %get3A_400] : memref<16x8xf32, #tpu.memory_space<vmem>>, vector<16x8xf32>
      %concatenate3A = tpu.concatenate %get3A_401, %div3A_398 in 1 : vector<16x8xf32>, vector<16x8xf32> -> vector<16x16xf32>
      %get3A_402 = arith.constant 0 : index
      %get3A_403 = arith.constant 0 : index
      %get3A_404 = vector.load %arg9[%get3A_402, %get3A_403] : memref<16x64xf32, #tpu.memory_space<vmem>>, vector<16x64xf32>
      %dot_general3A_405 = arith.constant dense<0.000000e+00> : vector<16x64xf32>
      %dot_general3A_406 = tpu.matmul %concatenate3A, %get3A_404, %dot_general3A_405 {dimension_numbers = #tpu.dot_dimension_numbers<[1], [0], [0], [1], [0, 0, 1, 1], [], []>, transpose_lhs_hint = false} : vector<16x16xf32>, vector<16x64xf32>, vector<16x64xf32> -> vector<16x64xf32>
      %get3A_407 = arith.constant 0 : index
      %get3A_408 = arith.constant 0 : index
      %get3A_409 = vector.load %arg10[%get3A_407, %get3A_408] : memref<1x64xf32, #tpu.memory_space<vmem>>, vector<1x64xf32>
      %add3A_410 = vector.broadcast %get3A_409 : vector<1x64xf32> to vector<16x64xf32>
      %add3A_411 = arith.addf %dot_general3A_406, %add3A_410 : vector<16x64xf32>
      %swap3A_412 = arith.constant 0 : index
      %swap3A_413 = arith.constant 0 : index
      %swap3A_414 = vector.load %arg11[%swap3A_412, %swap3A_413] : memref<16x64xf32, #tpu.memory_space<vmem>>, vector<16x64xf32>
      tpu.vector_store %arg11[%swap3A_412, %swap3A_413], %add3A_411 {strides = array<i32>} : memref<16x64xf32, #tpu.memory_space<vmem>>, vector<16x64xf32>,
    } else {
    }
    return
  }
  func.func @transform_0(%arg0: i32) -> (i32, i32, i32) {
    %c0_i32 = arith.constant 0 : i32
    %c0_i32_0 = arith.constant 0 : i32
    %c0_i32_1 = arith.constant 0 : i32
    return %c0_i32, %arg0, %c0_i32_0 : i32, i32, i32
  }
  func.func @transform_1(%arg0: i32) -> (i32, i32) {
    %c0_i32 = arith.constant 0 : i32
    %c0_i32_0 = arith.constant 0 : i32
    return %arg0, %c0_i32 : i32, i32
  }
  func.func @transform_2(%arg0: i32) -> (i32, i32, i32) {
    %c0_i32 = arith.constant 0 : i32
    %c0_i32_0 = arith.constant 0 : i32
    %c0_i32_1 = arith.constant 0 : i32
    return %arg0, %c0_i32, %c0_i32_0 : i32, i32, i32
  }
  func.func @transform_3(%arg0: i32) -> (i32, i32) {
    %c0_i32 = arith.constant 0 : i32
    %c0_i32_0 = arith.constant 0 : i32
    return %arg0, %c0_i32 : i32, i32
  }
  func.func @transform_4(%arg0: i32) -> (i32, i32) {
    %c0_i32 = arith.constant 0 : i32
    %c0_i32_0 = arith.constant 0 : i32
    %c0_i32_1 = arith.constant 0 : i32
    return %c0_i32, %c0_i32_0 : i32, i32
  }
  func.func @transform_5(%arg0: i32) -> (i32, i32) {
    %c0_i32 = arith.constant 0 : i32
    %c0_i32_0 = arith.constant 0 : i32
    %c0_i32_1 = arith.constant 0 : i32
    return %c0_i32, %c0_i32_0 : i32, i32
  }
  func.func @transform_6(%arg0: i32) -> (i32, i32) {
    %c0_i32 = arith.constant 0 : i32
    %c0_i32_0 = arith.constant 0 : i32
    %c0_i32_1 = arith.constant 0 : i32
    return %c0_i32, %c0_i32_0 : i32, i32
  }
  func.func @transform_7(%arg0: i32) -> (i32, i32) {
    %c0_i32 = arith.constant 0 : i32
    %c0_i32_0 = arith.constant 0 : i32
    %c0_i32_1 = arith.constant 0 : i32
    return %c0_i32, %c0_i32_0 : i32, i32
  }
  func.func @transform_8(%arg0: i32) -> (i32, i32) {
    %c0_i32 = arith.constant 0 : i32
    %c0_i32_0 = arith.constant 0 : i32
    %c0_i32_1 = arith.constant 0 : i32
    return %c0_i32, %c0_i32_0 : i32, i32
  }
  func.func @transform_9(%arg0: i32) -> (i32, i32) {
    %c0_i32 = arith.constant 0 : i32
    %c0_i32_0 = arith.constant 0 : i32
    %c0_i32_1 = arith.constant 0 : i32
    return %c0_i32, %c0_i32_0 : i32, i32
  }
  func.func @transform_10(%arg0: i32) -> (i32, i32) {
    %c0_i32 = arith.constant 0 : i32
    %c0_i32_0 = arith.constant 0 : i32
    %c0_i32_1 = arith.constant 0 : i32
    return %c0_i32, %c0_i32_0 : i32, i32
  }
}

</mosaic_0001>

<sc_bundles>
// kernel: kernel.10.cloned.1.call-start
scs
__scs_entry_jumppad:
0x0: {  	(pc) =	sbr.rel $0x88, $3  }
0x1: {  	(tag) =	ssettag $0x0;
	lr =	simm.s32 $0x1  }
0x2: {  	[smem:$0x3F8B] =	sst lr;
	_ =	strace $0xD0000000  }
0x3: {  	_ = 	snop  }
0x4: {  	_ = 	snop  }
0x5: {  	_ = 	snop  }
0x6: {  	_ = 	snop  }
0x7: {  	_ = 	snop  }
__scs_overlays_trampoline_lowered:
0x8: {  	[smem:$0x3F9A] =	sst s0  }
0x9: {  	[smem:$0x3F9B] =	sst s1  }
0xa: {  	[smem:$0x3F9C] =	sst s2  }
0xb: {  	[smem:$0x3F9D] =	sst s3  }
0xc: {  	[smem:$0x3F9E] =	sst s4  }
0xd: {  	[smem:$0x3F9F] =	sst s5  }
0xe: {  	[smem:$0x3FA0] =	sst s6  }
0xf: {  	[smem:$0x3FA1] =	sst s7  }
0x10: {  	[smem:$0x3FA2] =	sst s8  }
0x11: {  	[smem:$0x3FA3] =	sst s9;
	s0 =	simm.s32 @!p0 $0x0  }
0x12: {  	s1 =	sld [smem:$0x3F89];
	s0 =	simm.s32 @p0 $0x1  }
0x13: {  	[smem:$0x3FA4] =	sst s0;
	s0 =	simm.s32 @!p1 $0x0  }
0x14: {  	s2 =	sld [smem:$0x3F88];
	s0 =	simm.s32 @p1 $0x1  }
0x15: {  	[smem:$0x3FA5] =	sst s0;
	s0 =	simm.s32 @!p2 $0x0  }
0x16: {  	s3 =	sld [smem:$0x3FDB];
	s0 =	simm.s32 @p2 $0x1  }
0x17: {  	s4 =	simm.s32 $0x1BF5;
	[smem:$0x3FA7] =	sst s0  }
0x18: {  	s0 =	sld [smem:$0x3F8A];
	_ =	swait.ge [sflag:s4], $0x0  }
0x19: {  	s7 =	sld [smem:$0x3F8B]  }
0x1a: {  	s8 =	sadd.s32 $0xFFFFE003, lr  }
0x1b: {  	s9 =	sadd.s32 $0xFFFFFEF7, lr;
	s5 =	simm.s32 $0xFFFFFFFF;
	p2 =	slt.u32 s8, $0xFFFFF086  }
0x1c: {  	p1 =	slt.u32 s9, $0xF7A;
	s5 =	simm.s32 @!p2 $0x0  }
0x1d: {  	s5 =	simm.s32 @p1 $0x1;
	p0 =	seq.s32 s7, s2  }
0x1e: {  	s7 =	smul.u32 @!p0 $0xF7A, s2;
	p2 =	seq.s32 @!p0 s5, $0x0  }
0x1f: {  	s9 =	smul.u32 $0xF7A, s1;
	s8 =	simm.s32 @!p0 $0x1BF5;
	p2 =	por !p2, p0  }
0x20: {  	[sflag:s8] =	ssyncset.s32 @!p0 $0xFFFFF086;
	s6 =	sadd.s32 @!p0 s3, s7;
	s7 =	simm.s32 @!p0 $0x108  }
0x21: {  	s3 =	sadd.s32 s3, s9;
	s6 =	sadd.s32 @!p0 $0x88, s6;
	s7 =	simm.s32 @p2 $0x1082  }
0x22: {  	[simem:s7], [sflag:s8] =	dma.local @!p0 [hbm:s6], $0xF7A  }
0x23: {  	s9 =	sor.u32 $0xD0000000, s2;
	s6 =	simm.s32 $0x108;
	_ =	swait.ge @!p0 [sflag:s8], $0x0  }
0x24: {  	s3 =	sadd.s32 $0x88, s3;
	s6 =	simm.s32 @!p1 $0x1082;
	[sflag:s4] =	ssyncset.s32 $0xFFFFF086  }
0x25: {  	[simem:s6], [sflag:s4] =	dma.local [hbm:s3], $0xF7A  }
0x26: {  	[smem:$0x3F8B] =	sst s1;
	(tag) =	ssettag s2;
	_ =	strace s9  }
0x27: {  	s1 =	sld [smem:$0x3F9B]  }
0x28: {  	s2 =	sld [smem:$0x3F9C]  }
0x29: {  	s4 =	sld [smem:$0x3F9E]  }
0x2a: {  	p0 =	seq.s32 s5, $0x0;
	s5 =	sld [smem:$0x3F9F]  }
0x2b: {  	s6 =	sld [smem:$0x3FA0]  }
0x2c: {  	s7 =	sld [smem:$0x3FA1]  }
0x2d: {  	s3 =	simm.s32 $0x108;
	s8 =	sld [smem:$0x3FA2]  }
0x2e: {  	s3 =	simm.s32 @!p0 $0x1082;
	s9 =	sld [smem:$0x3FA3]  }
0x2f: {  	lr =	sadd.s32 s0, s3;
	s0 =	sld [smem:$0x3F9A]  }
0x30: {  	s3 =	sld [smem:$0x3F9D]  }
0x31: {  	[smem:$0x3FA6] =	sst s10  }
0x32: {  	s10 =	sld [smem:$0x3FA4];
	_ =	sdelay $0x3  }
0x33: {  	p0 =	seq.s32 s10, $0x1;
	s10 =	sld [smem:$0x3FA6];
	_ =	sdelay $0x3  }
0x34: {  	[smem:$0x3FA6] =	sst s10  }
0x35: {  	s10 =	sld [smem:$0x3FA5];
	_ =	sdelay $0x3  }
0x36: {  	p1 =	seq.s32 s10, $0x1;
	s10 =	sld [smem:$0x3FA6];
	_ =	sdelay $0x3  }
0x37: {  	[smem:$0x3FA6] =	sst s10  }
0x38: {  	s10 =	sld [smem:$0x3FA7]  }
0x39: {  	_ = 	snop;
	(pc) =	sbr.ind lr, $3  }
0x3a: {  	_ = 	snop  }
0x3b: {  	_ = 	snop  }
0x3c: {  	p2 =	seq.s32 s10, $0x1;
	s10 =	sld [smem:$0x3FA6]  }
0x3d: {  	_ =	shalt  }
0x3e: {  	_ =	shalt  }
0x3f: {  	_ =	shalt  }
0x40: {  	_ =	shalt  }
0x41: {  	_ =	shalt  }
0x42: {  	_ =	shalt  }
0x43: {  	_ =	shalt  }
0x44: {  	_ =	shalt  }
0x45: {  	_ =	shalt  }
0x46: {  	_ =	shalt  }
0x47: {  	_ =	shalt  }
0x48: {  	_ =	shalt  }
0x49: {  	_ =	shalt  }
0x4a: {  	_ =	shalt  }
0x4b: {  	_ =	shalt  }
0x4c: {  	_ =	shalt  }
0x4d: {  	_ =	shalt  }
0x4e: {  	_ =	shalt  }
0x4f: {  	_ =	shalt  }
0x50: {  	_ =	shalt  }
0x51: {  	_ =	shalt  }
0x52: {  	_ =	shalt  }
0x53: {  	_ =	shalt  }
0x54: {  	_ =	shalt  }
0x55: {  	_ =	shalt  }
0x56: {  	_ =	shalt  }
0x57: {  	_ =	shalt  }
0x58: {  	_ =	shalt  }
0x59: {  	_ =	shalt  }
0x5a: {  	_ =	shalt  }
0x5b: {  	_ =	shalt  }
0x5c: {  	_ =	shalt  }
0x5d: {  	_ =	shalt  }
0x5e: {  	_ =	shalt  }
0x5f: {  	_ =	shalt  }
0x60: {  	_ =	shalt  }
0x61: {  	_ =	shalt  }
0x62: {  	_ =	shalt  }
0x63: {  	_ =	shalt  }
0x64: {  	_ =	shalt  }
0x65: {  	_ =	shalt  }
0x66: {  	_ =	shalt  }
0x67: {  	_ =	shalt  }
0x68: {  	_ =	shalt  }
0x69: {  	_ =	shalt  }
0x6a: {  	_ =	shalt  }
0x6b: {  	_ =	shalt  }
0x6c: {  	_ =	shalt  }
0x6d: {  	_ =	shalt  }
0x6e: {  	_ =	shalt  }
0x6f: {  	_ =	shalt  }
0x70: {  	_ =	shalt  }
0x71: {  	_ =	shalt  }
0x72: {  	_ =	shalt  }
0x73: {  	_ =	shalt  }
0x74: {  	_ =	shalt  }
0x75: {  	_ =	shalt  }
0x76: {  	_ =	shalt  }
0x77: {  	_ =	shalt  }
0x78: {  	_ =	shalt  }
0x79: {  	_ =	shalt  }
0x7a: {  	_ =	shalt  }
0x7b: {  	_ =	shalt  }
0x7c: {  	_ =	shalt  }
0x7d: {  	_ =	shalt  }
0x7e: {  	_ =	shalt  }
0x7f: {  	_ =	shalt  }
0x80: {  	_ =	shalt  }
0x81: {  	_ =	shalt  }
0x82: {  	_ =	shalt  }
0x83: {  	_ =	shalt  }
0x84: {  	_ =	shalt  }
0x85: {  	_ =	shalt  }
0x86: {  	_ =	shalt  }
0x87: {  	_ =	shalt  }
.Lfunc_end0:
.L_simem_size_0:
called_computation_lowered:
.L_overlay_start_0:
0x88: {  	s2 =	sld [smem:$0x3FD9]  }
0x89: {  	s3 =	sld [smem:$0x3FFE];
	_ =	sdelay $0x1  }
0x8a: {  	s1 =	srdreg.scid  }
0x8b: {  	s0 =	sand.u32 $0x1, s1  }
0x8c: {  	s16 =	sshll.u32 s0, $0xA;
	s2 =	sadd.s32 s3, s2  }
0x8d: {  	s2 =	sadd.s32 s2, s16  }
0x8e: {  	[smem:$0x3FB2] =	sst s2  }
0x8f: {  	_ = 	snop  }
0x90: {  	(tm) =	ssettm $0x1  }
0x91: {  	s17 =	sld [smem:$0x3FFB];
	_ =	sdelay $0x3  }
0x92: {  	_ =	strace s17  }
0x93: {  	s2 =	sld [smem:$0x3FFC];
	_ =	sdelay $0x3  }
0x94: {  	_ =	strace s2  }
0x95: {  	s2 =	sld [smem:$0x3FFD];
	_ =	sdelay $0x3  }
0x96: {  	_ =	strace s2  }
0x97: {  	_ =	strace $0x8FFFFFFF  }
0x98: {  	s18 =	sld [smem:$0x3FDB];
	_ =	sdelay $0x1  }
0x99: {  	s19 =	simm.s32 $_scs_section_size  }
0x9a: {  	s4 =	simm.s32 $_size__tile_overlayer_lowered;
	s5 =	simm.s32 $_tile_overlayer_lowered  }
0x9b: {  	s22 =	simm.s32 $0x1BFF;
	s21 =	sshll.u32 s5, $0x1;
	s2 =	sadd.s32 s19, s18  }
0x9c: {  	s6 =	simm.s32 $0x0;
	s20 =	sshll.u32 s4, $0x1;
	s4 =	sadd.s32 s21, s2  }
0x9d: {  	[timem:s6], [sflag:s22] =	dma.local [hbm:s4], s20  }
0x9e: {  	_ =	swait.ge [sflag:s22], s20  }
0x9f: {  	s3 =	ssub.s32 $0x0, s20;
	[sflag:s22] =	ssyncset.done $0x0  }
0xa0: {  	[sflag:s22] =	ssyncadd.s32 s3;
	_ =	sdelay $0x1  }
0xa1: {  	s23 =	simm.s32 $0x1B8B  }
0xa2: {  	_ =	swait.ge [sflag:s23], $0x1  }
0xa3: {  	[sflag:s23] =	ssyncset.done $0x0  }
0xa4: {  	s25 =	simm.s32 $0x1B8E;
	s24 =	sld [smem:$0x3FFE];
	[sflag:s23] =	ssyncadd.s32 $0xFFFFFFFF  }
0xa5: {  	s26 =	simm.s32 $execute0_lowered;
	[smem:$0x3FD2] =	sst s25  }
0xa6: {  	s4 =	sshll.u32 s26, $0x1;
	_ =	strace $0x80000046;
	[dreg:$0x1] =	wrdreg $0xFFFFFFFF  }
0xa7: {  	s28 =	simm.s32 $_size_execute0_lowered;
	s2 =	sadd.s32 s2, s4;
	[dreg:$0x0] =	wrdreg $0x0  }
0xa8: {  	s4 =	sshll.u32 s28, $0x1;
	[dreg:$0x2] =	wrdreg s2  }
0xa9: {  	[dreg:$0x3] =	wrdreg s4  }
0xaa: {  	[dreg:$0x4] =	wrdreg $0xC0  }
0xab: {  	_ =	task [dreg:s6], $0x5FFFF  }
0xac: {  	[dreg:$0x1] =	wrdreg $0xFFFFFFFF  }
0xad: {  	[dreg:$0x0] =	wrdreg $0x60  }
0xae: {  	[dreg:$0x2] =	wrdreg s24  }
0xaf: {  	[dreg:$0x3] =	wrdreg $0x9  }
0xb0: {  	_ =	task.clear_ibuf [dreg:s6], $0x4FFFF;
	_ =	strace $0x90000046  }
0xb1: {  	s29 =	simm.s32 $0x9;
	_ =	strace $0x80000048  }
0xb2: {  	_ =	swait.ge [sflag:s29], $0x1  }
0xb3: {  	[sflag:s29] =	ssyncadd.s32 $0xFFFFFFFF  }
0xb4: {  	_ =	strace $0x90000048  }
0xb5: {  	_ =	sfence  }
0xb6: {  	s30 =	sld [smem:$0x0];
	_ =	sdelay $0x2  }
0xb7: {  	s31 =	sshll.u32 s1, $0xD;
	s1 =	sshrl.u32 s1, $0x2  }
0xb8: {  	s3 =	sand.u32 $0x4000, s31;
	s1 =	sadd.s32 s1, s30  }
0xb9: {  	s0 =	sor.u32 s3, s0;
	s1 =	sshll.u32 s1, $0x11  }
0xba: {  	s0 =	sor.u32 s1, s0  }
0xbb: {  	s0 =	sadd.s32 $0x8F2B, s0  }
0xbc: {  	[sflag:s0] =	ssyncadd.remote.s32 $0x1  }
0xbd: {  	_ =	sfence.sel $0xFFFF  }
0xbe: {  	[dreg:$0x0] =	wrdreg $0xFFFFFFFF;
	(pc) =	sbr.abs _section_cstart, $3  }
0xbf: {  	[dreg:$0x1] =	wrdreg $0xFFFFFFFF  }
0xc0: {  	_ =	task.clear_ibuf [dreg:s6], $0x2FFFF;
	_ =	strace $0x9FFFFFFF  }
0xc1: {  	(tm) =	ssettm $0x7FFFFFFF  }
tec
execute0_lowered:
.L_overlay_start_1:
0x0: {  	(tag) =	ssettag $0x1  }
0x1: {  	s5 =	rddreg [dreg:$0x0]  }
0x2: {  	s0 =	rddreg [dreg:$0x1]  }
0x3: {  	s2 =	simm.s32 $0x0;
	s3 =	srdreg.scid;
	s1 =	stileid.u32  }
0x4: {  	s13 =	simm.s32 $0x0;
	[smem:$0x7FF] =	sst s2;
	s8 =	sand.u32 $0x1, s3  }
0x5: {  	s3 =	sadd.s32 $0xF200, s5;
	s7 =	sshll.u32 s1, $0x1;
	s4 =	sadd.s32 $0x5200, s5  }
0x6: {  	s5 =	sadd.s32 $0x22C00, s5;
	s31 =	sshll.u32 s1, $0x8;
	s11 =	sshll.u32 s1, $0xB  }
0x7: {  	_ =	strace $0x80000047;
	s6 =	ssub.s32 $0x2, s8;
	s7 =	sor.u32 s7, s8  }
0x8: {  	s10 =	sshll.u32 s8, $0x7;
	s12 =	sshll.u32 s8, $0xA;
	s9 =	sshrl.u32 s6, $0x1  }
0x9: {  	s7 =	ssub.s32 $0x501, s7;
	s8 =	sor.u32 s10, s31;
	s10 =	simm.s32 $0x2  }
0xa: {  	s6 =	ssub.s32 s6, s9;
	s7 =	sshrl.u32 s7, $0x5;
	s9 =	sor.u32 s12, s11  }
0xb: {  	s11 =	simm.s32 $0x80;
	s12 =	simm.s32 $0x1;
	s6 =	smax.u32 s6, $0x1  }
.LBB2_1:
0xc: {  	p1 =	sne.s32 s7, $0x1  }
.Ltmp0:
0xd: {  	_ = 	snop;
	(pc) =	sbr.rel @!p1 .LBB2_2-.Ltmp0, $2  }
0xe: {  	_ =	sdelay $0x2  }
0xf: {  	s14 =	sadd.s32 $0xFFFFFFFF, s7;
	s17 =	sshrl.u32 s8, $0x3;
	p0 =	por $0x0, $0x0  }
0x10: {  	s15 =	sadd.s32 s4, s17  }
0x11: {  	[tilespmem:s2], [sflag:$0x2] =	stream.linear.gather [hbm4b:s15+s2], $0x80, $0x38;
	[tilespmem:$0x2080] =	vst v63  }
0x12: {  	_ =	swait.ge [sflag:s10], $0x80  }
0x13: {  	[sflag:s10] =	ssyncset.done $0x0  }
0x14: {  	[sflag:s10] =	ssyncadd.s32 $0xFFFFFF80  }
0x15: {  	[tilespmem:s11], [sflag:$0x1] =	stream.indirect.gather [hbm4b:s3+s11], $0x40, s2, s11, $0xb8;
	[tilespmem:$0x2080] =	vst v63  }
0x16: {  	p1 =	sne.s32 s14, $0x1;
	_ =	swait.ge [sflag:s12], $0x2000  }
.Ltmp1:
0x17: {  	s31 =	sand.u32 $0xFFFFC00, s9;
	[sflag:s12] =	ssyncset.done $0x0;
	(pc) =	sbr.rel @!p1 .LBB2_4-.Ltmp1, $4  }
0x18: {  	s16 =	sadd.s32 $0x1000, s8;
	s15 =	sadd.s32 s5, s31;
	[sflag:s12] =	ssyncadd.s32 $0xFFFFE000  }
0x19: {  	[hbm4b:s15+s2] =	stream.linear.scatter [tilespmem:s11], [sflag:$0x2], $0x2000, $0x38;
	[tilespmem:$0x2080] =	vst v63  }
0x1a: {  	p0 =	por $0x1, $0x1;
	s17 =	sshrl.u32 s16, $0x3;
	_ =	swait.ge [sflag:s10], $0x2000  }
0x1b: {  	s15 =	sadd.s32 $0xFFFFFFFF, s14;
	s14 =	smov.u32 s9;
	[sflag:s10] =	ssyncset.done $0x0  }
.LBB2_5:
0x1c: {  	s17 =	sadd.s32 s4, s17;
	[sflag:s10] =	ssyncadd.s32 $0xFFFFE000;
	s14 =	sadd.s32 $0x8000, s14  }
0x1d: {  	[tilespmem:s2], [sflag:$0x2] =	stream.linear.gather [hbm4b:s17+s2], $0x80, $0x38;
	[tilespmem:$0x2080] =	vst v63  }
0x1e: {  	p1 =	sne.s32 s15, $0x1;
	s15 =	sadd.s32 $0xFFFFFFFF, s15;
	_ =	swait.ge [sflag:s10], $0x80  }
0x1f: {  	[sflag:s10] =	ssyncset.done $0x0  }
0x20: {  	[sflag:s10] =	ssyncadd.s32 $0xFFFFFF80  }
0x21: {  	[tilespmem:s11], [sflag:$0x1] =	stream.indirect.gather [hbm4b:s3+s11], $0x40, s2, s11, $0xb8;
	[tilespmem:$0x2080] =	vst v63  }
0x22: {  	_ =	swait.ge [sflag:s12], $0x2000  }
.Ltmp2:
0x23: {  	s17 =	sand.u32 $0xFFFFC00, s14;
	[sflag:s12] =	ssyncset.done $0x0;
	(pc) =	sbr.rel @p1 .LBB2_5-.Ltmp2, $4  }
0x24: {  	s17 =	sadd.s32 s5, s17;
	[sflag:s12] =	ssyncadd.s32 $0xFFFFE000  }
0x25: {  	[hbm4b:s17+s2] =	stream.linear.scatter [tilespmem:s11], [sflag:$0x2], $0x2000, $0x38;
	[tilespmem:$0x2080] =	vst v63  }
0x26: {  	s16 =	sadd.s32 $0x1000, s16;
	_ =	swait.ge [sflag:s10], $0x2000  }
0x27: {  	s17 =	sshrl.u32 s16, $0x3;
	[sflag:s10] =	ssyncset.done $0x0  }
.LBB2_6:
0x28: {  	s15 =	sadd.s32 s4, s17;
	[sflag:s10] =	ssyncadd.s32 @p0 $0xFFFFE000  }
0x29: {  	[tilespmem:s2], [sflag:$0x2] =	stream.linear.gather [hbm4b:s15+s2], $0x80, $0x38;
	[tilespmem:$0x2080] =	vst v63  }
0x2a: {  	_ =	swait.ge [sflag:s10], $0x80  }
0x2b: {  	[sflag:s10] =	ssyncset.done $0x0  }
0x2c: {  	s14 =	sadd.s32 @p0 $0x8000, s14;
	s15 =	smov.u32 s9;
	[sflag:s10] =	ssyncadd.s32 $0xFFFFFF80  }
0x2d: {  	[tilespmem:s11], [sflag:$0x1] =	stream.indirect.gather [hbm4b:s3+s11], $0x40, s2, s11, $0xb8;
	[tilespmem:$0x2080] =	vst v63  }
0x2e: {  	s15 =	smov.u32 @p0 s14;
	_ =	swait.ge [sflag:s12], $0x2000  }
0x2f: {  	s13 =	sadd.s32 $0x1, s13;
	s14 =	sand.u32 $0xFFFFC00, s15;
	[sflag:s12] =	ssyncset.done $0x0  }
0x30: {  	p0 =	sne.s32 s13, s6;
	s14 =	sadd.s32 s5, s14;
	[sflag:s12] =	ssyncadd.s32 $0xFFFFE000  }
0x31: {  	[hbm4b:s14+s2] =	stream.linear.scatter [tilespmem:s11], [sflag:$0x2], $0x2000, $0x38;
	[tilespmem:$0x2080] =	vst v63  }
.Ltmp3:
0x32: {  	_ = 	snop;
	(pc) =	sbr.rel @p0 .LBB2_1-.Ltmp3, $4  }
.Ltmp4:
0x33: {  	_ = 	snop;
	(pc) =	sbr.rel @!p0 .LBB2_7-.Ltmp4, $4  }
0x34: {  	_ =	swait.ge [sflag:s10], $0x2000  }
0x35: {  	[sflag:s10] =	ssyncset.done $0x0  }
0x36: {  	[sflag:s10] =	ssyncadd.s32 $0xFFFFE000  }
0x37: {  	_ = 	snop  }
.LBB2_2:
.Ltmp5:
0x38: {  	(pc) =	sbr.rel .LBB2_6-.Ltmp5, $2  }
0x39: {  	_ =	sdelay $0x2  }
0x3a: {  	s14 =	smov.u32 s9  }
.LBB2_4:
.Ltmp6:
0x3b: {  	(pc) =	sbr.rel .LBB2_6-.Ltmp6, $2  }
0x3c: {  	_ =	sdelay $0x2  }
0x3d: {  	s14 =	smov.u32 s9  }
.LBB2_7:
0x3e: {  	_ =	sfence.sel $0x180000  }
0x3f: {  	[bflag:$0x0] =	sbarrier.arrive $0xFFFF  }
0x40: {  	p0 =	sne.s32 s1, $0x0;
	_ =	strace $0x90000047  }
0x41: {  	s0 =	sadd.s32 @!p0 $0x100000, s0;
	[bflag:$0x2] =	sbarrier.arrive $0xFFFF  }
0x42: {  	[sflag:s0] =	ssyncadd.tile.s32 @!p0 $0x1;
	_ =	shalt  }
.Lfunc_end2:
_tile_overlayer_lowered:
.L_overlay_start_2:
0x43: {  	(tag) =	ssettag $0x2  }
0x44: {  	s0 =	rddreg [dreg:$0x0];
	s2 =	stileid.u32  }
0x45: {  	s1 =	rddreg [dreg:$0x1];
	p0 =	sne.s32 s2, $0x0  }
0x46: {  	s3 =	rddreg [dreg:$0x2];
	[bflag:$0x3] =	sbarrier.arrive $0xFFFF;
	s2 =	simm.s32 @!p0 $0x1C02  }
0x47: {  	[timem:s3], [sflag:s2] =	dma.local @!p0 [hbm:s0], s1  }
0x48: {  	s0 =	simm.s32 @!p0 $0x2  }
0x49: {  	_ =	swait.ge @!p0 [sflag:s0], s1  }
0x4a: {  	s1 =	ssub.s32 @!p0 $0x0, s1;
	[sflag:s0] =	ssyncset.done @!p0 $0x0  }
0x4b: {  	[sflag:s0] =	ssyncadd.s32 @!p0 s1  }
0x4c: {  	[bflag:$0x3] =	sbarrier.arrive $0xFFFF  }
0x4d: {  	_ =	shalt  }

// kernel: kernel.13.cloned.1.call-start
scs
__scs_entry_jumppad:
0x0: {  	(pc) =	sbr.rel $0x88, $3  }
0x1: {  	(tag) =	ssettag $0x0;
	lr =	simm.s32 $0x1  }
0x2: {  	[smem:$0x3F8B] =	sst lr;
	_ =	strace $0xD0000000  }
0x3: {  	_ = 	snop  }
0x4: {  	_ = 	snop  }
0x5: {  	_ = 	snop  }
0x6: {  	_ = 	snop  }
0x7: {  	_ = 	snop  }
__scs_overlays_trampoline_lowered:
0x8: {  	[smem:$0x3F9A] =	sst s0  }
0x9: {  	[smem:$0x3F9B] =	sst s1  }
0xa: {  	[smem:$0x3F9C] =	sst s2  }
0xb: {  	[smem:$0x3F9D] =	sst s3  }
0xc: {  	[smem:$0x3F9E] =	sst s4  }
0xd: {  	[smem:$0x3F9F] =	sst s5  }
0xe: {  	[smem:$0x3FA0] =	sst s6  }
0xf: {  	[smem:$0x3FA1] =	sst s7  }
0x10: {  	[smem:$0x3FA2] =	sst s8  }
0x11: {  	[smem:$0x3FA3] =	sst s9;
	s0 =	simm.s32 @!p0 $0x0  }
0x12: {  	s1 =	sld [smem:$0x3F89];
	s0 =	simm.s32 @p0 $0x1  }
0x13: {  	[smem:$0x3FA4] =	sst s0;
	s0 =	simm.s32 @!p1 $0x0  }
0x14: {  	s2 =	sld [smem:$0x3F88];
	s0 =	simm.s32 @p1 $0x1  }
0x15: {  	[smem:$0x3FA5] =	sst s0;
	s0 =	simm.s32 @!p2 $0x0  }
0x16: {  	s3 =	sld [smem:$0x3FDB];
	s0 =	simm.s32 @p2 $0x1  }
0x17: {  	s4 =	simm.s32 $0x1BF5;
	[smem:$0x3FA7] =	sst s0  }
0x18: {  	s0 =	sld [smem:$0x3F8A];
	_ =	swait.ge [sflag:s4], $0x0  }
0x19: {  	s7 =	sld [smem:$0x3F8B]  }
0x1a: {  	s8 =	sadd.s32 $0xFFFFE003, lr  }
0x1b: {  	s9 =	sadd.s32 $0xFFFFFEF7, lr;
	s5 =	simm.s32 $0xFFFFFFFF;
	p2 =	slt.u32 s8, $0xFFFFF086  }
0x1c: {  	p1 =	slt.u32 s9, $0xF7A;
	s5 =	simm.s32 @!p2 $0x0  }
0x1d: {  	s5 =	simm.s32 @p1 $0x1;
	p0 =	seq.s32 s7, s2  }
0x1e: {  	s7 =	smul.u32 @!p0 $0xF7A, s2;
	p2 =	seq.s32 @!p0 s5, $0x0  }
0x1f: {  	s9 =	smul.u32 $0xF7A, s1;
	s8 =	simm.s32 @!p0 $0x1BF5;
	p2 =	por !p2, p0  }
0x20: {  	[sflag:s8] =	ssyncset.s32 @!p0 $0xFFFFF086;
	s6 =	sadd.s32 @!p0 s3, s7;
	s7 =	simm.s32 @!p0 $0x108  }
0x21: {  	s3 =	sadd.s32 s3, s9;
	s6 =	sadd.s32 @!p0 $0x88, s6;
	s7 =	simm.s32 @p2 $0x1082  }
0x22: {  	[simem:s7], [sflag:s8] =	dma.local @!p0 [hbm:s6], $0xF7A  }
0x23: {  	s9 =	sor.u32 $0xD0000000, s2;
	s6 =	simm.s32 $0x108;
	_ =	swait.ge @!p0 [sflag:s8], $0x0  }
0x24: {  	s3 =	sadd.s32 $0x88, s3;
	s6 =	simm.s32 @!p1 $0x1082;
	[sflag:s4] =	ssyncset.s32 $0xFFFFF086  }
0x25: {  	[simem:s6], [sflag:s4] =	dma.local [hbm:s3], $0xF7A  }
0x26: {  	[smem:$0x3F8B] =	sst s1;
	(tag) =	ssettag s2;
	_ =	strace s9  }
0x27: {  	s1 =	sld [smem:$0x3F9B]  }
0x28: {  	s2 =	sld [smem:$0x3F9C]  }
0x29: {  	s4 =	sld [smem:$0x3F9E]  }
0x2a: {  	p0 =	seq.s32 s5, $0x0;
	s5 =	sld [smem:$0x3F9F]  }
0x2b: {  	s6 =	sld [smem:$0x3FA0]  }
0x2c: {  	s7 =	sld [smem:$0x3FA1]  }
0x2d: {  	s3 =	simm.s32 $0x108;
	s8 =	sld [smem:$0x3FA2]  }
0x2e: {  	s3 =	simm.s32 @!p0 $0x1082;
	s9 =	sld [smem:$0x3FA3]  }
0x2f: {  	lr =	sadd.s32 s0, s3;
	s0 =	sld [smem:$0x3F9A]  }
0x30: {  	s3 =	sld [smem:$0x3F9D]  }
0x31: {  	[smem:$0x3FA6] =	sst s10  }
0x32: {  	s10 =	sld [smem:$0x3FA4];
	_ =	sdelay $0x3  }
0x33: {  	p0 =	seq.s32 s10, $0x1;
	s10 =	sld [smem:$0x3FA6];
	_ =	sdelay $0x3  }
0x34: {  	[smem:$0x3FA6] =	sst s10  }
0x35: {  	s10 =	sld [smem:$0x3FA5];
	_ =	sdelay $0x3  }
0x36: {  	p1 =	seq.s32 s10, $0x1;
	s10 =	sld [smem:$0x3FA6];
	_ =	sdelay $0x3  }
0x37: {  	[smem:$0x3FA6] =	sst s10  }
0x38: {  	s10 =	sld [smem:$0x3FA7]  }
0x39: {  	_ = 	snop;
	(pc) =	sbr.ind lr, $3  }
0x3a: {  	_ = 	snop  }
0x3b: {  	_ = 	snop  }
0x3c: {  	p2 =	seq.s32 s10, $0x1;
	s10 =	sld [smem:$0x3FA6]  }
0x3d: {  	_ =	shalt  }
0x3e: {  	_ =	shalt  }
0x3f: {  	_ =	shalt  }
0x40: {  	_ =	shalt  }
0x41: {  	_ =	shalt  }
0x42: {  	_ =	shalt  }
0x43: {  	_ =	shalt  }
0x44: {  	_ =	shalt  }
0x45: {  	_ =	shalt  }
0x46: {  	_ =	shalt  }
0x47: {  	_ =	shalt  }
0x48: {  	_ =	shalt  }
0x49: {  	_ =	shalt  }
0x4a: {  	_ =	shalt  }
0x4b: {  	_ =	shalt  }
0x4c: {  	_ =	shalt  }
0x4d: {  	_ =	shalt  }
0x4e: {  	_ =	shalt  }
0x4f: {  	_ =	shalt  }
0x50: {  	_ =	shalt  }
0x51: {  	_ =	shalt  }
0x52: {  	_ =	shalt  }
0x53: {  	_ =	shalt  }
0x54: {  	_ =	shalt  }
0x55: {  	_ =	shalt  }
0x56: {  	_ =	shalt  }
0x57: {  	_ =	shalt  }
0x58: {  	_ =	shalt  }
0x59: {  	_ =	shalt  }
0x5a: {  	_ =	shalt  }
0x5b: {  	_ =	shalt  }
0x5c: {  	_ =	shalt  }
0x5d: {  	_ =	shalt  }
0x5e: {  	_ =	shalt  }
0x5f: {  	_ =	shalt  }
0x60: {  	_ =	shalt  }
0x61: {  	_ =	shalt  }
0x62: {  	_ =	shalt  }
0x63: {  	_ =	shalt  }
0x64: {  	_ =	shalt  }
0x65: {  	_ =	shalt  }
0x66: {  	_ =	shalt  }
0x67: {  	_ =	shalt  }
0x68: {  	_ =	shalt  }
0x69: {  	_ =	shalt  }
0x6a: {  	_ =	shalt  }
0x6b: {  	_ =	shalt  }
0x6c: {  	_ =	shalt  }
0x6d: {  	_ =	shalt  }
0x6e: {  	_ =	shalt  }
0x6f: {  	_ =	shalt  }
0x70: {  	_ =	shalt  }
0x71: {  	_ =	shalt  }
0x72: {  	_ =	shalt  }
0x73: {  	_ =	shalt  }
0x74: {  	_ =	shalt  }
0x75: {  	_ =	shalt  }
0x76: {  	_ =	shalt  }
0x77: {  	_ =	shalt  }
0x78: {  	_ =	shalt  }
0x79: {  	_ =	shalt  }
0x7a: {  	_ =	shalt  }
0x7b: {  	_ =	shalt  }
0x7c: {  	_ =	shalt  }
0x7d: {  	_ =	shalt  }
0x7e: {  	_ =	shalt  }
0x7f: {  	_ =	shalt  }
0x80: {  	_ =	shalt  }
0x81: {  	_ =	shalt  }
0x82: {  	_ =	shalt  }
0x83: {  	_ =	shalt  }
0x84: {  	_ =	shalt  }
0x85: {  	_ =	shalt  }
0x86: {  	_ =	shalt  }
0x87: {  	_ =	shalt  }
.Lfunc_end0:
.L_simem_size_0:
called_computation.1_lowered:
.L_overlay_start_0:
0x88: {  	s2 =	sld [smem:$0x3FD9]  }
0x89: {  	s3 =	sld [smem:$0x3FFE];
	_ =	sdelay $0x1  }
0x8a: {  	s1 =	srdreg.scid  }
0x8b: {  	s0 =	sand.u32 $0x1, s1  }
0x8c: {  	s16 =	sshll.u32 s0, $0xA;
	s2 =	sadd.s32 s3, s2  }
0x8d: {  	s2 =	sadd.s32 s2, s16  }
0x8e: {  	[smem:$0x3FB2] =	sst s2  }
0x8f: {  	_ = 	snop  }
0x90: {  	(tm) =	ssettm $0x1  }
0x91: {  	s17 =	sld [smem:$0x3FFB];
	_ =	sdelay $0x3  }
0x92: {  	_ =	strace s17  }
0x93: {  	s2 =	sld [smem:$0x3FFC];
	_ =	sdelay $0x3  }
0x94: {  	_ =	strace s2  }
0x95: {  	s2 =	sld [smem:$0x3FFD];
	_ =	sdelay $0x3  }
0x96: {  	_ =	strace s2  }
0x97: {  	_ =	strace $0x8FFFFFFF  }
0x98: {  	s18 =	sld [smem:$0x3FDB];
	_ =	sdelay $0x1  }
0x99: {  	s19 =	simm.s32 $_scs_section_size  }
0x9a: {  	s4 =	simm.s32 $_size__tile_overlayer_lowered;
	s5 =	simm.s32 $_tile_overlayer_lowered  }
0x9b: {  	s22 =	simm.s32 $0x1BFF;
	s21 =	sshll.u32 s5, $0x1;
	s2 =	sadd.s32 s19, s18  }
0x9c: {  	s6 =	simm.s32 $0x0;
	s20 =	sshll.u32 s4, $0x1;
	s4 =	sadd.s32 s21, s2  }
0x9d: {  	[timem:s6], [sflag:s22] =	dma.local [hbm:s4], s20  }
0x9e: {  	_ =	swait.ge [sflag:s22], s20  }
0x9f: {  	s3 =	ssub.s32 $0x0, s20;
	[sflag:s22] =	ssyncset.done $0x0  }
0xa0: {  	[sflag:s22] =	ssyncadd.s32 s3;
	_ =	sdelay $0x1  }
0xa1: {  	s23 =	simm.s32 $0x1B8B  }
0xa2: {  	_ =	swait.ge [sflag:s23], $0x1  }
0xa3: {  	[sflag:s23] =	ssyncset.done $0x0  }
0xa4: {  	s25 =	simm.s32 $0x1B8E;
	s24 =	sld [smem:$0x3FFE];
	[sflag:s23] =	ssyncadd.s32 $0xFFFFFFFF  }
0xa5: {  	s26 =	simm.s32 $execute0_lowered;
	[smem:$0x3FD2] =	sst s25  }
0xa6: {  	s4 =	sshll.u32 s26, $0x1;
	_ =	strace $0x80000049;
	[dreg:$0x1] =	wrdreg $0xFFFFFFFF  }
0xa7: {  	s28 =	simm.s32 $_size_execute0_lowered;
	s2 =	sadd.s32 s2, s4;
	[dreg:$0x0] =	wrdreg $0x0  }
0xa8: {  	s4 =	sshll.u32 s28, $0x1;
	[dreg:$0x2] =	wrdreg s2  }
0xa9: {  	[dreg:$0x3] =	wrdreg s4  }
0xaa: {  	[dreg:$0x4] =	wrdreg $0xC0  }
0xab: {  	_ =	task [dreg:s6], $0x5FFFF  }
0xac: {  	[dreg:$0x1] =	wrdreg $0xFFFFFFFF  }
0xad: {  	[dreg:$0x0] =	wrdreg $0x60  }
0xae: {  	[dreg:$0x2] =	wrdreg s24  }
0xaf: {  	[dreg:$0x3] =	wrdreg $0x47000  }
0xb0: {  	[dreg:$0x4] =	wrdreg $0x9  }
0xb1: {  	_ =	task.clear_ibuf [dreg:s6], $0x5FFFF;
	_ =	strace $0x90000049  }
0xb2: {  	s29 =	simm.s32 $0x9;
	_ =	strace $0x8000004B  }
0xb3: {  	_ =	swait.ge [sflag:s29], $0x1  }
0xb4: {  	[sflag:s29] =	ssyncadd.s32 $0xFFFFFFFF  }
0xb5: {  	_ =	strace $0x9000004B  }
0xb6: {  	_ =	sfence  }
0xb7: {  	s30 =	sld [smem:$0x0];
	_ =	sdelay $0x2  }
0xb8: {  	s31 =	sshll.u32 s1, $0xD;
	s1 =	sshrl.u32 s1, $0x2  }
0xb9: {  	s3 =	sand.u32 $0x4000, s31;
	s1 =	sadd.s32 s1, s30  }
0xba: {  	s0 =	sor.u32 s3, s0;
	s1 =	sshll.u32 s1, $0x11  }
0xbb: {  	s0 =	sor.u32 s1, s0  }
0xbc: {  	s0 =	sadd.s32 $0x8F2B, s0  }
0xbd: {  	[sflag:s0] =	ssyncadd.remote.s32 $0x1  }
0xbe: {  	_ =	sfence.sel $0xFFFF  }
0xbf: {  	[dreg:$0x0] =	wrdreg $0xFFFFFFFF;
	(pc) =	sbr.abs _section_cstart, $3  }
0xc0: {  	[dreg:$0x1] =	wrdreg $0xFFFFFFFF  }
0xc1: {  	_ =	task.clear_ibuf [dreg:s6], $0x2FFFF;
	_ =	strace $0x9FFFFFFF  }
0xc2: {  	(tm) =	ssettm $0x7FFFFFFF  }
0xc3: {  	_ =	shalt  }
tec
execute0_lowered:
.L_overlay_start_1:
0x0: {  	(tag) =	ssettag $0x1  }
0x1: {  	s6 =	rddreg [dreg:$0x0]  }
0x2: {  	s2 =	rddreg [dreg:$0x1]  }
0x3: {  	s0 =	rddreg [dreg:$0x2];
	s3 =	simm.s32 $0x0;
	s1 =	stileid.u32  }
0x4: {  	s5 =	srdreg.scid;
	s13 =	simm.s32 $0x80;
	[smem:$0x7FF] =	sst s3  }
0x5: {  	s7 =	smul.u32 $0x3E80, s1;
	s4 =	sadd.s32 $0xF200, s6;
	s11 =	sand.u32 $0x1, s5  }
0x6: {  	s5 =	sadd.s32 $0xA200, s6;
	s25 =	sshll.u32 s1, $0x1;
	s29 =	sshll.u32 s1, $0x8  }
0x7: {  	s31 =	sshll.u32 s1, $0x9;
	p0 =	sgt.u32 s1, $0x9;
	_ =	strace $0x8000004A  }
0x8: {  	s8 =	smul.u32 $0x4E20, s11;
	s9 =	ssub.s32 $0x2, s11;
	s26 =	sor.u32 s25, s11  }
0x9: {  	s30 =	sshll.u32 s11, $0x7;
	s11 =	sshll.u32 s11, $0x8;
	s14 =	sshrl.u32 s7, $0x3  }
0xa: {  	s12 =	sshrl.u32 s9, $0x1;
	s7 =	sadd.s32 s7, s2;
	s28 =	ssub.s32 $0x501, s26  }
0xb: {  	s11 =	sor.u32 s11, s31;
	s10 =	sadd.s32 s14, s6;
	s8 =	sadd.s32 s8, s6  }
0xc: {  	s9 =	ssub.s32 s9, s12;
	s12 =	simm.s32 $0x1;
	s6 =	sadd.s32 $0x5D400, s10  }
0xd: {  	s15 =	sadd.s32 $0x62400, s8;
	s8 =	smax.u32 s9, $0x1;
	s9 =	sshrl.u32 s28, $0x5  }
0xe: {  	s10 =	sor.u32 s30, s29;
	s14 =	sadd.s32 @!p0 s14, s15;
	s15 =	simm.s32 $0x0  }
.LBB2_1:
0xf: {  	s17 =	simm.s32 @!p0 $0x0;
	s18 =	simm.s32 @!p0 $0x880;
	s16 =	simm.s32 @!p0 $0x1  }
0x10: {  	[tilespmem:s18], [sflag:$0x1] =	stream.linear.gather @!p0 [hbm4b:s6+s17], $0x3E80, $0x38;
	[tilespmem:$0x6E10] =	vst v63  }
0x11: {  	_ =	swait.ge @!p0 [sflag:s16], $0x3E80  }
0x12: {  	[sflag:s16] =	ssyncset.done @!p0 $0x0  }
0x13: {  	p2 =	sne.s32 s9, $0x1;
	[sflag:s16] =	ssyncadd.s32 @!p0 $0xFFFFC180  }
0x14: {  	[spmem:s7] =	stream.linear.scatter @!p0 [tilespmem:s18], [sflag:$0x1], $0x3E80, $0x38;
	[tilespmem:$0x6E10] =	vst v63  }
.Ltmp0:
0x15: {  	_ =	swait.ge @!p0 [sflag:s16], $0x3E80;
	(pc) =	sbr.rel @!p2 .LBB2_2-.Ltmp0, $4  }
0x16: {  	[sflag:s16] =	ssyncset.done @!p0 $0x0  }
0x17: {  	[sflag:s16] =	ssyncadd.s32 @!p0 $0xFFFFC180  }
0x18: {  	[bflag:$0x0] =	sbarrier.arrive $0xFFFF  }
0x19: {  	s19 =	sadd.s32 $0xFFFFFFFF, s9;
	s22 =	sshrl.u32 s10, $0x3;
	p1 =	por $0x0, $0x0  }
0x1a: {  	s20 =	sadd.s32 s5, s22  }
0x1b: {  	[tilespmem:s3], [sflag:$0x1] =	stream.linear.gather [hbm4b:s20+s3], $0x80, $0x38;
	[tilespmem:$0x6E10] =	vst v63  }
0x1c: {  	_ =	swait.ge [sflag:s12], $0x80  }
0x1d: {  	s31 =	sand.u32 $0x1FFFFF00, s11;
	[sflag:s12] =	ssyncset.done $0x0  }
0x1e: {  	s20 =	sadd.s32 s4, s31;
	[sflag:s12] =	ssyncadd.s32 $0xFFFFFF80  }
0x1f: {  	[tilespmem:s13], [sflag:$0x1] =	stream.linear.gather [hbm4b:s20+s3], $0x800, $0x38;
	[tilespmem:$0x6E10] =	vst v63  }
0x20: {  	p2 =	sne.s32 s19, $0x1;
	_ =	swait.ge [sflag:s12], $0x800  }
.Ltmp1:
0x21: {  	[sflag:s12] =	ssyncset.done $0x0;
	(pc) =	sbr.rel @!p2 .LBB2_4-.Ltmp1, $4  }
0x22: {  	s21 =	sadd.s32 $0x1000, s10;
	[sflag:s12] =	ssyncadd.s32 $0xFFFFF800  }
0x23: {  	[spmem:s2] =	stream.indirect.scatter.add.f32 [tilespmem:s13], [sflag:$0x1], $0x10, s3, s13, $0xb8;
	[tilespmem:$0x6E10] =	vst v63  }
0x24: {  	p1 =	por $0x1, $0x1;
	s22 =	sshrl.u32 s21, $0x3;
	_ =	swait.ge [sflag:s12], $0x800  }
0x25: {  	s20 =	sadd.s32 $0xFFFFFFFF, s19;
	s19 =	smov.u32 s11;
	[sflag:s12] =	ssyncset.done $0x0  }
.LBB2_5:
0x26: {  	s22 =	sadd.s32 s5, s22;
	[sflag:s12] =	ssyncadd.s32 $0xFFFFF800;
	s19 =	sadd.s32 $0x2000, s19  }
0x27: {  	[tilespmem:s3], [sflag:$0x1] =	stream.linear.gather [hbm4b:s22+s3], $0x80, $0x38;
	[tilespmem:$0x6E10] =	vst v63  }
0x28: {  	p2 =	sne.s32 s20, $0x1;
	s20 =	sadd.s32 $0xFFFFFFFF, s20;
	_ =	swait.ge [sflag:s12], $0x80  }
0x29: {  	s22 =	sand.u32 $0x1FFFFF00, s19;
	[sflag:s12] =	ssyncset.done $0x0  }
0x2a: {  	s22 =	sadd.s32 s4, s22;
	[sflag:s12] =	ssyncadd.s32 $0xFFFFFF80  }
0x2b: {  	[tilespmem:s13], [sflag:$0x1] =	stream.linear.gather [hbm4b:s22+s3], $0x800, $0x38;
	[tilespmem:$0x6E10] =	vst v63  }
0x2c: {  	_ =	swait.ge [sflag:s12], $0x800  }
.Ltmp2:
0x2d: {  	[sflag:s12] =	ssyncset.done $0x0;
	(pc) =	sbr.rel @p2 .LBB2_5-.Ltmp2, $4  }
0x2e: {  	[sflag:s12] =	ssyncadd.s32 $0xFFFFF800  }
0x2f: {  	[spmem:s2] =	stream.indirect.scatter.add.f32 [tilespmem:s13], [sflag:$0x1], $0x10, s3, s13, $0xb8;
	[tilespmem:$0x6E10] =	vst v63  }
0x30: {  	s21 =	sadd.s32 $0x1000, s21;
	_ =	swait.ge [sflag:s12], $0x800  }
0x31: {  	s22 =	sshrl.u32 s21, $0x3;
	[sflag:s12] =	ssyncset.done $0x0  }
.LBB2_6:
0x32: {  	s20 =	sadd.s32 s5, s22;
	[sflag:s12] =	ssyncadd.s32 @p1 $0xFFFFF800  }
0x33: {  	[tilespmem:s3], [sflag:$0x1] =	stream.linear.gather [hbm4b:s20+s3], $0x80, $0x38;
	[tilespmem:$0x6E10] =	vst v63  }
0x34: {  	s19 =	sadd.s32 @p1 $0x2000, s19;
	s20 =	smov.u32 s11  }
0x35: {  	_ =	swait.ge [sflag:s12], $0x80;
	s20 =	smov.u32 @p1 s19  }
0x36: {  	[sflag:s12] =	ssyncset.done $0x0;
	s19 =	sand.u32 $0x1FFFFF00, s20  }
0x37: {  	[sflag:s12] =	ssyncadd.s32 $0xFFFFFF80;
	s19 =	sadd.s32 s4, s19  }
0x38: {  	[tilespmem:s13], [sflag:$0x1] =	stream.linear.gather [hbm4b:s19+s3], $0x800, $0x38;
	[tilespmem:$0x6E10] =	vst v63  }
0x39: {  	_ =	swait.ge [sflag:s12], $0x800  }
0x3a: {  	[sflag:s12] =	ssyncset.done $0x0  }
0x3b: {  	[sflag:s12] =	ssyncadd.s32 $0xFFFFF800  }
0x3c: {  	[spmem:s2] =	stream.indirect.scatter.add.f32 [tilespmem:s13], [sflag:$0x1], $0x10, s3, s13, $0xb8;
	[tilespmem:$0x6E10] =	vst v63  }
0x3d: {  	_ =	swait.ge [sflag:s12], $0x800  }
0x3e: {  	[sflag:s12] =	ssyncset.done $0x0  }
0x3f: {  	[sflag:s12] =	ssyncadd.s32 $0xFFFFF800  }
0x40: {  	[bflag:$0x0] =	sbarrier.arrive $0xFFFF  }
0x41: {  	[tilespmem:s18], [sflag:$0x1] =	stream.linear.gather @!p0 [spmem:s7], $0x3E80, $0x38;
	[tilespmem:$0x6E10] =	vst v63  }
0x42: {  	_ =	swait.ge @!p0 [sflag:s16], $0x3E80  }
0x43: {  	s15 =	sadd.s32 $0x1, s15;
	[sflag:s16] =	ssyncset.done @!p0 $0x0  }
0x44: {  	p1 =	sne.s32 s15, s8;
	[sflag:s16] =	ssyncadd.s32 @!p0 $0xFFFFC180  }
0x45: {  	[hbm4b:s14+s17] =	stream.linear.scatter @!p0 [tilespmem:s18], [sflag:$0x1], $0x3E80, $0x38;
	[tilespmem:$0x6E10] =	vst v63  }
.Ltmp3:
0x46: {  	_ = 	snop;
	(pc) =	sbr.rel @p1 .LBB2_1-.Ltmp3, $4  }
.Ltmp4:
0x47: {  	_ = 	snop;
	(pc) =	sbr.rel @!p1 .LBB2_7-.Ltmp4, $4  }
0x48: {  	_ =	swait.ge @!p0 [sflag:s16], $0x3E80  }
0x49: {  	[sflag:s16] =	ssyncset.done @!p0 $0x0  }
0x4a: {  	[sflag:s16] =	ssyncadd.s32 @!p0 $0xFFFFC180  }
0x4b: {  	_ = 	snop  }
.LBB2_2:
.Ltmp5:
0x4c: {  	(pc) =	sbr.rel .LBB2_6-.Ltmp5, $2  }
0x4d: {  	_ =	sdelay $0x2  }
0x4e: {  	s19 =	smov.u32 s11  }
.LBB2_4:
.Ltmp6:
0x4f: {  	(pc) =	sbr.rel .LBB2_6-.Ltmp6, $2  }
0x50: {  	_ =	sdelay $0x2  }
0x51: {  	s19 =	smov.u32 s11  }
.LBB2_7:
0x52: {  	_ =	sfence.sel $0x180000  }
0x53: {  	[bflag:$0x0] =	sbarrier.arrive $0xFFFF  }
0x54: {  	p0 =	sne.s32 s1, $0x0;
	_ =	strace $0x9000004A  }
0x55: {  	s0 =	sadd.s32 @!p0 $0x100000, s0;
	[bflag:$0x2] =	sbarrier.arrive $0xFFFF  }
0x56: {  	[sflag:s0] =	ssyncadd.tile.s32 @!p0 $0x1;
	_ =	shalt  }
.Lfunc_end2:
_tile_overlayer_lowered:
.L_overlay_start_2:
0x57: {  	(tag) =	ssettag $0x2  }
0x58: {  	s0 =	rddreg [dreg:$0x0];
	s2 =	stileid.u32  }
0x59: {  	s1 =	rddreg [dreg:$0x1];
	p0 =	sne.s32 s2, $0x0  }
0x5a: {  	s3 =	rddreg [dreg:$0x2];
	[bflag:$0x3] =	sbarrier.arrive $0xFFFF;
	s2 =	simm.s32 @!p0 $0x1C01  }
0x5b: {  	[timem:s3], [sflag:s2] =	dma.local @!p0 [hbm:s0], s1  }
0x5c: {  	s0 =	simm.s32 @!p0 $0x1  }
0x5d: {  	_ =	swait.ge @!p0 [sflag:s0], s1  }
0x5e: {  	s1 =	ssub.s32 @!p0 $0x0, s1;
	[sflag:s0] =	ssyncset.done @!p0 $0x0  }
0x5f: {  	[sflag:s0] =	ssyncadd.s32 @!p0 s1  }
0x60: {  	[bflag:$0x3] =	sbarrier.arrive $0xFFFF  }
0x61: {  	_ =	shalt  }

// kernel: kernel.16.cloned.1.call-start
scs
__scs_entry_jumppad:
0x0: {  	(pc) =	sbr.rel $0x88, $3  }
0x1: {  	(tag) =	ssettag $0x0;
	lr =	simm.s32 $0x1  }
0x2: {  	[smem:$0x3F8B] =	sst lr;
	_ =	strace $0xD0000000  }
0x3: {  	_ = 	snop  }
0x4: {  	_ = 	snop  }
0x5: {  	_ = 	snop  }
0x6: {  	_ = 	snop  }
0x7: {  	_ = 	snop  }
__scs_overlays_trampoline_lowered:
0x8: {  	[smem:$0x3F9A] =	sst s0  }
0x9: {  	[smem:$0x3F9B] =	sst s1  }
0xa: {  	[smem:$0x3F9C] =	sst s2  }
0xb: {  	[smem:$0x3F9D] =	sst s3  }
0xc: {  	[smem:$0x3F9E] =	sst s4  }
0xd: {  	[smem:$0x3F9F] =	sst s5  }
0xe: {  	[smem:$0x3FA0] =	sst s6  }
0xf: {  	[smem:$0x3FA1] =	sst s7  }
0x10: {  	[smem:$0x3FA2] =	sst s8  }
0x11: {  	[smem:$0x3FA3] =	sst s9;
	s0 =	simm.s32 @!p0 $0x0  }
0x12: {  	s1 =	sld [smem:$0x3F89];
	s0 =	simm.s32 @p0 $0x1  }
0x13: {  	[smem:$0x3FA4] =	sst s0;
	s0 =	simm.s32 @!p1 $0x0  }
0x14: {  	s2 =	sld [smem:$0x3F88];
	s0 =	simm.s32 @p1 $0x1  }
0x15: {  	[smem:$0x3FA5] =	sst s0;
	s0 =	simm.s32 @!p2 $0x0  }
0x16: {  	s3 =	sld [smem:$0x3FDB];
	s0 =	simm.s32 @p2 $0x1  }
0x17: {  	s4 =	simm.s32 $0x1BF5;
	[smem:$0x3FA7] =	sst s0  }
0x18: {  	s0 =	sld [smem:$0x3F8A];
	_ =	swait.ge [sflag:s4], $0x0  }
0x19: {  	s7 =	sld [smem:$0x3F8B]  }
0x1a: {  	s8 =	sadd.s32 $0xFFFFE003, lr  }
0x1b: {  	s9 =	sadd.s32 $0xFFFFFEF7, lr;
	s5 =	simm.s32 $0xFFFFFFFF;
	p2 =	slt.u32 s8, $0xFFFFF086  }
0x1c: {  	p1 =	slt.u32 s9, $0xF7A;
	s5 =	simm.s32 @!p2 $0x0  }
0x1d: {  	s5 =	simm.s32 @p1 $0x1;
	p0 =	seq.s32 s7, s2  }
0x1e: {  	s7 =	smul.u32 @!p0 $0xF7A, s2;
	p2 =	seq.s32 @!p0 s5, $0x0  }
0x1f: {  	s9 =	smul.u32 $0xF7A, s1;
	s8 =	simm.s32 @!p0 $0x1BF5;
	p2 =	por !p2, p0  }
0x20: {  	[sflag:s8] =	ssyncset.s32 @!p0 $0xFFFFF086;
	s6 =	sadd.s32 @!p0 s3, s7;
	s7 =	simm.s32 @!p0 $0x108  }
0x21: {  	s3 =	sadd.s32 s3, s9;
	s6 =	sadd.s32 @!p0 $0x88, s6;
	s7 =	simm.s32 @p2 $0x1082  }
0x22: {  	[simem:s7], [sflag:s8] =	dma.local @!p0 [hbm:s6], $0xF7A  }
0x23: {  	s9 =	sor.u32 $0xD0000000, s2;
	s6 =	simm.s32 $0x108;
	_ =	swait.ge @!p0 [sflag:s8], $0x0  }
0x24: {  	s3 =	sadd.s32 $0x88, s3;
	s6 =	simm.s32 @!p1 $0x1082;
	[sflag:s4] =	ssyncset.s32 $0xFFFFF086  }
0x25: {  	[simem:s6], [sflag:s4] =	dma.local [hbm:s3], $0xF7A  }
0x26: {  	[smem:$0x3F8B] =	sst s1;
	(tag) =	ssettag s2;
	_ =	strace s9  }
0x27: {  	s1 =	sld [smem:$0x3F9B]  }
0x28: {  	s2 =	sld [smem:$0x3F9C]  }
0x29: {  	s4 =	sld [smem:$0x3F9E]  }
0x2a: {  	p0 =	seq.s32 s5, $0x0;
	s5 =	sld [smem:$0x3F9F]  }
0x2b: {  	s6 =	sld [smem:$0x3FA0]  }
0x2c: {  	s7 =	sld [smem:$0x3FA1]  }
0x2d: {  	s3 =	simm.s32 $0x108;
	s8 =	sld [smem:$0x3FA2]  }
0x2e: {  	s3 =	simm.s32 @!p0 $0x1082;
	s9 =	sld [smem:$0x3FA3]  }
0x2f: {  	lr =	sadd.s32 s0, s3;
	s0 =	sld [smem:$0x3F9A]  }
0x30: {  	s3 =	sld [smem:$0x3F9D]  }
0x31: {  	[smem:$0x3FA6] =	sst s10  }
0x32: {  	s10 =	sld [smem:$0x3FA4];
	_ =	sdelay $0x3  }
0x33: {  	p0 =	seq.s32 s10, $0x1;
	s10 =	sld [smem:$0x3FA6];
	_ =	sdelay $0x3  }
0x34: {  	[smem:$0x3FA6] =	sst s10  }
0x35: {  	s10 =	sld [smem:$0x3FA5];
	_ =	sdelay $0x3  }
0x36: {  	p1 =	seq.s32 s10, $0x1;
	s10 =	sld [smem:$0x3FA6];
	_ =	sdelay $0x3  }
0x37: {  	[smem:$0x3FA6] =	sst s10  }
0x38: {  	s10 =	sld [smem:$0x3FA7]  }
0x39: {  	_ = 	snop;
	(pc) =	sbr.ind lr, $3  }
0x3a: {  	_ = 	snop  }
0x3b: {  	_ = 	snop  }
0x3c: {  	p2 =	seq.s32 s10, $0x1;
	s10 =	sld [smem:$0x3FA6]  }
0x3d: {  	_ =	shalt  }
0x3e: {  	_ =	shalt  }
0x3f: {  	_ =	shalt  }
0x40: {  	_ =	shalt  }
0x41: {  	_ =	shalt  }
0x42: {  	_ =	shalt  }
0x43: {  	_ =	shalt  }
0x44: {  	_ =	shalt  }
0x45: {  	_ =	shalt  }
0x46: {  	_ =	shalt  }
0x47: {  	_ =	shalt  }
0x48: {  	_ =	shalt  }
0x49: {  	_ =	shalt  }
0x4a: {  	_ =	shalt  }
0x4b: {  	_ =	shalt  }
0x4c: {  	_ =	shalt  }
0x4d: {  	_ =	shalt  }
0x4e: {  	_ =	shalt  }
0x4f: {  	_ =	shalt  }
0x50: {  	_ =	shalt  }
0x51: {  	_ =	shalt  }
0x52: {  	_ =	shalt  }
0x53: {  	_ =	shalt  }
0x54: {  	_ =	shalt  }
0x55: {  	_ =	shalt  }
0x56: {  	_ =	shalt  }
0x57: {  	_ =	shalt  }
0x58: {  	_ =	shalt  }
0x59: {  	_ =	shalt  }
0x5a: {  	_ =	shalt  }
0x5b: {  	_ =	shalt  }
0x5c: {  	_ =	shalt  }
0x5d: {  	_ =	shalt  }
0x5e: {  	_ =	shalt  }
0x5f: {  	_ =	shalt  }
0x60: {  	_ =	shalt  }
0x61: {  	_ =	shalt  }
0x62: {  	_ =	shalt  }
0x63: {  	_ =	shalt  }
0x64: {  	_ =	shalt  }
0x65: {  	_ =	shalt  }
0x66: {  	_ =	shalt  }
0x67: {  	_ =	shalt  }
0x68: {  	_ =	shalt  }
0x69: {  	_ =	shalt  }
0x6a: {  	_ =	shalt  }
0x6b: {  	_ =	shalt  }
0x6c: {  	_ =	shalt  }
0x6d: {  	_ =	shalt  }
0x6e: {  	_ =	shalt  }
0x6f: {  	_ =	shalt  }
0x70: {  	_ =	shalt  }
0x71: {  	_ =	shalt  }
0x72: {  	_ =	shalt  }
0x73: {  	_ =	shalt  }
0x74: {  	_ =	shalt  }
0x75: {  	_ =	shalt  }
0x76: {  	_ =	shalt  }
0x77: {  	_ =	shalt  }
0x78: {  	_ =	shalt  }
0x79: {  	_ =	shalt  }
0x7a: {  	_ =	shalt  }
0x7b: {  	_ =	shalt  }
0x7c: {  	_ =	shalt  }
0x7d: {  	_ =	shalt  }
0x7e: {  	_ =	shalt  }
0x7f: {  	_ =	shalt  }
0x80: {  	_ =	shalt  }
0x81: {  	_ =	shalt  }
0x82: {  	_ =	shalt  }
0x83: {  	_ =	shalt  }
0x84: {  	_ =	shalt  }
0x85: {  	_ =	shalt  }
0x86: {  	_ =	shalt  }
0x87: {  	_ =	shalt  }
.Lfunc_end0:
.L_simem_size_0:
called_computation.2_lowered:
.L_overlay_start_0:
0x88: {  	s2 =	sld [smem:$0x3FD9]  }
0x89: {  	s3 =	sld [smem:$0x3FFE];
	_ =	sdelay $0x1  }
0x8a: {  	s1 =	srdreg.scid  }
0x8b: {  	s0 =	sand.u32 $0x1, s1  }
0x8c: {  	s16 =	sshll.u32 s0, $0xA;
	s2 =	sadd.s32 s3, s2  }
0x8d: {  	s2 =	sadd.s32 s2, s16  }
0x8e: {  	[smem:$0x3FB2] =	sst s2  }
0x8f: {  	_ = 	snop  }
0x90: {  	(tm) =	ssettm $0x1  }
0x91: {  	s17 =	sld [smem:$0x3FFB];
	_ =	sdelay $0x3  }
0x92: {  	_ =	strace s17  }
0x93: {  	s2 =	sld [smem:$0x3FFC];
	_ =	sdelay $0x3  }
0x94: {  	_ =	strace s2  }
0x95: {  	s2 =	sld [smem:$0x3FFD];
	_ =	sdelay $0x3  }
0x96: {  	_ =	strace s2  }
0x97: {  	_ =	strace $0x8FFFFFFF  }
0x98: {  	s18 =	sld [smem:$0x3FDB];
	_ =	sdelay $0x1  }
0x99: {  	s19 =	simm.s32 $_scs_section_size  }
0x9a: {  	s4 =	simm.s32 $_size__tile_overlayer_lowered;
	s5 =	simm.s32 $_tile_overlayer_lowered  }
0x9b: {  	s22 =	simm.s32 $0x1BFF;
	s21 =	sshll.u32 s5, $0x1;
	s2 =	sadd.s32 s19, s18  }
0x9c: {  	s6 =	simm.s32 $0x0;
	s20 =	sshll.u32 s4, $0x1;
	s4 =	sadd.s32 s21, s2  }
0x9d: {  	[timem:s6], [sflag:s22] =	dma.local [hbm:s4], s20  }
0x9e: {  	_ =	swait.ge [sflag:s22], s20  }
0x9f: {  	s3 =	ssub.s32 $0x0, s20;
	[sflag:s22] =	ssyncset.done $0x0  }
0xa0: {  	[sflag:s22] =	ssyncadd.s32 s3;
	_ =	sdelay $0x1  }
0xa1: {  	s23 =	simm.s32 $0x1B8B  }
0xa2: {  	_ =	swait.ge [sflag:s23], $0x1  }
0xa3: {  	[sflag:s23] =	ssyncset.done $0x0  }
0xa4: {  	s25 =	simm.s32 $0x1B8E;
	s24 =	sld [smem:$0x3FFE];
	[sflag:s23] =	ssyncadd.s32 $0xFFFFFFFF  }
0xa5: {  	s26 =	simm.s32 $execute0_lowered;
	[smem:$0x3FD2] =	sst s25  }
0xa6: {  	s4 =	sshll.u32 s26, $0x1;
	_ =	strace $0x8000004C;
	[dreg:$0x1] =	wrdreg $0xFFFFFFFF  }
0xa7: {  	s28 =	simm.s32 $_size_execute0_lowered;
	s2 =	sadd.s32 s2, s4;
	[dreg:$0x0] =	wrdreg $0x0  }
0xa8: {  	s4 =	sshll.u32 s28, $0x1;
	[dreg:$0x2] =	wrdreg s2  }
0xa9: {  	[dreg:$0x3] =	wrdreg s4  }
0xaa: {  	[dreg:$0x4] =	wrdreg $0xC0  }
0xab: {  	_ =	task [dreg:s6], $0x5FFFF  }
0xac: {  	[dreg:$0x1] =	wrdreg $0xFFFFFFFF  }
0xad: {  	[dreg:$0x0] =	wrdreg $0x60  }
0xae: {  	[dreg:$0x2] =	wrdreg s24  }
0xaf: {  	[dreg:$0x3] =	wrdreg $0x9  }
0xb0: {  	_ =	task.clear_ibuf [dreg:s6], $0x4FFFF;
	_ =	strace $0x9000004C  }
0xb1: {  	s29 =	simm.s32 $0x9;
	_ =	strace $0x8000004E  }
0xb2: {  	_ =	swait.ge [sflag:s29], $0x1  }
0xb3: {  	[sflag:s29] =	ssyncadd.s32 $0xFFFFFFFF  }
0xb4: {  	_ =	strace $0x9000004E  }
0xb5: {  	_ =	sfence  }
0xb6: {  	s30 =	sld [smem:$0x0];
	_ =	sdelay $0x2  }
0xb7: {  	s31 =	sshll.u32 s1, $0xD;
	s1 =	sshrl.u32 s1, $0x2  }
0xb8: {  	s3 =	sand.u32 $0x4000, s31;
	s1 =	sadd.s32 s1, s30  }
0xb9: {  	s0 =	sor.u32 s3, s0;
	s1 =	sshll.u32 s1, $0x11  }
0xba: {  	s0 =	sor.u32 s1, s0  }
0xbb: {  	s0 =	sadd.s32 $0x8F2B, s0  }
0xbc: {  	[sflag:s0] =	ssyncadd.remote.s32 $0x1  }
0xbd: {  	_ =	sfence.sel $0xFFFF  }
0xbe: {  	[dreg:$0x0] =	wrdreg $0xFFFFFFFF;
	(pc) =	sbr.abs _section_cstart, $3  }
0xbf: {  	[dreg:$0x1] =	wrdreg $0xFFFFFFFF  }
0xc0: {  	_ =	task.clear_ibuf [dreg:s6], $0x2FFFF;
	_ =	strace $0x9FFFFFFF  }
0xc1: {  	(tm) =	ssettm $0x7FFFFFFF  }
tec
execute0_lowered:
.L_overlay_start_1:
0x0: {  	(tag) =	ssettag $0x1  }
0x1: {  	s5 =	rddreg [dreg:$0x0]  }
0x2: {  	s0 =	rddreg [dreg:$0x1]  }
0x3: {  	s2 =	simm.s32 $0x0;
	s3 =	srdreg.scid;
	s1 =	stileid.u32  }
0x4: {  	s13 =	simm.s32 $0x0;
	[smem:$0x7FF] =	sst s2;
	s8 =	sand.u32 $0x1, s3  }
0x5: {  	s3 =	sadd.s32 $0x22C00, s5;
	s7 =	sshll.u32 s1, $0x1;
	s4 =	sadd.s32 $0x5200, s5  }
0x6: {  	s5 =	sadd.s32 $0x62400, s5;
	s31 =	sshll.u32 s1, $0x8;
	s11 =	sshll.u32 s1, $0xA  }
0x7: {  	_ =	strace $0x8000004D;
	s6 =	ssub.s32 $0x2, s8;
	s7 =	sor.u32 s7, s8  }
0x8: {  	s10 =	sshll.u32 s8, $0x7;
	s12 =	sshll.u32 s8, $0x9;
	s9 =	sshrl.u32 s6, $0x1  }
0x9: {  	s7 =	ssub.s32 $0x501, s7;
	s8 =	sor.u32 s10, s31;
	s10 =	simm.s32 $0x2  }
0xa: {  	s6 =	ssub.s32 s6, s9;
	s7 =	sshrl.u32 s7, $0x5;
	s9 =	sor.u32 s12, s11  }
0xb: {  	s11 =	simm.s32 $0x80;
	s12 =	simm.s32 $0x1;
	s6 =	smax.u32 s6, $0x1  }
.LBB2_1:
0xc: {  	p1 =	sne.s32 s7, $0x1  }
.Ltmp0:
0xd: {  	_ = 	snop;
	(pc) =	sbr.rel @!p1 .LBB2_2-.Ltmp0, $2  }
0xe: {  	_ =	sdelay $0x2  }
0xf: {  	s14 =	sadd.s32 $0xFFFFFFFF, s7;
	s17 =	sshrl.u32 s8, $0x3;
	p0 =	por $0x0, $0x0  }
0x10: {  	s15 =	sadd.s32 s4, s17  }
0x11: {  	[tilespmem:s2], [sflag:$0x2] =	stream.linear.gather [hbm4b:s15+s2], $0x80, $0x38;
	[tilespmem:$0x1080] =	vst v63  }
0x12: {  	_ =	swait.ge [sflag:s10], $0x80  }
0x13: {  	[sflag:s10] =	ssyncset.done $0x0  }
0x14: {  	[sflag:s10] =	ssyncadd.s32 $0xFFFFFF80  }
0x15: {  	[tilespmem:s11], [sflag:$0x1] =	stream.indirect.gather [hbm4b:s3+s11], $0x20, s2, s11, $0xb8;
	[tilespmem:$0x1080] =	vst v63  }
0x16: {  	p1 =	sne.s32 s14, $0x1;
	_ =	swait.ge [sflag:s12], $0x1000  }
.Ltmp1:
0x17: {  	s31 =	sand.u32 $0xFFFFE00, s9;
	[sflag:s12] =	ssyncset.done $0x0;
	(pc) =	sbr.rel @!p1 .LBB2_4-.Ltmp1, $4  }
0x18: {  	s16 =	sadd.s32 $0x1000, s8;
	s15 =	sadd.s32 s5, s31;
	[sflag:s12] =	ssyncadd.s32 $0xFFFFF000  }
0x19: {  	[hbm4b:s15+s2] =	stream.linear.scatter [tilespmem:s11], [sflag:$0x2], $0x1000, $0x38;
	[tilespmem:$0x1080] =	vst v63  }
0x1a: {  	p0 =	por $0x1, $0x1;
	s17 =	sshrl.u32 s16, $0x3;
	_ =	swait.ge [sflag:s10], $0x1000  }
0x1b: {  	s15 =	sadd.s32 $0xFFFFFFFF, s14;
	s14 =	smov.u32 s9;
	[sflag:s10] =	ssyncset.done $0x0  }
.LBB2_5:
0x1c: {  	s17 =	sadd.s32 s4, s17;
	[sflag:s10] =	ssyncadd.s32 $0xFFFFF000;
	s14 =	sadd.s32 $0x4000, s14  }
0x1d: {  	[tilespmem:s2], [sflag:$0x2] =	stream.linear.gather [hbm4b:s17+s2], $0x80, $0x38;
	[tilespmem:$0x1080] =	vst v63  }
0x1e: {  	p1 =	sne.s32 s15, $0x1;
	s15 =	sadd.s32 $0xFFFFFFFF, s15;
	_ =	swait.ge [sflag:s10], $0x80  }
0x1f: {  	[sflag:s10] =	ssyncset.done $0x0  }
0x20: {  	[sflag:s10] =	ssyncadd.s32 $0xFFFFFF80  }
0x21: {  	[tilespmem:s11], [sflag:$0x1] =	stream.indirect.gather [hbm4b:s3+s11], $0x20, s2, s11, $0xb8;
	[tilespmem:$0x1080] =	vst v63  }
0x22: {  	_ =	swait.ge [sflag:s12], $0x1000  }
.Ltmp2:
0x23: {  	s17 =	sand.u32 $0xFFFFE00, s14;
	[sflag:s12] =	ssyncset.done $0x0;
	(pc) =	sbr.rel @p1 .LBB2_5-.Ltmp2, $4  }
0x24: {  	s17 =	sadd.s32 s5, s17;
	[sflag:s12] =	ssyncadd.s32 $0xFFFFF000  }
0x25: {  	[hbm4b:s17+s2] =	stream.linear.scatter [tilespmem:s11], [sflag:$0x2], $0x1000, $0x38;
	[tilespmem:$0x1080] =	vst v63  }
0x26: {  	s16 =	sadd.s32 $0x1000, s16;
	_ =	swait.ge [sflag:s10], $0x1000  }
0x27: {  	s17 =	sshrl.u32 s16, $0x3;
	[sflag:s10] =	ssyncset.done $0x0  }
.LBB2_6:
0x28: {  	s15 =	sadd.s32 s4, s17;
	[sflag:s10] =	ssyncadd.s32 @p0 $0xFFFFF000  }
0x29: {  	[tilespmem:s2], [sflag:$0x2] =	stream.linear.gather [hbm4b:s15+s2], $0x80, $0x38;
	[tilespmem:$0x1080] =	vst v63  }
0x2a: {  	_ =	swait.ge [sflag:s10], $0x80  }
0x2b: {  	[sflag:s10] =	ssyncset.done $0x0  }
0x2c: {  	s14 =	sadd.s32 @p0 $0x4000, s14;
	s15 =	smov.u32 s9;
	[sflag:s10] =	ssyncadd.s32 $0xFFFFFF80  }
0x2d: {  	[tilespmem:s11], [sflag:$0x1] =	stream.indirect.gather [hbm4b:s3+s11], $0x20, s2, s11, $0xb8;
	[tilespmem:$0x1080] =	vst v63  }
0x2e: {  	s15 =	smov.u32 @p0 s14;
	_ =	swait.ge [sflag:s12], $0x1000  }
0x2f: {  	s13 =	sadd.s32 $0x1, s13;
	s14 =	sand.u32 $0xFFFFE00, s15;
	[sflag:s12] =	ssyncset.done $0x0  }
0x30: {  	p0 =	sne.s32 s13, s6;
	s14 =	sadd.s32 s5, s14;
	[sflag:s12] =	ssyncadd.s32 $0xFFFFF000  }
0x31: {  	[hbm4b:s14+s2] =	stream.linear.scatter [tilespmem:s11], [sflag:$0x2], $0x1000, $0x38;
	[tilespmem:$0x1080] =	vst v63  }
.Ltmp3:
0x32: {  	_ = 	snop;
	(pc) =	sbr.rel @p0 .LBB2_1-.Ltmp3, $4  }
.Ltmp4:
0x33: {  	_ = 	snop;
	(pc) =	sbr.rel @!p0 .LBB2_7-.Ltmp4, $4  }
0x34: {  	_ =	swait.ge [sflag:s10], $0x1000  }
0x35: {  	[sflag:s10] =	ssyncset.done $0x0  }
0x36: {  	[sflag:s10] =	ssyncadd.s32 $0xFFFFF000  }
0x37: {  	_ = 	snop  }
.LBB2_2:
.Ltmp5:
0x38: {  	(pc) =	sbr.rel .LBB2_6-.Ltmp5, $2  }
0x39: {  	_ =	sdelay $0x2  }
0x3a: {  	s14 =	smov.u32 s9  }
.LBB2_4:
.Ltmp6:
0x3b: {  	(pc) =	sbr.rel .LBB2_6-.Ltmp6, $2  }
0x3c: {  	_ =	sdelay $0x2  }
0x3d: {  	s14 =	smov.u32 s9  }
.LBB2_7:
0x3e: {  	_ =	sfence.sel $0x180000  }
0x3f: {  	[bflag:$0x0] =	sbarrier.arrive $0xFFFF  }
0x40: {  	p0 =	sne.s32 s1, $0x0;
	_ =	strace $0x9000004D  }
0x41: {  	s0 =	sadd.s32 @!p0 $0x100000, s0;
	[bflag:$0x2] =	sbarrier.arrive $0xFFFF  }
0x42: {  	[sflag:s0] =	ssyncadd.tile.s32 @!p0 $0x1;
	_ =	shalt  }
.Lfunc_end2:
_tile_overlayer_lowered:
.L_overlay_start_2:
0x43: {  	(tag) =	ssettag $0x2  }
0x44: {  	s0 =	rddreg [dreg:$0x0];
	s2 =	stileid.u32  }
0x45: {  	s1 =	rddreg [dreg:$0x1];
	p0 =	sne.s32 s2, $0x0  }
0x46: {  	s3 =	rddreg [dreg:$0x2];
	[bflag:$0x3] =	sbarrier.arrive $0xFFFF;
	s2 =	simm.s32 @!p0 $0x1C02  }
0x47: {  	[timem:s3], [sflag:s2] =	dma.local @!p0 [hbm:s0], s1  }
0x48: {  	s0 =	simm.s32 @!p0 $0x2  }
0x49: {  	_ =	swait.ge @!p0 [sflag:s0], s1  }
0x4a: {  	s1 =	ssub.s32 @!p0 $0x0, s1;
	[sflag:s0] =	ssyncset.done @!p0 $0x0  }
0x4b: {  	[sflag:s0] =	ssyncadd.s32 @!p0 s1  }
0x4c: {  	[bflag:$0x3] =	sbarrier.arrive $0xFFFF  }
0x4d: {  	_ =	shalt  }

// kernel: kernel.19.cloned.1.call-start
scs
__scs_entry_jumppad:
0x0: {  	(pc) =	sbr.rel $0x88, $3  }
0x1: {  	(tag) =	ssettag $0x0;
	lr =	simm.s32 $0x1  }
0x2: {  	[smem:$0x3F8B] =	sst lr;
	_ =	strace $0xD0000000  }
0x3: {  	_ = 	snop  }
0x4: {  	_ = 	snop  }
0x5: {  	_ = 	snop  }
0x6: {  	_ = 	snop  }
0x7: {  	_ = 	snop  }
__scs_overlays_trampoline_lowered:
0x8: {  	[smem:$0x3F9A] =	sst s0  }
0x9: {  	[smem:$0x3F9B] =	sst s1  }
0xa: {  	[smem:$0x3F9C] =	sst s2  }
0xb: {  	[smem:$0x3F9D] =	sst s3  }
0xc: {  	[smem:$0x3F9E] =	sst s4  }
0xd: {  	[smem:$0x3F9F] =	sst s5  }
0xe: {  	[smem:$0x3FA0] =	sst s6  }
0xf: {  	[smem:$0x3FA1] =	sst s7  }
0x10: {  	[smem:$0x3FA2] =	sst s8  }
0x11: {  	[smem:$0x3FA3] =	sst s9;
	s0 =	simm.s32 @!p0 $0x0  }
0x12: {  	s1 =	sld [smem:$0x3F89];
	s0 =	simm.s32 @p0 $0x1  }
0x13: {  	[smem:$0x3FA4] =	sst s0;
	s0 =	simm.s32 @!p1 $0x0  }
0x14: {  	s2 =	sld [smem:$0x3F88];
	s0 =	simm.s32 @p1 $0x1  }
0x15: {  	[smem:$0x3FA5] =	sst s0;
	s0 =	simm.s32 @!p2 $0x0  }
0x16: {  	s3 =	sld [smem:$0x3FDB];
	s0 =	simm.s32 @p2 $0x1  }
0x17: {  	s4 =	simm.s32 $0x1BF5;
	[smem:$0x3FA7] =	sst s0  }
0x18: {  	s0 =	sld [smem:$0x3F8A];
	_ =	swait.ge [sflag:s4], $0x0  }
0x19: {  	s7 =	sld [smem:$0x3F8B]  }
0x1a: {  	s8 =	sadd.s32 $0xFFFFE003, lr  }
0x1b: {  	s9 =	sadd.s32 $0xFFFFFEF7, lr;
	s5 =	simm.s32 $0xFFFFFFFF;
	p2 =	slt.u32 s8, $0xFFFFF086  }
0x1c: {  	p1 =	slt.u32 s9, $0xF7A;
	s5 =	simm.s32 @!p2 $0x0  }
0x1d: {  	s5 =	simm.s32 @p1 $0x1;
	p0 =	seq.s32 s7, s2  }
0x1e: {  	s7 =	smul.u32 @!p0 $0xF7A, s2;
	p2 =	seq.s32 @!p0 s5, $0x0  }
0x1f: {  	s9 =	smul.u32 $0xF7A, s1;
	s8 =	simm.s32 @!p0 $0x1BF5;
	p2 =	por !p2, p0  }
0x20: {  	[sflag:s8] =	ssyncset.s32 @!p0 $0xFFFFF086;
	s6 =	sadd.s32 @!p0 s3, s7;
	s7 =	simm.s32 @!p0 $0x108  }
0x21: {  	s3 =	sadd.s32 s3, s9;
	s6 =	sadd.s32 @!p0 $0x88, s6;
	s7 =	simm.s32 @p2 $0x1082  }
0x22: {  	[simem:s7], [sflag:s8] =	dma.local @!p0 [hbm:s6], $0xF7A  }
0x23: {  	s9 =	sor.u32 $0xD0000000, s2;
	s6 =	simm.s32 $0x108;
	_ =	swait.ge @!p0 [sflag:s8], $0x0  }
0x24: {  	s3 =	sadd.s32 $0x88, s3;
	s6 =	simm.s32 @!p1 $0x1082;
	[sflag:s4] =	ssyncset.s32 $0xFFFFF086  }
0x25: {  	[simem:s6], [sflag:s4] =	dma.local [hbm:s3], $0xF7A  }
0x26: {  	[smem:$0x3F8B] =	sst s1;
	(tag) =	ssettag s2;
	_ =	strace s9  }
0x27: {  	s1 =	sld [smem:$0x3F9B]  }
0x28: {  	s2 =	sld [smem:$0x3F9C]  }
0x29: {  	s4 =	sld [smem:$0x3F9E]  }
0x2a: {  	p0 =	seq.s32 s5, $0x0;
	s5 =	sld [smem:$0x3F9F]  }
0x2b: {  	s6 =	sld [smem:$0x3FA0]  }
0x2c: {  	s7 =	sld [smem:$0x3FA1]  }
0x2d: {  	s3 =	simm.s32 $0x108;
	s8 =	sld [smem:$0x3FA2]  }
0x2e: {  	s3 =	simm.s32 @!p0 $0x1082;
	s9 =	sld [smem:$0x3FA3]  }
0x2f: {  	lr =	sadd.s32 s0, s3;
	s0 =	sld [smem:$0x3F9A]  }
0x30: {  	s3 =	sld [smem:$0x3F9D]  }
0x31: {  	[smem:$0x3FA6] =	sst s10  }
0x32: {  	s10 =	sld [smem:$0x3FA4];
	_ =	sdelay $0x3  }
0x33: {  	p0 =	seq.s32 s10, $0x1;
	s10 =	sld [smem:$0x3FA6];
	_ =	sdelay $0x3  }
0x34: {  	[smem:$0x3FA6] =	sst s10  }
0x35: {  	s10 =	sld [smem:$0x3FA5];
	_ =	sdelay $0x3  }
0x36: {  	p1 =	seq.s32 s10, $0x1;
	s10 =	sld [smem:$0x3FA6];
	_ =	sdelay $0x3  }
0x37: {  	[smem:$0x3FA6] =	sst s10  }
0x38: {  	s10 =	sld [smem:$0x3FA7]  }
0x39: {  	_ = 	snop;
	(pc) =	sbr.ind lr, $3  }
0x3a: {  	_ = 	snop  }
0x3b: {  	_ = 	snop  }
0x3c: {  	p2 =	seq.s32 s10, $0x1;
	s10 =	sld [smem:$0x3FA6]  }
0x3d: {  	_ =	shalt  }
0x3e: {  	_ =	shalt  }
0x3f: {  	_ =	shalt  }
0x40: {  	_ =	shalt  }
0x41: {  	_ =	shalt  }
0x42: {  	_ =	shalt  }
0x43: {  	_ =	shalt  }
0x44: {  	_ =	shalt  }
0x45: {  	_ =	shalt  }
0x46: {  	_ =	shalt  }
0x47: {  	_ =	shalt  }
0x48: {  	_ =	shalt  }
0x49: {  	_ =	shalt  }
0x4a: {  	_ =	shalt  }
0x4b: {  	_ =	shalt  }
0x4c: {  	_ =	shalt  }
0x4d: {  	_ =	shalt  }
0x4e: {  	_ =	shalt  }
0x4f: {  	_ =	shalt  }
0x50: {  	_ =	shalt  }
0x51: {  	_ =	shalt  }
0x52: {  	_ =	shalt  }
0x53: {  	_ =	shalt  }
0x54: {  	_ =	shalt  }
0x55: {  	_ =	shalt  }
0x56: {  	_ =	shalt  }
0x57: {  	_ =	shalt  }
0x58: {  	_ =	shalt  }
0x59: {  	_ =	shalt  }
0x5a: {  	_ =	shalt  }
0x5b: {  	_ =	shalt  }
0x5c: {  	_ =	shalt  }
0x5d: {  	_ =	shalt  }
0x5e: {  	_ =	shalt  }
0x5f: {  	_ =	shalt  }
0x60: {  	_ =	shalt  }
0x61: {  	_ =	shalt  }
0x62: {  	_ =	shalt  }
0x63: {  	_ =	shalt  }
0x64: {  	_ =	shalt  }
0x65: {  	_ =	shalt  }
0x66: {  	_ =	shalt  }
0x67: {  	_ =	shalt  }
0x68: {  	_ =	shalt  }
0x69: {  	_ =	shalt  }
0x6a: {  	_ =	shalt  }
0x6b: {  	_ =	shalt  }
0x6c: {  	_ =	shalt  }
0x6d: {  	_ =	shalt  }
0x6e: {  	_ =	shalt  }
0x6f: {  	_ =	shalt  }
0x70: {  	_ =	shalt  }
0x71: {  	_ =	shalt  }
0x72: {  	_ =	shalt  }
0x73: {  	_ =	shalt  }
0x74: {  	_ =	shalt  }
0x75: {  	_ =	shalt  }
0x76: {  	_ =	shalt  }
0x77: {  	_ =	shalt  }
0x78: {  	_ =	shalt  }
0x79: {  	_ =	shalt  }
0x7a: {  	_ =	shalt  }
0x7b: {  	_ =	shalt  }
0x7c: {  	_ =	shalt  }
0x7d: {  	_ =	shalt  }
0x7e: {  	_ =	shalt  }
0x7f: {  	_ =	shalt  }
0x80: {  	_ =	shalt  }
0x81: {  	_ =	shalt  }
0x82: {  	_ =	shalt  }
0x83: {  	_ =	shalt  }
0x84: {  	_ =	shalt  }
0x85: {  	_ =	shalt  }
0x86: {  	_ =	shalt  }
0x87: {  	_ =	shalt  }
.Lfunc_end0:
.L_simem_size_0:
called_computation.3_lowered:
.L_overlay_start_0:
0x88: {  	s2 =	sld [smem:$0x3FD9]  }
0x89: {  	s3 =	sld [smem:$0x3FFE];
	_ =	sdelay $0x1  }
0x8a: {  	s1 =	srdreg.scid  }
0x8b: {  	s0 =	sand.u32 $0x1, s1  }
0x8c: {  	s16 =	sshll.u32 s0, $0xA;
	s2 =	sadd.s32 s3, s2  }
0x8d: {  	s2 =	sadd.s32 s2, s16  }
0x8e: {  	[smem:$0x3FB2] =	sst s2  }
0x8f: {  	_ = 	snop  }
0x90: {  	(tm) =	ssettm $0x1  }
0x91: {  	s17 =	sld [smem:$0x3FFB];
	_ =	sdelay $0x3  }
0x92: {  	_ =	strace s17  }
0x93: {  	s2 =	sld [smem:$0x3FFC];
	_ =	sdelay $0x3  }
0x94: {  	_ =	strace s2  }
0x95: {  	s2 =	sld [smem:$0x3FFD];
	_ =	sdelay $0x3  }
0x96: {  	_ =	strace s2  }
0x97: {  	_ =	strace $0x8FFFFFFF  }
0x98: {  	s18 =	sld [smem:$0x3FDB];
	_ =	sdelay $0x1  }
0x99: {  	s19 =	simm.s32 $_scs_section_size  }
0x9a: {  	s4 =	simm.s32 $_size__tile_overlayer_lowered;
	s5 =	simm.s32 $_tile_overlayer_lowered  }
0x9b: {  	s22 =	simm.s32 $0x1BFF;
	s21 =	sshll.u32 s5, $0x1;
	s2 =	sadd.s32 s19, s18  }
0x9c: {  	s6 =	simm.s32 $0x0;
	s20 =	sshll.u32 s4, $0x1;
	s4 =	sadd.s32 s21, s2  }
0x9d: {  	[timem:s6], [sflag:s22] =	dma.local [hbm:s4], s20  }
0x9e: {  	_ =	swait.ge [sflag:s22], s20  }
0x9f: {  	s3 =	ssub.s32 $0x0, s20;
	[sflag:s22] =	ssyncset.done $0x0  }
0xa0: {  	[sflag:s22] =	ssyncadd.s32 s3;
	_ =	sdelay $0x1  }
0xa1: {  	s23 =	simm.s32 $0x1B8B  }
0xa2: {  	_ =	swait.ge [sflag:s23], $0x1  }
0xa3: {  	[sflag:s23] =	ssyncset.done $0x0  }
0xa4: {  	s25 =	simm.s32 $0x1B8E;
	s24 =	sld [smem:$0x3FFE];
	[sflag:s23] =	ssyncadd.s32 $0xFFFFFFFF  }
0xa5: {  	s26 =	simm.s32 $execute0_lowered;
	[smem:$0x3FD2] =	sst s25  }
0xa6: {  	s4 =	sshll.u32 s26, $0x1;
	_ =	strace $0x8000004F;
	[dreg:$0x1] =	wrdreg $0xFFFFFFFF  }
0xa7: {  	s28 =	simm.s32 $_size_execute0_lowered;
	s2 =	sadd.s32 s2, s4;
	[dreg:$0x0] =	wrdreg $0x0  }
0xa8: {  	s4 =	sshll.u32 s28, $0x1;
	[dreg:$0x2] =	wrdreg s2  }
0xa9: {  	[dreg:$0x3] =	wrdreg s4  }
0xaa: {  	[dreg:$0x4] =	wrdreg $0xC0  }
0xab: {  	_ =	task [dreg:s6], $0x5FFFF  }
0xac: {  	[dreg:$0x1] =	wrdreg $0xFFFFFFFF  }
0xad: {  	[dreg:$0x0] =	wrdreg $0x60  }
0xae: {  	[dreg:$0x2] =	wrdreg s24  }
0xaf: {  	[dreg:$0x3] =	wrdreg $0x47000  }
0xb0: {  	[dreg:$0x4] =	wrdreg $0x9  }
0xb1: {  	_ =	task.clear_ibuf [dreg:s6], $0x5FFFF;
	_ =	strace $0x9000004F  }
0xb2: {  	s29 =	simm.s32 $0x9;
	_ =	strace $0x80000051  }
0xb3: {  	_ =	swait.ge [sflag:s29], $0x1  }
0xb4: {  	[sflag:s29] =	ssyncadd.s32 $0xFFFFFFFF  }
0xb5: {  	_ =	strace $0x90000051  }
0xb6: {  	_ =	sfence  }
0xb7: {  	s30 =	sld [smem:$0x0];
	_ =	sdelay $0x2  }
0xb8: {  	s31 =	sshll.u32 s1, $0xD;
	s1 =	sshrl.u32 s1, $0x2  }
0xb9: {  	s3 =	sand.u32 $0x4000, s31;
	s1 =	sadd.s32 s1, s30  }
0xba: {  	s0 =	sor.u32 s3, s0;
	s1 =	sshll.u32 s1, $0x11  }
0xbb: {  	s0 =	sor.u32 s1, s0  }
0xbc: {  	s0 =	sadd.s32 $0x8F2B, s0  }
0xbd: {  	[sflag:s0] =	ssyncadd.remote.s32 $0x1  }
0xbe: {  	_ =	sfence.sel $0xFFFF  }
0xbf: {  	[dreg:$0x0] =	wrdreg $0xFFFFFFFF;
	(pc) =	sbr.abs _section_cstart, $3  }
0xc0: {  	[dreg:$0x1] =	wrdreg $0xFFFFFFFF  }
0xc1: {  	_ =	task.clear_ibuf [dreg:s6], $0x2FFFF;
	_ =	strace $0x9FFFFFFF  }
0xc2: {  	(tm) =	ssettm $0x7FFFFFFF  }
0xc3: {  	_ =	shalt  }
tec
execute0_lowered:
.L_overlay_start_1:
0x0: {  	(tag) =	ssettag $0x1  }
0x1: {  	s6 =	rddreg [dreg:$0x0]  }
0x2: {  	s2 =	rddreg [dreg:$0x1]  }
0x3: {  	s0 =	rddreg [dreg:$0x2];
	s3 =	simm.s32 $0x0;
	s1 =	stileid.u32  }
0x4: {  	s5 =	srdreg.scid;
	s13 =	simm.s32 $0x80;
	[smem:$0x7FF] =	sst s3  }
0x5: {  	s7 =	smul.u32 $0x3E80, s1;
	s4 =	sadd.s32 $0x62400, s6;
	s11 =	sand.u32 $0x1, s5  }
0x6: {  	s5 =	sadd.s32 $0xA200, s6;
	s25 =	sshll.u32 s1, $0x1;
	s29 =	sshll.u32 s1, $0x8  }
0x7: {  	s31 =	sshll.u32 s1, $0x9;
	p0 =	sgt.u32 s1, $0x9;
	_ =	strace $0x80000050  }
0x8: {  	s8 =	smul.u32 $0x4E20, s11;
	s9 =	ssub.s32 $0x2, s11;
	s26 =	sor.u32 s25, s11  }
0x9: {  	s30 =	sshll.u32 s11, $0x7;
	s11 =	sshll.u32 s11, $0x8;
	s14 =	sshrl.u32 s7, $0x3  }
0xa: {  	s12 =	sshrl.u32 s9, $0x1;
	s7 =	sadd.s32 s7, s2;
	s28 =	ssub.s32 $0x501, s26  }
0xb: {  	s11 =	sor.u32 s11, s31;
	s10 =	sadd.s32 s14, s6;
	s8 =	sadd.s32 s8, s6  }
0xc: {  	s9 =	ssub.s32 s9, s12;
	s12 =	simm.s32 $0x1;
	s6 =	sadd.s32 $0x5D400, s10  }
0xd: {  	s15 =	sadd.s32 $0x22C00, s8;
	s8 =	smax.u32 s9, $0x1;
	s9 =	sshrl.u32 s28, $0x5  }
0xe: {  	s10 =	sor.u32 s30, s29;
	s14 =	sadd.s32 @!p0 s14, s15;
	s15 =	simm.s32 $0x0  }
.LBB2_1:
0xf: {  	s17 =	simm.s32 @!p0 $0x0;
	s18 =	simm.s32 @!p0 $0x880;
	s16 =	simm.s32 @!p0 $0x1  }
0x10: {  	[tilespmem:s18], [sflag:$0x1] =	stream.linear.gather @!p0 [hbm4b:s6+s17], $0x3E80, $0x38;
	[tilespmem:$0x6E10] =	vst v63  }
0x11: {  	_ =	swait.ge @!p0 [sflag:s16], $0x3E80  }
0x12: {  	[sflag:s16] =	ssyncset.done @!p0 $0x0  }
0x13: {  	p2 =	sne.s32 s9, $0x1;
	[sflag:s16] =	ssyncadd.s32 @!p0 $0xFFFFC180  }
0x14: {  	[spmem:s7] =	stream.linear.scatter @!p0 [tilespmem:s18], [sflag:$0x1], $0x3E80, $0x38;
	[tilespmem:$0x6E10] =	vst v63  }
.Ltmp0:
0x15: {  	_ =	swait.ge @!p0 [sflag:s16], $0x3E80;
	(pc) =	sbr.rel @!p2 .LBB2_2-.Ltmp0, $4  }
0x16: {  	[sflag:s16] =	ssyncset.done @!p0 $0x0  }
0x17: {  	[sflag:s16] =	ssyncadd.s32 @!p0 $0xFFFFC180  }
0x18: {  	[bflag:$0x0] =	sbarrier.arrive $0xFFFF  }
0x19: {  	s19 =	sadd.s32 $0xFFFFFFFF, s9;
	s22 =	sshrl.u32 s10, $0x3;
	p1 =	por $0x0, $0x0  }
0x1a: {  	s20 =	sadd.s32 s5, s22  }
0x1b: {  	[tilespmem:s3], [sflag:$0x1] =	stream.linear.gather [hbm4b:s20+s3], $0x80, $0x38;
	[tilespmem:$0x6E10] =	vst v63  }
0x1c: {  	_ =	swait.ge [sflag:s12], $0x80  }
0x1d: {  	s31 =	sand.u32 $0x1FFFFF00, s11;
	[sflag:s12] =	ssyncset.done $0x0  }
0x1e: {  	s20 =	sadd.s32 s4, s31;
	[sflag:s12] =	ssyncadd.s32 $0xFFFFFF80  }
0x1f: {  	[tilespmem:s13], [sflag:$0x1] =	stream.linear.gather [hbm4b:s20+s3], $0x800, $0x38;
	[tilespmem:$0x6E10] =	vst v63  }
0x20: {  	p2 =	sne.s32 s19, $0x1;
	_ =	swait.ge [sflag:s12], $0x800  }
.Ltmp1:
0x21: {  	[sflag:s12] =	ssyncset.done $0x0;
	(pc) =	sbr.rel @!p2 .LBB2_4-.Ltmp1, $4  }
0x22: {  	s21 =	sadd.s32 $0x1000, s10;
	[sflag:s12] =	ssyncadd.s32 $0xFFFFF800  }
0x23: {  	[spmem:s2] =	stream.indirect.scatter.add.f32 [tilespmem:s13], [sflag:$0x1], $0x10, s3, s13, $0xb8;
	[tilespmem:$0x6E10] =	vst v63  }
0x24: {  	p1 =	por $0x1, $0x1;
	s22 =	sshrl.u32 s21, $0x3;
	_ =	swait.ge [sflag:s12], $0x800  }
0x25: {  	s20 =	sadd.s32 $0xFFFFFFFF, s19;
	s19 =	smov.u32 s11;
	[sflag:s12] =	ssyncset.done $0x0  }
.LBB2_5:
0x26: {  	s22 =	sadd.s32 s5, s22;
	[sflag:s12] =	ssyncadd.s32 $0xFFFFF800;
	s19 =	sadd.s32 $0x2000, s19  }
0x27: {  	[tilespmem:s3], [sflag:$0x1] =	stream.linear.gather [hbm4b:s22+s3], $0x80, $0x38;
	[tilespmem:$0x6E10] =	vst v63  }
0x28: {  	p2 =	sne.s32 s20, $0x1;
	s20 =	sadd.s32 $0xFFFFFFFF, s20;
	_ =	swait.ge [sflag:s12], $0x80  }
0x29: {  	s22 =	sand.u32 $0x1FFFFF00, s19;
	[sflag:s12] =	ssyncset.done $0x0  }
0x2a: {  	s22 =	sadd.s32 s4, s22;
	[sflag:s12] =	ssyncadd.s32 $0xFFFFFF80  }
0x2b: {  	[tilespmem:s13], [sflag:$0x1] =	stream.linear.gather [hbm4b:s22+s3], $0x800, $0x38;
	[tilespmem:$0x6E10] =	vst v63  }
0x2c: {  	_ =	swait.ge [sflag:s12], $0x800  }
.Ltmp2:
0x2d: {  	[sflag:s12] =	ssyncset.done $0x0;
	(pc) =	sbr.rel @p2 .LBB2_5-.Ltmp2, $4  }
0x2e: {  	[sflag:s12] =	ssyncadd.s32 $0xFFFFF800  }
0x2f: {  	[spmem:s2] =	stream.indirect.scatter.add.f32 [tilespmem:s13], [sflag:$0x1], $0x10, s3, s13, $0xb8;
	[tilespmem:$0x6E10] =	vst v63  }
0x30: {  	s21 =	sadd.s32 $0x1000, s21;
	_ =	swait.ge [sflag:s12], $0x800  }
0x31: {  	s22 =	sshrl.u32 s21, $0x3;
	[sflag:s12] =	ssyncset.done $0x0  }
.LBB2_6:
0x32: {  	s20 =	sadd.s32 s5, s22;
	[sflag:s12] =	ssyncadd.s32 @p1 $0xFFFFF800  }
0x33: {  	[tilespmem:s3], [sflag:$0x1] =	stream.linear.gather [hbm4b:s20+s3], $0x80, $0x38;
	[tilespmem:$0x6E10] =	vst v63  }
0x34: {  	s19 =	sadd.s32 @p1 $0x2000, s19;
	s20 =	smov.u32 s11  }
0x35: {  	_ =	swait.ge [sflag:s12], $0x80;
	s20 =	smov.u32 @p1 s19  }
0x36: {  	[sflag:s12] =	ssyncset.done $0x0;
	s19 =	sand.u32 $0x1FFFFF00, s20  }
0x37: {  	[sflag:s12] =	ssyncadd.s32 $0xFFFFFF80;
	s19 =	sadd.s32 s4, s19  }
0x38: {  	[tilespmem:s13], [sflag:$0x1] =	stream.linear.gather [hbm4b:s19+s3], $0x800, $0x38;
	[tilespmem:$0x6E10] =	vst v63  }
0x39: {  	_ =	swait.ge [sflag:s12], $0x800  }
0x3a: {  	[sflag:s12] =	ssyncset.done $0x0  }
0x3b: {  	[sflag:s12] =	ssyncadd.s32 $0xFFFFF800  }
0x3c: {  	[spmem:s2] =	stream.indirect.scatter.add.f32 [tilespmem:s13], [sflag:$0x1], $0x10, s3, s13, $0xb8;
	[tilespmem:$0x6E10] =	vst v63  }
0x3d: {  	_ =	swait.ge [sflag:s12], $0x800  }
0x3e: {  	[sflag:s12] =	ssyncset.done $0x0  }
0x3f: {  	[sflag:s12] =	ssyncadd.s32 $0xFFFFF800  }
0x40: {  	[bflag:$0x0] =	sbarrier.arrive $0xFFFF  }
0x41: {  	[tilespmem:s18], [sflag:$0x1] =	stream.linear.gather @!p0 [spmem:s7], $0x3E80, $0x38;
	[tilespmem:$0x6E10] =	vst v63  }
0x42: {  	_ =	swait.ge @!p0 [sflag:s16], $0x3E80  }
0x43: {  	s15 =	sadd.s32 $0x1, s15;
	[sflag:s16] =	ssyncset.done @!p0 $0x0  }
0x44: {  	p1 =	sne.s32 s15, s8;
	[sflag:s16] =	ssyncadd.s32 @!p0 $0xFFFFC180  }
0x45: {  	[hbm4b:s14+s17] =	stream.linear.scatter @!p0 [tilespmem:s18], [sflag:$0x1], $0x3E80, $0x38;
	[tilespmem:$0x6E10] =	vst v63  }
.Ltmp3:
0x46: {  	_ = 	snop;
	(pc) =	sbr.rel @p1 .LBB2_1-.Ltmp3, $4  }
.Ltmp4:
0x47: {  	_ = 	snop;
	(pc) =	sbr.rel @!p1 .LBB2_7-.Ltmp4, $4  }
0x48: {  	_ =	swait.ge @!p0 [sflag:s16], $0x3E80  }
0x49: {  	[sflag:s16] =	ssyncset.done @!p0 $0x0  }
0x4a: {  	[sflag:s16] =	ssyncadd.s32 @!p0 $0xFFFFC180  }
0x4b: {  	_ = 	snop  }
.LBB2_2:
.Ltmp5:
0x4c: {  	(pc) =	sbr.rel .LBB2_6-.Ltmp5, $2  }
0x4d: {  	_ =	sdelay $0x2  }
0x4e: {  	s19 =	smov.u32 s11  }
.LBB2_4:
.Ltmp6:
0x4f: {  	(pc) =	sbr.rel .LBB2_6-.Ltmp6, $2  }
0x50: {  	_ =	sdelay $0x2  }
0x51: {  	s19 =	smov.u32 s11  }
.LBB2_7:
0x52: {  	_ =	sfence.sel $0x180000  }
0x53: {  	[bflag:$0x0] =	sbarrier.arrive $0xFFFF  }
0x54: {  	p0 =	sne.s32 s1, $0x0;
	_ =	strace $0x90000050  }
0x55: {  	s0 =	sadd.s32 @!p0 $0x100000, s0;
	[bflag:$0x2] =	sbarrier.arrive $0xFFFF  }
0x56: {  	[sflag:s0] =	ssyncadd.tile.s32 @!p0 $0x1;
	_ =	shalt  }
.Lfunc_end2:
_tile_overlayer_lowered:
.L_overlay_start_2:
0x57: {  	(tag) =	ssettag $0x2  }
0x58: {  	s0 =	rddreg [dreg:$0x0];
	s2 =	stileid.u32  }
0x59: {  	s1 =	rddreg [dreg:$0x1];
	p0 =	sne.s32 s2, $0x0  }
0x5a: {  	s3 =	rddreg [dreg:$0x2];
	[bflag:$0x3] =	sbarrier.arrive $0xFFFF;
	s2 =	simm.s32 @!p0 $0x1C01  }
0x5b: {  	[timem:s3], [sflag:s2] =	dma.local @!p0 [hbm:s0], s1  }
0x5c: {  	s0 =	simm.s32 @!p0 $0x1  }
0x5d: {  	_ =	swait.ge @!p0 [sflag:s0], s1  }
0x5e: {  	s1 =	ssub.s32 @!p0 $0x0, s1;
	[sflag:s0] =	ssyncset.done @!p0 $0x0  }
0x5f: {  	[sflag:s0] =	ssyncadd.s32 @!p0 s1  }
0x60: {  	[bflag:$0x3] =	sbarrier.arrive $0xFFFF  }
0x61: {  	_ =	shalt  }

</sc_bundles>
